<compile_context>
chip_gen: v7x
topology: tpu7x:2x2x1
jax: 0.10.2.dev20260603
libtpu: 0.0.44.dev20260713+nightly
codegen_flags: <defaults>
</compile_context>

<pallas_src>
import functools

import jax
import jax.numpy as jnp
import numpy as np
from jax import lax
from jax.experimental import pallas as pl
from jax.experimental.pallas import tpu as pltpu
from jax.experimental.pallas import tpu_sc as plsc

N_NODES = 10000
N_EDGES = 320000
FEAT_DIM = 128
TIME_DIM = 128
N_HEAD = 4
K_NGH = 20
Q_DIM = FEAT_DIM + TIME_DIM
K_DIM = FEAT_DIM + FEAT_DIM + TIME_DIM
D_HEAD = Q_DIM // N_HEAD

_E_NP = np.zeros((Q_DIM, N_HEAD), dtype=np.float32)
for _h in range(N_HEAD):
    _E_NP[_h * D_HEAD:(_h + 1) * D_HEAD, _h] = 1.0

_RB = 128
_FB = _RB * K_NGH
_L_NP = np.zeros((_FB, 128), dtype=np.float32)
for _f in range(_FB):
    _L_NP[_f, _f % 128] = 1.0

_INV2PI = 0.15915494309189535
_COS_COEF = (0.9999999999190519, -19.739208758070983, 64.93939010304335,
             -85.45668509273975, 60.24246091859294, -26.40673585263105,
             7.8065259948731125, -1.4608429364038422)
def _fast_cos_rev(t):
    r = t - jnp.round(t)
    u = r * r
    acc = jnp.float32(_COS_COEF[-1])
    for c in _COS_COEF[-2::-1]:
        acc = acc * u + jnp.float32(c)
    return acc


def _attn_body(R, sc_ref, sf_ref, ngh_ref, edge_ref, d_ref, m_ref,
               wq_ref, wkv_ref, wo_ref, w1_ref, b1_ref, w2_ref, b2_ref,
               freq_ref, phase_ref, e_ref, et_ref, l_ref, out_ref):
    F = R * K_NGH
    lmat = l_ref[...]

    def expand(pk):
        y = jnp.broadcast_to(pk[:, None, :], (F // 128, 128, 128)).reshape(F, 128)
        return jnp.sum(y * lmat, axis=1, keepdims=True)

    delta = expand(d_ref[0])
    mask = expand(m_ref[0])
    tenc = _fast_cos_rev(delta * freq_ref[...] + phase_ref[...])
    kmat = jnp.concatenate([ngh_ref[...], edge_ref[...], tenc], axis=1)
    kv = jnp.dot(kmat, wkv_ref[...], preferred_element_type=jnp.float32)
    k = kv[:, :Q_DIM]
    v = kv[:, Q_DIM:]
    srct = _fast_cos_rev(phase_ref[...])
    qb = jnp.dot(srct, wq_ref[...][FEAT_DIM:, :], preferred_element_type=jnp.float32)
    qh = jnp.dot(sc_ref[...], wq_ref[...][:FEAT_DIM, :], preferred_element_type=jnp.float32) + qb
    qexp = jnp.broadcast_to(qh.reshape(R, 1, Q_DIM), (R, K_NGH, Q_DIM)).reshape(F, Q_DIM)
    p = k * qexp
    scores = jnp.dot(p, e_ref[...], preferred_element_type=jnp.float32) * (1.0 / 8.0)
    scores = jnp.where(mask > 0.5, jnp.float32(-1e10), scores)
    s3 = scores.reshape(R, K_NGH, N_HEAD)
    m = jnp.max(s3, axis=1, keepdims=True)
    ex = jnp.exp(s3 - m)
    ssum = jnp.sum(ex, axis=1, keepdims=True)
    attn = (ex / ssum).reshape(F, N_HEAD)
    aexp = jnp.dot(attn, et_ref[...], preferred_element_type=jnp.float32)
    ctx = (aexp * v).reshape(R, K_NGH, Q_DIM).sum(axis=1)
    local = jnp.dot(ctx, wo_ref[...], preferred_element_type=jnp.float32)
    h = jnp.concatenate([local, sf_ref[...]], axis=1)
    h = jnp.dot(h, w1_ref[...], preferred_element_type=jnp.float32) + b1_ref[...]
    h = jnp.maximum(h, 0.0)
    out_ref[...] = jnp.dot(h, w2_ref[...], preferred_element_type=jnp.float32) + b2_ref[...]


def _attn_layer(B, srcconv, srcfeat, nghfeat, edgefeat, d_pk, m_pk,
                Wq, Wkv, Wo, mW1, mb1, mW2, mb2, freq, phase, pk_off=0):
    R = _RB
    F = R * K_NGH
    grid = (B // R,)

    def row_spec(off):
        assert off % R == 0
        ob = off // R
        return pl.BlockSpec((R, FEAT_DIM), lambda i: (ob + i, 0))

    def flat_spec(off):
        assert off % F == 0
        ob = off // F
        return pl.BlockSpec((F, FEAT_DIM), lambda i: (ob + i, 0))

    pk_ob = pk_off
    pk_spec = pl.BlockSpec((1, F // 128, 128), lambda i: (pk_ob + i, 0, 0))
    full = lambda a: pl.BlockSpec(a.shape, lambda i: tuple(0 for _ in a.shape))
    consts = (Wq, Wkv, Wo, mW1, mb1, mW2, mb2, freq, phase,
              jnp.asarray(_E_NP), jnp.asarray(_E_NP.T), jnp.asarray(_L_NP))
    return pl.pallas_call(
        functools.partial(_attn_body, R),
        grid=grid,
        in_specs=[row_spec(srcconv[1]), row_spec(srcfeat[1]),
                  flat_spec(nghfeat[1]), flat_spec(edgefeat[1]),
                  pk_spec, pk_spec] + [full(c) for c in consts],
        out_specs=pl.BlockSpec((R, FEAT_DIM), lambda i: (i, 0)),
        out_shape=jax.ShapeDtypeStruct((B, FEAT_DIM), jnp.float32),
    )(srcconv[0], srcfeat[0], nghfeat[0], edgefeat[0], d_pk, m_pk, *consts)


_NW = 32


def _pick_chunk(bpw):
    for c in range(min(bpw, 128), 7, -1):
        if bpw % c == 0 and c % 8 == 0:
            return c
    return bpw


def _sc_gather(table, idx):
    B = idx.shape[0]
    D = table.shape[1]
    bpw = B // _NW
    C = _pick_chunk(bpw)
    nch = bpw // C
    mesh = plsc.VectorSubcoreMesh(core_axis_name="c", subcore_axis_name="s")

    @functools.partial(
        pl.kernel, mesh=mesh,
        out_type=jax.ShapeDtypeStruct((B, D), table.dtype),
        scratch_types=[
            pltpu.VMEM((bpw,), jnp.int32),
            pltpu.VMEM((2, C, D), table.dtype),
            pltpu.SemaphoreType.DMA,
        ],
    )
    def gk(table_hbm, idx_hbm, out_hbm, idx_v, buf_v, gsem):
        wid = lax.axis_index("s") * 2 + lax.axis_index("c")
        base = wid * bpw
        pltpu.sync_copy(idx_hbm.at[pl.ds(base, bpw)], idx_v)
        cp = pltpu.async_copy(table_hbm.at[idx_v.at[pl.ds(0, C)]],
                              buf_v.at[0], gsem)

        def body(g, _):
            slot = lax.rem(g, 2)
            nxt = lax.rem(g + 1, 2)

            @pl.when(g + 1 < nch)
            def _():
                pltpu.async_copy(
                    table_hbm.at[idx_v.at[pl.ds((g + 1) * C, C)]],
                    buf_v.at[nxt], gsem)

            pltpu.make_async_copy(table_hbm.at[idx_v.at[pl.ds(0, C)]],
                                  buf_v.at[slot], gsem).wait()
            pltpu.sync_copy(buf_v.at[slot], out_hbm.at[pl.ds(base + g * C, C)])
            return 0

        lax.fori_loop(0, nch, body, 0)

    return gk(table, idx)


def kernel(src_idx_l, target_idx_l, edge_idxs, cut_time_l, node_raw_features,
           edge_raw_features, ngh_node_table, ngh_eidx_table, ngh_ts_table,
           time_basis_freq, time_phase, Wq, Wk, Wv, Wo, merge_W1, merge_b1,
           merge_W2, merge_b2, aff_W1, aff_b1, aff_W2, aff_b2):
    B2 = src_idx_l.shape[0]
    freq = time_basis_freq.reshape(1, TIME_DIM) * _INV2PI
    phase = time_phase.reshape(1, TIME_DIM) * _INV2PI

    ctable = jnp.concatenate(
        [ngh_node_table, ngh_eidx_table,
         lax.bitcast_convert_type(ngh_ts_table, jnp.int32),
         jnp.zeros((ngh_node_table.shape[0], 68), jnp.int32)], axis=1)

    tbl2 = _sc_gather(ctable, src_idx_l)
    ngh2 = tbl2[:, :K_NGH]
    eidx2 = tbl2[:, K_NGH:2 * K_NGH]
    ts2 = lax.bitcast_convert_type(tbl2[:, 2 * K_NGH:3 * K_NGH], jnp.float32)

    idx1 = jnp.concatenate([ngh2.reshape(-1), src_idx_l])
    t1 = jnp.concatenate([ts2.reshape(-1), cut_time_l])
    B1 = idx1.shape[0]
    NGH2F = B2 * K_NGH

    tbl1 = _sc_gather(ctable, idx1)
    ngh1 = tbl1[:, :K_NGH]
    eidx1 = tbl1[:, K_NGH:2 * K_NGH]
    ts1 = lax.bitcast_convert_type(tbl1[:, 2 * K_NGH:3 * K_NGH], jnp.float32)

    H = B1 // 2
    HF = H * K_NGH
    nodefeatA = _sc_gather(node_raw_features,
                           jnp.concatenate([ngh1[:H].reshape(-1), idx1[:H]]))
    edgefeatA = _sc_gather(edge_raw_features, eidx1[:H].reshape(-1))
    nodefeatB = _sc_gather(node_raw_features,
                           jnp.concatenate([ngh1[H:].reshape(-1), idx1[H:]]))
    edgefeatB = _sc_gather(edge_raw_features,
                           jnp.concatenate([eidx1[H:].reshape(-1),
                                            eidx2.reshape(-1)]))

    Wkv0 = jnp.concatenate([Wk[0], Wv[0]], axis=1)
    Wkv1 = jnp.concatenate([Wk[1], Wv[1]], axis=1)

    d1_pk = (t1[:, None] - ts1).reshape(-1, K_NGH, 128)
    m1_pk = (ngh1 == 0).astype(jnp.float32).reshape(-1, K_NGH, 128)

    w0 = (Wq[0], Wkv0, Wo[0], merge_W1[0], merge_b1[0].reshape(1, -1),
          merge_W2[0], merge_b2[0].reshape(1, -1), freq, phase)
    out1a = _attn_layer(H, (nodefeatA, HF), (nodefeatA, HF), (nodefeatA, 0),
                        (edgefeatA, 0), d1_pk, m1_pk, *w0)
    out1b = _attn_layer(H, (nodefeatB, HF), (nodefeatB, HF), (nodefeatB, 0),
                        (edgefeatB, 0), d1_pk, m1_pk, *w0,
                        pk_off=HF // _FB)
    out1 = jnp.concatenate([out1a, out1b])

    d2_pk = (cut_time_l[:, None] - ts2).reshape(-1, K_NGH, 128)
    m2_pk = (ngh2 == 0).astype(jnp.float32).reshape(-1, K_NGH, 128)

    out2 = _attn_layer(B2, (out1, NGH2F), (nodefeatB, HF + H - B2),
                       (out1, 0), (edgefeatB, HF), d2_pk, m2_pk,
                       Wq[1], Wkv1, Wo[1], merge_W1[1],
                       merge_b1[1].reshape(1, -1), merge_W2[1],
                       merge_b2[1].reshape(1, -1), freq, phase)
    return out2

# --- scband reference (transcript-rebuilt; emitter-appended) ---
"""Pipeline reference for scband-tgan-37632503448222 (READ-ONLY COPY).

The authoritative reference and input builder live on the scoring server;
editing this copy changes nothing except your own understanding.
"""

import jax, jax.numpy as jnp
import numpy as np

N_NODES = 10000
N_EDGES = 320000
FEAT_DIM = 128
TIME_DIM = 128
NUM_LAYERS = 2
N_HEAD = 4
K_NGH = 20
BATCH = 512
Q_DIM = FEAT_DIM + TIME_DIM
K_DIM = FEAT_DIM + FEAT_DIM + TIME_DIM
D_HEAD = Q_DIM // N_HEAD


def setup_inputs(seed: int = 0) -> dict:
    key = jax.random.key(seed)
    ks = jax.random.split(key, 20)
    inp = {}
    inp['src_idx_l'] = jax.random.randint(ks[0], (BATCH,), 0, N_NODES)
    inp['target_idx_l'] = jax.random.randint(ks[1], (BATCH,), 0, N_NODES)
    inp['edge_idxs'] = jax.random.randint(ks[2], (BATCH,), 0, N_EDGES)
    inp['cut_time_l'] = jax.random.uniform(ks[3], (BATCH,), dtype=jnp.float32) * 10000.0
    inp['node_raw_features'] = jax.random.normal(ks[4], (N_NODES, FEAT_DIM), dtype=jnp.float32)
    inp['edge_raw_features'] = jax.random.normal(ks[5], (N_EDGES, FEAT_DIM), dtype=jnp.float32)
    inp['ngh_node_table'] = jax.random.randint(ks[6], (N_NODES, K_NGH), 0, N_NODES)
    inp['ngh_eidx_table'] = jax.random.randint(ks[7], (N_NODES, K_NGH), 0, N_EDGES)
    inp['ngh_ts_table'] = jax.random.uniform(ks[8], (N_NODES, K_NGH), dtype=jnp.float32) * 10000.0
    inp['time_basis_freq'] = jnp.asarray(1.0 / 10 ** np.linspace(0, 9, TIME_DIM), dtype=jnp.float32)
    inp['time_phase'] = jnp.zeros((TIME_DIM,), dtype=jnp.float32)
    inp['Wq'] = jax.random.normal(ks[9], (NUM_LAYERS, Q_DIM, Q_DIM), dtype=jnp.float32) * 0.05
    inp['Wk'] = jax.random.normal(ks[10], (NUM_LAYERS, K_DIM, Q_DIM), dtype=jnp.float32) * 0.05
    inp['Wv'] = jax.random.normal(ks[11], (NUM_LAYERS, K_DIM, Q_DIM), dtype=jnp.float32) * 0.05
    inp['Wo'] = jax.random.normal(ks[12], (NUM_LAYERS, Q_DIM, Q_DIM), dtype=jnp.float32) * 0.05
    inp['merge_W1'] = jax.random.normal(ks[13], (NUM_LAYERS, Q_DIM + FEAT_DIM, FEAT_DIM), dtype=jnp.float32) * 0.05
    inp['merge_b1'] = jnp.zeros((NUM_LAYERS, FEAT_DIM), dtype=jnp.float32)
    inp['merge_W2'] = jax.random.normal(ks[14], (NUM_LAYERS, FEAT_DIM, FEAT_DIM), dtype=jnp.float32) * 0.05
    inp['merge_b2'] = jnp.zeros((NUM_LAYERS, FEAT_DIM), dtype=jnp.float32)
    inp['aff_W1'] = jax.random.normal(ks[15], (2 * FEAT_DIM, FEAT_DIM), dtype=jnp.float32) * 0.05
    inp['aff_b1'] = jnp.zeros((FEAT_DIM,), dtype=jnp.float32)
    inp['aff_W2'] = jax.random.normal(ks[16], (FEAT_DIM, 1), dtype=jnp.float32) * 0.05
    inp['aff_b2'] = jnp.zeros((1,), dtype=jnp.float32)
    return inp


def reference(src_idx_l, target_idx_l, edge_idxs, cut_time_l, node_raw_features, edge_raw_features, ngh_node_table, ngh_eidx_table, ngh_ts_table, time_basis_freq, time_phase, Wq, Wk, Wv, Wo, merge_W1, merge_b1, merge_W2, merge_b2, aff_W1, aff_b1, aff_W2, aff_b2):
    def time_encode(t):
        # TimeEncode: cos(t * basis_freq + phase)
        return jnp.cos(t[..., None] * time_basis_freq + time_phase)

    def tem_conv(src_idx, cut_time, layer):
        src_feat = jnp.take(node_raw_features, src_idx, axis=0)
        if layer == 0:
            return src_feat
        b = src_idx.shape[0]
        src_conv = tem_conv(src_idx, cut_time, layer - 1)
        ngh_nodes = jnp.take(ngh_node_table, src_idx, axis=0)
        ngh_eidx = jnp.take(ngh_eidx_table, src_idx, axis=0)
        ngh_ts = jnp.take(ngh_ts_table, src_idx, axis=0)
        delta = cut_time[:, None] - ngh_ts
        ngh_conv = tem_conv(ngh_nodes.reshape(-1), ngh_ts.reshape(-1), layer - 1).reshape(b, K_NGH, FEAT_DIM)
        src_t = time_encode(jnp.zeros((b,), dtype=jnp.float32))
        ngh_t = time_encode(delta)
        edge_feat = jnp.take(edge_raw_features, ngh_eidx, axis=0)
        l = layer - 1
        q = jnp.concatenate([src_conv, src_t], axis=-1)
        kmat = jnp.concatenate([ngh_conv, edge_feat, ngh_t], axis=-1)
        qh = (q @ Wq[l]).reshape(b, N_HEAD, D_HEAD)
        kh = (kmat @ Wk[l]).reshape(b, K_NGH, N_HEAD, D_HEAD)
        vh = (kmat @ Wv[l]).reshape(b, K_NGH, N_HEAD, D_HEAD)
        scores = jnp.einsum('bhd,bkhd->bhk', qh, kh) / jnp.sqrt(jnp.float32(D_HEAD))
        mask = (ngh_nodes == 0)
        scores = jnp.where(mask[:, None, :], jnp.float32(-1e10), scores)
        attn = jax.nn.softmax(scores, axis=-1)
        local = jnp.einsum('bhk,bkhd->bhd', attn, vh).reshape(b, Q_DIM) @ Wo[l]
        h = jax.nn.relu(jnp.concatenate([local, src_feat], axis=-1) @ merge_W1[l] + merge_b1[l])
        return h @ merge_W2[l] + merge_b2[l]

    src_embed = tem_conv(src_idx_l, cut_time_l, NUM_LAYERS)
    target_embed = tem_conv(target_idx_l, cut_time_l, NUM_LAYERS)
    hh = jax.nn.relu(jnp.concatenate([src_embed, target_embed], axis=-1) @ aff_W1 + aff_b1)
    score = (hh @ aff_W2 + aff_b2).squeeze(-1)
    _ = score  # computed in original forward but not returned
    return src_embed

if __name__ == "__main__":
    import jax
    _d = setup_inputs()
    print(jax.jit(kernel)(*tuple(_d.values())))

</pallas_src>

<mosaic_0001>
#map = affine_map<(d0, d1) -> (0, 0)>
#map1 = affine_map<(d0, d1) -> (0)>
module attributes {stable_mosaic.version = 14 : i64} {
  func.func @gk(%arg0: i32, %arg1: i32, %arg2: memref<320000x128xf32, #tpu.memory_space<hbm>>, %arg3: memref<107520xi32, #tpu.memory_space<hbm>>, %arg4: memref<107520x128xf32, #tpu.memory_space<hbm>>, %arg5: memref<3360xi32, #tpu.memory_space<vmem>>, %arg6: memref<2x120x128xf32, #tpu.memory_space<vmem>>, %arg7: memref<!tpu.dma_semaphore, #tpu.memory_space<semaphore_mem>>) attributes {dimension_semantics = [#tpu.dimension_semantics<core_parallel>, #tpu.dimension_semantics<subcore_parallel>], iteration_bounds = array<i64: 2, 16>, scalar_prefetch = 0 : i64, scratch_operands = 3 : i64, tpu.core_type = #tpu.core_type<sc_vector_subcore>, window_params = [{transform_indices = #map}, {transform_indices = #map1}, {transform_indices = #map}]} {
    %mul3A = arith.constant 2 : i32
    %mul3A_0 = arith.muli %arg1, %mul3A : i32
    %add3A = arith.addi %mul3A_0, %arg0 : i32
    %mul3A_1 = arith.constant 3360 : i32
    %mul3A_2 = arith.muli %add3A, %mul3A_1 : i32
    "tpu.region"() ({
      %run_scoped3A = tpu.sem_alloc : memref<!tpu.dma_semaphore, #tpu.memory_space<semaphore_mem>>
      %dma_start3A_18 = tpu.memref_slice %arg3[%mul3A_2] : memref<107520xi32, #tpu.memory_space<hbm>> -> memref<3360xi32, #tpu.memory_space<hbm>>
      %dma_start3A_19 = tpu.memref_slice %arg3[%mul3A_2] : memref<107520xi32, #tpu.memory_space<hbm>> -> memref<3360xi32, #tpu.memory_space<hbm>>
      tpu.enqueue_dma source(%dma_start3A_19 : memref<3360xi32, #tpu.memory_space<hbm>>) target(%arg5 : memref<3360xi32, #tpu.memory_space<vmem>>) target_semaphore(%run_scoped3A : memref<!tpu.dma_semaphore, #tpu.memory_space<semaphore_mem>>)
      %dma_wait3A = tpu.memref_slice %arg3[%mul3A_2] : memref<107520xi32, #tpu.memory_space<hbm>> -> memref<3360xi32, #tpu.memory_space<hbm>>
      %dma_wait3A_20 = tpu.memref_slice %arg3[%mul3A_2] : memref<107520xi32, #tpu.memory_space<hbm>> -> memref<3360xi32, #tpu.memory_space<hbm>>
      tpu.wait_dma2 semaphore(%run_scoped3A : memref<!tpu.dma_semaphore, #tpu.memory_space<semaphore_mem>>) src(%dma_wait3A_20 : memref<3360xi32, #tpu.memory_space<hbm>>) dst(%arg5 : memref<3360xi32, #tpu.memory_space<vmem>>)
      tpu.yield
    }) : () -> ()
    %dma_start3A = arith.constant 0 : i32
    %dma_start3A_3 = arith.constant 0 : i32
    %dma_start3A_4 = arith.constant 0 : i32
    %dma_start3A_5 = tpu.memref_slice %arg6[%dma_start3A, %dma_start3A_3, %dma_start3A_4] : memref<2x120x128xf32, #tpu.memory_space<vmem>> -> memref<1x120x128xf32, #tpu.memory_space<vmem>>
    %dma_start3A_6 = tpu.memref_squeeze %dma_start3A_5 : memref<1x120x128xf32, #tpu.memory_space<vmem>> -> memref<120x128xf32, #tpu.memory_space<vmem>>
    %dma_start3A_7 = arith.constant 0 : i32
    %dma_start3A_8 = tpu.memref_slice %arg5[%dma_start3A_7] : memref<3360xi32, #tpu.memory_space<vmem>> -> memref<120xi32, #tpu.memory_space<vmem>>
    %dma_start3A_9 = arith.constant 0 : i32
    %dma_start3A_10 = arith.constant 0 : i32
    %dma_start3A_11 = tpu.memref_slice %arg2[%dma_start3A_9, %dma_start3A_10] : memref<320000x128xf32, #tpu.memory_space<hbm>> -> memref<320000x128xf32, #tpu.memory_space<hbm>>
    tpu.enqueue_indirect_dma source(%dma_start3A_11 : memref<320000x128xf32, #tpu.memory_space<hbm>>) target(%dma_start3A_6 : memref<120x128xf32, #tpu.memory_space<vmem>>) offsets(%dma_start3A_8 : memref<120xi32, #tpu.memory_space<vmem>>) semaphore(%arg7 : memref<!tpu.dma_semaphore, #tpu.memory_space<semaphore_mem>>)
    %scan3A = arith.constant 0 : i32
    %scan3A_12 = arith.constant 0 : i32
    %scan3A_13 = arith.constant 28 : i32
    %scan3A_14 = arith.addi %scan3A_12, %scan3A_13 : i32
    %scan3A_15 = arith.constant 1 : i32
    %scan3A_16 = scf.for %scan3A_18 = %scan3A_12 to %scan3A_14 step %scan3A_15 iter_args(%scan3A_19 = %scan3A) -> (i32)  : i32 {
      %rem3A = arith.constant 2 : i32
      %rem3A_20 = arith.remsi %scan3A_18, %rem3A : i32
      %add3A_21 = arith.constant 1 : i32
      %add3A_22 = arith.addi %scan3A_18, %add3A_21 : i32
      %rem3A_23 = arith.constant 2 : i32
      %rem3A_24 = arith.remsi %add3A_22, %rem3A_23 : i32
      %add3A_25 = arith.constant 1 : i32
      %add3A_26 = arith.addi %scan3A_18, %add3A_25 : i32
      %lt3A = arith.constant 28 : i32
      %lt3A_27 = arith.cmpi slt, %add3A_26, %lt3A : i32
      %convert_element_type3A = arith.extui %lt3A_27 : i1 to i32
      %cond3A = arith.constant 0 : i32
      %cond3A_28 = arith.cmpi ne, %convert_element_type3A, %cond3A : i32
      scf.if %cond3A_28 {
        %add3A_41 = arith.constant 1 : i32
        %add3A_42 = arith.addi %scan3A_18, %add3A_41 : i32
        %mul3A_43 = arith.constant 120 : i32
        %mul3A_44 = arith.muli %add3A_42, %mul3A_43 : i32
        %dma_start3A_45 = arith.constant 0 : i32
        %dma_start3A_46 = arith.constant 0 : i32
        %dma_start3A_47 = tpu.memref_slice %arg6[%rem3A_24, %dma_start3A_45, %dma_start3A_46] : memref<2x120x128xf32, #tpu.memory_space<vmem>> -> memref<1x120x128xf32, #tpu.memory_space<vmem>>
        %dma_start3A_48 = tpu.memref_squeeze %dma_start3A_47 : memref<1x120x128xf32, #tpu.memory_space<vmem>> -> memref<120x128xf32, #tpu.memory_space<vmem>>
        %dma_start3A_49 = tpu.memref_slice %arg5[%mul3A_44] : memref<3360xi32, #tpu.memory_space<vmem>> -> memref<120xi32, #tpu.memory_space<vmem>>
        %dma_start3A_50 = arith.constant 0 : i32
        %dma_start3A_51 = arith.constant 0 : i32
        %dma_start3A_52 = tpu.memref_slice %arg2[%dma_start3A_50, %dma_start3A_51] : memref<320000x128xf32, #tpu.memory_space<hbm>> -> memref<320000x128xf32, #tpu.memory_space<hbm>>
        tpu.enqueue_indirect_dma source(%dma_start3A_52 : memref<320000x128xf32, #tpu.memory_space<hbm>>) target(%dma_start3A_48 : memref<120x128xf32, #tpu.memory_space<vmem>>) offsets(%dma_start3A_49 : memref<120xi32, #tpu.memory_space<vmem>>) semaphore(%arg7 : memref<!tpu.dma_semaphore, #tpu.memory_space<semaphore_mem>>)
      } else {
      }
      %dma_wait3A = arith.constant 0 : i32
      %dma_wait3A_29 = arith.constant 0 : i32
      %dma_wait3A_30 = tpu.memref_slice %arg6[%rem3A_20, %dma_wait3A, %dma_wait3A_29] : memref<2x120x128xf32, #tpu.memory_space<vmem>> -> memref<1x120x128xf32, #tpu.memory_space<vmem>>
      %dma_wait3A_31 = tpu.memref_squeeze %dma_wait3A_30 : memref<1x120x128xf32, #tpu.memory_space<vmem>> -> memref<120x128xf32, #tpu.memory_space<vmem>>
      %dma_wait3A_32 = arith.constant 0 : i32
      %dma_wait3A_33 = tpu.memref_slice %arg5[%dma_wait3A_32] : memref<3360xi32, #tpu.memory_space<vmem>> -> memref<120xi32, #tpu.memory_space<vmem>>
      %dma_wait3A_34 = arith.constant 0 : i32
      %dma_wait3A_35 = arith.constant 0 : i32
      %dma_wait3A_36 = tpu.memref_slice %arg2[%dma_wait3A_34, %dma_wait3A_35] : memref<320000x128xf32, #tpu.memory_space<hbm>> -> memref<320000x128xf32, #tpu.memory_space<hbm>>
      tpu.wait_indirect_dma semaphore(%arg7 : memref<!tpu.dma_semaphore, #tpu.memory_space<semaphore_mem>>) src(%dma_wait3A_36 : memref<320000x128xf32, #tpu.memory_space<hbm>>) dst(%dma_wait3A_31 : memref<120x128xf32, #tpu.memory_space<vmem>>)
      %mul3A_37 = arith.constant 120 : i32
      %mul3A_38 = arith.muli %scan3A_18, %mul3A_37 : i32
      %add3A_39 = arith.addi %mul3A_2, %mul3A_38 : i32
      "tpu.region"() ({
        %run_scoped3A = tpu.sem_alloc : memref<!tpu.dma_semaphore, #tpu.memory_space<semaphore_mem>>
        %dma_start3A_41 = arith.constant 0 : i32
        %dma_start3A_42 = arith.constant 0 : i32
        %dma_start3A_43 = tpu.memref_slice %arg6[%rem3A_20, %dma_start3A_41, %dma_start3A_42] : memref<2x120x128xf32, #tpu.memory_space<vmem>> -> memref<1x120x128xf32, #tpu.memory_space<vmem>>
        %dma_start3A_44 = tpu.memref_squeeze %dma_start3A_43 : memref<1x120x128xf32, #tpu.memory_space<vmem>> -> memref<120x128xf32, #tpu.memory_space<vmem>>
        %dma_start3A_45 = arith.constant 0 : i32
        %dma_start3A_46 = tpu.memref_slice %arg4[%add3A_39, %dma_start3A_45] : memref<107520x128xf32, #tpu.memory_space<hbm>> -> memref<120x128xf32, #tpu.memory_space<hbm>>
        %dma_start3A_47 = arith.constant 0 : i32
        %dma_start3A_48 = tpu.memref_slice %arg4[%add3A_39, %dma_start3A_47] : memref<107520x128xf32, #tpu.memory_space<hbm>> -> memref<120x128xf32, #tpu.memory_space<hbm>>
        %dma_start3A_49 = arith.constant 0 : i32
        %dma_start3A_50 = arith.constant 0 : i32
        %dma_start3A_51 = tpu.memref_slice %arg6[%rem3A_20, %dma_start3A_49, %dma_start3A_50] : memref<2x120x128xf32, #tpu.memory_space<vmem>> -> memref<1x120x128xf32, #tpu.memory_space<vmem>>
        %dma_start3A_52 = tpu.memref_squeeze %dma_start3A_51 : memref<1x120x128xf32, #tpu.memory_space<vmem>> -> memref<120x128xf32, #tpu.memory_space<vmem>>
        tpu.enqueue_dma source(%dma_start3A_52 : memref<120x128xf32, #tpu.memory_space<vmem>>) target(%dma_start3A_48 : memref<120x128xf32, #tpu.memory_space<hbm>>) target_semaphore(%run_scoped3A : memref<!tpu.dma_semaphore, #tpu.memory_space<semaphore_mem>>)
        %dma_wait3A_53 = arith.constant 0 : i32
        %dma_wait3A_54 = arith.constant 0 : i32
        %dma_wait3A_55 = tpu.memref_slice %arg6[%rem3A_20, %dma_wait3A_53, %dma_wait3A_54] : memref<2x120x128xf32, #tpu.memory_space<vmem>> -> memref<1x120x128xf32, #tpu.memory_space<vmem>>
        %dma_wait3A_56 = tpu.memref_squeeze %dma_wait3A_55 : memref<1x120x128xf32, #tpu.memory_space<vmem>> -> memref<120x128xf32, #tpu.memory_space<vmem>>
        %dma_wait3A_57 = arith.constant 0 : i32
        %dma_wait3A_58 = tpu.memref_slice %arg4[%add3A_39, %dma_wait3A_57] : memref<107520x128xf32, #tpu.memory_space<hbm>> -> memref<120x128xf32, #tpu.memory_space<hbm>>
        %dma_wait3A_59 = arith.constant 0 : i32
        %dma_wait3A_60 = tpu.memref_slice %arg4[%add3A_39, %dma_wait3A_59] : memref<107520x128xf32, #tpu.memory_space<hbm>> -> memref<120x128xf32, #tpu.memory_space<hbm>>
        %dma_wait3A_61 = arith.constant 0 : i32
        %dma_wait3A_62 = arith.constant 0 : i32
        %dma_wait3A_63 = tpu.memref_slice %arg6[%rem3A_20, %dma_wait3A_61, %dma_wait3A_62] : memref<2x120x128xf32, #tpu.memory_space<vmem>> -> memref<1x120x128xf32, #tpu.memory_space<vmem>>
        %dma_wait3A_64 = tpu.memref_squeeze %dma_wait3A_63 : memref<1x120x128xf32, #tpu.memory_space<vmem>> -> memref<120x128xf32, #tpu.memory_space<vmem>>
        tpu.wait_dma2 semaphore(%run_scoped3A : memref<!tpu.dma_semaphore, #tpu.memory_space<semaphore_mem>>) src(%dma_wait3A_64 : memref<120x128xf32, #tpu.memory_space<vmem>>) dst(%dma_wait3A_60 : memref<120x128xf32, #tpu.memory_space<hbm>>)
        tpu.yield
      }) : () -> ()
      %scan3A_40 = arith.constant 0 : i32
      scf.yield %scan3A_40 : i32
    }
    %scan3A_17 = arith.constant 28 : i32
    return
  }
}

#map = affine_map<(d0, d1) -> (0, 0)>
#map1 = affine_map<(d0, d1) -> (0)>
module attributes {stable_mosaic.version = 14 : i64} {
  func.func @gk(%arg0: i32, %arg1: i32, %arg2: memref<10000x128xi32, #tpu.memory_space<hbm>>, %arg3: memref<10752xi32, #tpu.memory_space<hbm>>, %arg4: memref<10752x128xi32, #tpu.memory_space<hbm>>, %arg5: memref<336xi32, #tpu.memory_space<vmem>>, %arg6: memref<2x112x128xi32, #tpu.memory_space<vmem>>, %arg7: memref<!tpu.dma_semaphore, #tpu.memory_space<semaphore_mem>>) attributes {dimension_semantics = [#tpu.dimension_semantics<core_parallel>, #tpu.dimension_semantics<subcore_parallel>], iteration_bounds = array<i64: 2, 16>, scalar_prefetch = 0 : i64, scratch_operands = 3 : i64, tpu.core_type = #tpu.core_type<sc_vector_subcore>, window_params = [{transform_indices = #map}, {transform_indices = #map1}, {transform_indices = #map}]} {
    %mul3A = arith.constant 2 : i32
    %mul3A_0 = arith.muli %arg1, %mul3A : i32
    %add3A = arith.addi %mul3A_0, %arg0 : i32
    %mul3A_1 = arith.constant 336 : i32
    %mul3A_2 = arith.muli %add3A, %mul3A_1 : i32
    "tpu.region"() ({
      %run_scoped3A = tpu.sem_alloc : memref<!tpu.dma_semaphore, #tpu.memory_space<semaphore_mem>>
      %dma_start3A_18 = tpu.memref_slice %arg3[%mul3A_2] : memref<10752xi32, #tpu.memory_space<hbm>> -> memref<336xi32, #tpu.memory_space<hbm>>
      %dma_start3A_19 = tpu.memref_slice %arg3[%mul3A_2] : memref<10752xi32, #tpu.memory_space<hbm>> -> memref<336xi32, #tpu.memory_space<hbm>>
      tpu.enqueue_dma source(%dma_start3A_19 : memref<336xi32, #tpu.memory_space<hbm>>) target(%arg5 : memref<336xi32, #tpu.memory_space<vmem>>) target_semaphore(%run_scoped3A : memref<!tpu.dma_semaphore, #tpu.memory_space<semaphore_mem>>)
      %dma_wait3A = tpu.memref_slice %arg3[%mul3A_2] : memref<10752xi32, #tpu.memory_space<hbm>> -> memref<336xi32, #tpu.memory_space<hbm>>
      %dma_wait3A_20 = tpu.memref_slice %arg3[%mul3A_2] : memref<10752xi32, #tpu.memory_space<hbm>> -> memref<336xi32, #tpu.memory_space<hbm>>
      tpu.wait_dma2 semaphore(%run_scoped3A : memref<!tpu.dma_semaphore, #tpu.memory_space<semaphore_mem>>) src(%dma_wait3A_20 : memref<336xi32, #tpu.memory_space<hbm>>) dst(%arg5 : memref<336xi32, #tpu.memory_space<vmem>>)
      tpu.yield
    }) : () -> ()
    %dma_start3A = arith.constant 0 : i32
    %dma_start3A_3 = arith.constant 0 : i32
    %dma_start3A_4 = arith.constant 0 : i32
    %dma_start3A_5 = tpu.memref_slice %arg6[%dma_start3A, %dma_start3A_3, %dma_start3A_4] : memref<2x112x128xi32, #tpu.memory_space<vmem>> -> memref<1x112x128xi32, #tpu.memory_space<vmem>>
    %dma_start3A_6 = tpu.memref_squeeze %dma_start3A_5 : memref<1x112x128xi32, #tpu.memory_space<vmem>> -> memref<112x128xi32, #tpu.memory_space<vmem>>
    %dma_start3A_7 = arith.constant 0 : i32
    %dma_start3A_8 = tpu.memref_slice %arg5[%dma_start3A_7] : memref<336xi32, #tpu.memory_space<vmem>> -> memref<112xi32, #tpu.memory_space<vmem>>
    %dma_start3A_9 = arith.constant 0 : i32
    %dma_start3A_10 = arith.constant 0 : i32
    %dma_start3A_11 = tpu.memref_slice %arg2[%dma_start3A_9, %dma_start3A_10] : memref<10000x128xi32, #tpu.memory_space<hbm>> -> memref<10000x128xi32, #tpu.memory_space<hbm>>
    tpu.enqueue_indirect_dma source(%dma_start3A_11 : memref<10000x128xi32, #tpu.memory_space<hbm>>) target(%dma_start3A_6 : memref<112x128xi32, #tpu.memory_space<vmem>>) offsets(%dma_start3A_8 : memref<112xi32, #tpu.memory_space<vmem>>) semaphore(%arg7 : memref<!tpu.dma_semaphore, #tpu.memory_space<semaphore_mem>>)
    %scan3A = arith.constant 0 : i32
    %scan3A_12 = arith.constant 0 : i32
    %scan3A_13 = arith.constant 3 : i32
    %scan3A_14 = arith.addi %scan3A_12, %scan3A_13 : i32
    %scan3A_15 = arith.constant 1 : i32
    %scan3A_16 = scf.for %scan3A_18 = %scan3A_12 to %scan3A_14 step %scan3A_15 iter_args(%scan3A_19 = %scan3A) -> (i32)  : i32 {
      %rem3A = arith.constant 2 : i32
      %rem3A_20 = arith.remsi %scan3A_18, %rem3A : i32
      %add3A_21 = arith.constant 1 : i32
      %add3A_22 = arith.addi %scan3A_18, %add3A_21 : i32
      %rem3A_23 = arith.constant 2 : i32
      %rem3A_24 = arith.remsi %add3A_22, %rem3A_23 : i32
      %add3A_25 = arith.constant 1 : i32
      %add3A_26 = arith.addi %scan3A_18, %add3A_25 : i32
      %lt3A = arith.constant 3 : i32
      %lt3A_27 = arith.cmpi slt, %add3A_26, %lt3A : i32
      %convert_element_type3A = arith.extui %lt3A_27 : i1 to i32
      %cond3A = arith.constant 0 : i32
      %cond3A_28 = arith.cmpi ne, %convert_element_type3A, %cond3A : i32
      scf.if %cond3A_28 {
        %add3A_41 = arith.constant 1 : i32
        %add3A_42 = arith.addi %scan3A_18, %add3A_41 : i32
        %mul3A_43 = arith.constant 112 : i32
        %mul3A_44 = arith.muli %add3A_42, %mul3A_43 : i32
        %dma_start3A_45 = arith.constant 0 : i32
        %dma_start3A_46 = arith.constant 0 : i32
        %dma_start3A_47 = tpu.memref_slice %arg6[%rem3A_24, %dma_start3A_45, %dma_start3A_46] : memref<2x112x128xi32, #tpu.memory_space<vmem>> -> memref<1x112x128xi32, #tpu.memory_space<vmem>>
        %dma_start3A_48 = tpu.memref_squeeze %dma_start3A_47 : memref<1x112x128xi32, #tpu.memory_space<vmem>> -> memref<112x128xi32, #tpu.memory_space<vmem>>
        %dma_start3A_49 = tpu.memref_slice %arg5[%mul3A_44] : memref<336xi32, #tpu.memory_space<vmem>> -> memref<112xi32, #tpu.memory_space<vmem>>
        %dma_start3A_50 = arith.constant 0 : i32
        %dma_start3A_51 = arith.constant 0 : i32
        %dma_start3A_52 = tpu.memref_slice %arg2[%dma_start3A_50, %dma_start3A_51] : memref<10000x128xi32, #tpu.memory_space<hbm>> -> memref<10000x128xi32, #tpu.memory_space<hbm>>
        tpu.enqueue_indirect_dma source(%dma_start3A_52 : memref<10000x128xi32, #tpu.memory_space<hbm>>) target(%dma_start3A_48 : memref<112x128xi32, #tpu.memory_space<vmem>>) offsets(%dma_start3A_49 : memref<112xi32, #tpu.memory_space<vmem>>) semaphore(%arg7 : memref<!tpu.dma_semaphore, #tpu.memory_space<semaphore_mem>>)
      } else {
      }
      %dma_wait3A = arith.constant 0 : i32
      %dma_wait3A_29 = arith.constant 0 : i32
      %dma_wait3A_30 = tpu.memref_slice %arg6[%rem3A_20, %dma_wait3A, %dma_wait3A_29] : memref<2x112x128xi32, #tpu.memory_space<vmem>> -> memref<1x112x128xi32, #tpu.memory_space<vmem>>
      %dma_wait3A_31 = tpu.memref_squeeze %dma_wait3A_30 : memref<1x112x128xi32, #tpu.memory_space<vmem>> -> memref<112x128xi32, #tpu.memory_space<vmem>>
      %dma_wait3A_32 = arith.constant 0 : i32
      %dma_wait3A_33 = tpu.memref_slice %arg5[%dma_wait3A_32] : memref<336xi32, #tpu.memory_space<vmem>> -> memref<112xi32, #tpu.memory_space<vmem>>
      %dma_wait3A_34 = arith.constant 0 : i32
      %dma_wait3A_35 = arith.constant 0 : i32
      %dma_wait3A_36 = tpu.memref_slice %arg2[%dma_wait3A_34, %dma_wait3A_35] : memref<10000x128xi32, #tpu.memory_space<hbm>> -> memref<10000x128xi32, #tpu.memory_space<hbm>>
      tpu.wait_indirect_dma semaphore(%arg7 : memref<!tpu.dma_semaphore, #tpu.memory_space<semaphore_mem>>) src(%dma_wait3A_36 : memref<10000x128xi32, #tpu.memory_space<hbm>>) dst(%dma_wait3A_31 : memref<112x128xi32, #tpu.memory_space<vmem>>)
      %mul3A_37 = arith.constant 112 : i32
      %mul3A_38 = arith.muli %scan3A_18, %mul3A_37 : i32
      %add3A_39 = arith.addi %mul3A_2, %mul3A_38 : i32
      "tpu.region"() ({
        %run_scoped3A = tpu.sem_alloc : memref<!tpu.dma_semaphore, #tpu.memory_space<semaphore_mem>>
        %dma_start3A_41 = arith.constant 0 : i32
        %dma_start3A_42 = arith.constant 0 : i32
        %dma_start3A_43 = tpu.memref_slice %arg6[%rem3A_20, %dma_start3A_41, %dma_start3A_42] : memref<2x112x128xi32, #tpu.memory_space<vmem>> -> memref<1x112x128xi32, #tpu.memory_space<vmem>>
        %dma_start3A_44 = tpu.memref_squeeze %dma_start3A_43 : memref<1x112x128xi32, #tpu.memory_space<vmem>> -> memref<112x128xi32, #tpu.memory_space<vmem>>
        %dma_start3A_45 = arith.constant 0 : i32
        %dma_start3A_46 = tpu.memref_slice %arg4[%add3A_39, %dma_start3A_45] : memref<10752x128xi32, #tpu.memory_space<hbm>> -> memref<112x128xi32, #tpu.memory_space<hbm>>
        %dma_start3A_47 = arith.constant 0 : i32
        %dma_start3A_48 = tpu.memref_slice %arg4[%add3A_39, %dma_start3A_47] : memref<10752x128xi32, #tpu.memory_space<hbm>> -> memref<112x128xi32, #tpu.memory_space<hbm>>
        %dma_start3A_49 = arith.constant 0 : i32
        %dma_start3A_50 = arith.constant 0 : i32
        %dma_start3A_51 = tpu.memref_slice %arg6[%rem3A_20, %dma_start3A_49, %dma_start3A_50] : memref<2x112x128xi32, #tpu.memory_space<vmem>> -> memref<1x112x128xi32, #tpu.memory_space<vmem>>
        %dma_start3A_52 = tpu.memref_squeeze %dma_start3A_51 : memref<1x112x128xi32, #tpu.memory_space<vmem>> -> memref<112x128xi32, #tpu.memory_space<vmem>>
        tpu.enqueue_dma source(%dma_start3A_52 : memref<112x128xi32, #tpu.memory_space<vmem>>) target(%dma_start3A_48 : memref<112x128xi32, #tpu.memory_space<hbm>>) target_semaphore(%run_scoped3A : memref<!tpu.dma_semaphore, #tpu.memory_space<semaphore_mem>>)
        %dma_wait3A_53 = arith.constant 0 : i32
        %dma_wait3A_54 = arith.constant 0 : i32
        %dma_wait3A_55 = tpu.memref_slice %arg6[%rem3A_20, %dma_wait3A_53, %dma_wait3A_54] : memref<2x112x128xi32, #tpu.memory_space<vmem>> -> memref<1x112x128xi32, #tpu.memory_space<vmem>>
        %dma_wait3A_56 = tpu.memref_squeeze %dma_wait3A_55 : memref<1x112x128xi32, #tpu.memory_space<vmem>> -> memref<112x128xi32, #tpu.memory_space<vmem>>
        %dma_wait3A_57 = arith.constant 0 : i32
        %dma_wait3A_58 = tpu.memref_slice %arg4[%add3A_39, %dma_wait3A_57] : memref<10752x128xi32, #tpu.memory_space<hbm>> -> memref<112x128xi32, #tpu.memory_space<hbm>>
        %dma_wait3A_59 = arith.constant 0 : i32
        %dma_wait3A_60 = tpu.memref_slice %arg4[%add3A_39, %dma_wait3A_59] : memref<10752x128xi32, #tpu.memory_space<hbm>> -> memref<112x128xi32, #tpu.memory_space<hbm>>
        %dma_wait3A_61 = arith.constant 0 : i32
        %dma_wait3A_62 = arith.constant 0 : i32
        %dma_wait3A_63 = tpu.memref_slice %arg6[%rem3A_20, %dma_wait3A_61, %dma_wait3A_62] : memref<2x112x128xi32, #tpu.memory_space<vmem>> -> memref<1x112x128xi32, #tpu.memory_space<vmem>>
        %dma_wait3A_64 = tpu.memref_squeeze %dma_wait3A_63 : memref<1x112x128xi32, #tpu.memory_space<vmem>> -> memref<112x128xi32, #tpu.memory_space<vmem>>
        tpu.wait_dma2 semaphore(%run_scoped3A : memref<!tpu.dma_semaphore, #tpu.memory_space<semaphore_mem>>) src(%dma_wait3A_64 : memref<112x128xi32, #tpu.memory_space<vmem>>) dst(%dma_wait3A_60 : memref<112x128xi32, #tpu.memory_space<hbm>>)
        tpu.yield
      }) : () -> ()
      %scan3A_40 = arith.constant 0 : i32
      scf.yield %scan3A_40 : i32
    }
    %scan3A_17 = arith.constant 3 : i32
    return
  }
}

#map = affine_map<(d0, d1) -> (0, 0)>
#map1 = affine_map<(d0, d1) -> (0)>
module attributes {stable_mosaic.version = 14 : i64} {
  func.func @gk(%arg0: i32, %arg1: i32, %arg2: memref<10000x128xi32, #tpu.memory_space<hbm>>, %arg3: memref<512xi32, #tpu.memory_space<hbm>>, %arg4: memref<512x128xi32, #tpu.memory_space<hbm>>, %arg5: memref<16xi32, #tpu.memory_space<vmem>>, %arg6: memref<2x16x128xi32, #tpu.memory_space<vmem>>, %arg7: memref<!tpu.dma_semaphore, #tpu.memory_space<semaphore_mem>>) attributes {dimension_semantics = [#tpu.dimension_semantics<core_parallel>, #tpu.dimension_semantics<subcore_parallel>], iteration_bounds = array<i64: 2, 16>, scalar_prefetch = 0 : i64, scratch_operands = 3 : i64, tpu.core_type = #tpu.core_type<sc_vector_subcore>, window_params = [{transform_indices = #map}, {transform_indices = #map1}, {transform_indices = #map}]} {
    %mul3A = arith.constant 2 : i32
    %mul3A_0 = arith.muli %arg1, %mul3A : i32
    %add3A = arith.addi %mul3A_0, %arg0 : i32
    %mul3A_1 = arith.constant 16 : i32
    %mul3A_2 = arith.muli %add3A, %mul3A_1 : i32
    "tpu.region"() ({
      %run_scoped3A = tpu.sem_alloc : memref<!tpu.dma_semaphore, #tpu.memory_space<semaphore_mem>>
      %dma_start3A_35 = tpu.memref_slice %arg3[%mul3A_2] : memref<512xi32, #tpu.memory_space<hbm>> -> memref<16xi32, #tpu.memory_space<hbm>>
      %dma_start3A_36 = tpu.memref_slice %arg3[%mul3A_2] : memref<512xi32, #tpu.memory_space<hbm>> -> memref<16xi32, #tpu.memory_space<hbm>>
      tpu.enqueue_dma source(%dma_start3A_36 : memref<16xi32, #tpu.memory_space<hbm>>) target(%arg5 : memref<16xi32, #tpu.memory_space<vmem>>) target_semaphore(%run_scoped3A : memref<!tpu.dma_semaphore, #tpu.memory_space<semaphore_mem>>)
      %dma_wait3A_37 = tpu.memref_slice %arg3[%mul3A_2] : memref<512xi32, #tpu.memory_space<hbm>> -> memref<16xi32, #tpu.memory_space<hbm>>
      %dma_wait3A_38 = tpu.memref_slice %arg3[%mul3A_2] : memref<512xi32, #tpu.memory_space<hbm>> -> memref<16xi32, #tpu.memory_space<hbm>>
      tpu.wait_dma2 semaphore(%run_scoped3A : memref<!tpu.dma_semaphore, #tpu.memory_space<semaphore_mem>>) src(%dma_wait3A_38 : memref<16xi32, #tpu.memory_space<hbm>>) dst(%arg5 : memref<16xi32, #tpu.memory_space<vmem>>)
      tpu.yield
    }) : () -> ()
    %dma_start3A = arith.constant 0 : i32
    %dma_start3A_3 = arith.constant 0 : i32
    %dma_start3A_4 = arith.constant 0 : i32
    %dma_start3A_5 = tpu.memref_slice %arg6[%dma_start3A, %dma_start3A_3, %dma_start3A_4] : memref<2x16x128xi32, #tpu.memory_space<vmem>> -> memref<1x16x128xi32, #tpu.memory_space<vmem>>
    %dma_start3A_6 = tpu.memref_squeeze %dma_start3A_5 : memref<1x16x128xi32, #tpu.memory_space<vmem>> -> memref<16x128xi32, #tpu.memory_space<vmem>>
    %dma_start3A_7 = arith.constant 0 : i32
    %dma_start3A_8 = tpu.memref_slice %arg5[%dma_start3A_7] : memref<16xi32, #tpu.memory_space<vmem>> -> memref<16xi32, #tpu.memory_space<vmem>>
    %dma_start3A_9 = arith.constant 0 : i32
    %dma_start3A_10 = arith.constant 0 : i32
    %dma_start3A_11 = tpu.memref_slice %arg2[%dma_start3A_9, %dma_start3A_10] : memref<10000x128xi32, #tpu.memory_space<hbm>> -> memref<10000x128xi32, #tpu.memory_space<hbm>>
    tpu.enqueue_indirect_dma source(%dma_start3A_11 : memref<10000x128xi32, #tpu.memory_space<hbm>>) target(%dma_start3A_6 : memref<16x128xi32, #tpu.memory_space<vmem>>) offsets(%dma_start3A_8 : memref<16xi32, #tpu.memory_space<vmem>>) semaphore(%arg7 : memref<!tpu.dma_semaphore, #tpu.memory_space<semaphore_mem>>)
    %scan3A = arith.constant 0 : i32
    %scan3A_12 = arith.constant 0 : i32
    %rem3A = arith.constant 2 : i32
    %rem3A_13 = arith.remsi %scan3A_12, %rem3A : i32
    %add3A_14 = arith.constant 1 : i32
    %add3A_15 = arith.addi %scan3A_12, %add3A_14 : i32
    %rem3A_16 = arith.constant 2 : i32
    %rem3A_17 = arith.remsi %add3A_15, %rem3A_16 : i32
    %add3A_18 = arith.constant 1 : i32
    %add3A_19 = arith.addi %scan3A_12, %add3A_18 : i32
    %lt3A = arith.constant 1 : i32
    %lt3A_20 = arith.cmpi slt, %add3A_19, %lt3A : i32
    %convert_element_type3A = arith.extui %lt3A_20 : i1 to i32
    %cond3A = arith.constant 0 : i32
    %cond3A_21 = arith.cmpi ne, %convert_element_type3A, %cond3A : i32
    scf.if %cond3A_21 {
      %add3A_35 = arith.constant 1 : i32
      %add3A_36 = arith.addi %scan3A_12, %add3A_35 : i32
      %mul3A_37 = arith.constant 16 : i32
      %mul3A_38 = arith.muli %add3A_36, %mul3A_37 : i32
      %dma_start3A_39 = arith.constant 0 : i32
      %dma_start3A_40 = arith.constant 0 : i32
      %dma_start3A_41 = tpu.memref_slice %arg6[%rem3A_17, %dma_start3A_39, %dma_start3A_40] : memref<2x16x128xi32, #tpu.memory_space<vmem>> -> memref<1x16x128xi32, #tpu.memory_space<vmem>>
      %dma_start3A_42 = tpu.memref_squeeze %dma_start3A_41 : memref<1x16x128xi32, #tpu.memory_space<vmem>> -> memref<16x128xi32, #tpu.memory_space<vmem>>
      %dma_start3A_43 = tpu.memref_slice %arg5[%mul3A_38] : memref<16xi32, #tpu.memory_space<vmem>> -> memref<16xi32, #tpu.memory_space<vmem>>
      %dma_start3A_44 = arith.constant 0 : i32
      %dma_start3A_45 = arith.constant 0 : i32
      %dma_start3A_46 = tpu.memref_slice %arg2[%dma_start3A_44, %dma_start3A_45] : memref<10000x128xi32, #tpu.memory_space<hbm>> -> memref<10000x128xi32, #tpu.memory_space<hbm>>
      tpu.enqueue_indirect_dma source(%dma_start3A_46 : memref<10000x128xi32, #tpu.memory_space<hbm>>) target(%dma_start3A_42 : memref<16x128xi32, #tpu.memory_space<vmem>>) offsets(%dma_start3A_43 : memref<16xi32, #tpu.memory_space<vmem>>) semaphore(%arg7 : memref<!tpu.dma_semaphore, #tpu.memory_space<semaphore_mem>>)
    } else {
    }
    %dma_wait3A = arith.constant 0 : i32
    %dma_wait3A_22 = arith.constant 0 : i32
    %dma_wait3A_23 = tpu.memref_slice %arg6[%rem3A_13, %dma_wait3A, %dma_wait3A_22] : memref<2x16x128xi32, #tpu.memory_space<vmem>> -> memref<1x16x128xi32, #tpu.memory_space<vmem>>
    %dma_wait3A_24 = tpu.memref_squeeze %dma_wait3A_23 : memref<1x16x128xi32, #tpu.memory_space<vmem>> -> memref<16x128xi32, #tpu.memory_space<vmem>>
    %dma_wait3A_25 = arith.constant 0 : i32
    %dma_wait3A_26 = tpu.memref_slice %arg5[%dma_wait3A_25] : memref<16xi32, #tpu.memory_space<vmem>> -> memref<16xi32, #tpu.memory_space<vmem>>
    %dma_wait3A_27 = arith.constant 0 : i32
    %dma_wait3A_28 = arith.constant 0 : i32
    %dma_wait3A_29 = tpu.memref_slice %arg2[%dma_wait3A_27, %dma_wait3A_28] : memref<10000x128xi32, #tpu.memory_space<hbm>> -> memref<10000x128xi32, #tpu.memory_space<hbm>>
    tpu.wait_indirect_dma semaphore(%arg7 : memref<!tpu.dma_semaphore, #tpu.memory_space<semaphore_mem>>) src(%dma_wait3A_29 : memref<10000x128xi32, #tpu.memory_space<hbm>>) dst(%dma_wait3A_24 : memref<16x128xi32, #tpu.memory_space<vmem>>)
    %mul3A_30 = arith.constant 16 : i32
    %mul3A_31 = arith.muli %scan3A_12, %mul3A_30 : i32
    %add3A_32 = arith.addi %mul3A_2, %mul3A_31 : i32
    "tpu.region"() ({
      %run_scoped3A = tpu.sem_alloc : memref<!tpu.dma_semaphore, #tpu.memory_space<semaphore_mem>>
      %dma_start3A_35 = arith.constant 0 : i32
      %dma_start3A_36 = arith.constant 0 : i32
      %dma_start3A_37 = tpu.memref_slice %arg6[%rem3A_13, %dma_start3A_35, %dma_start3A_36] : memref<2x16x128xi32, #tpu.memory_space<vmem>> -> memref<1x16x128xi32, #tpu.memory_space<vmem>>
      %dma_start3A_38 = tpu.memref_squeeze %dma_start3A_37 : memref<1x16x128xi32, #tpu.memory_space<vmem>> -> memref<16x128xi32, #tpu.memory_space<vmem>>
      %dma_start3A_39 = arith.constant 0 : i32
      %dma_start3A_40 = tpu.memref_slice %arg4[%add3A_32, %dma_start3A_39] : memref<512x128xi32, #tpu.memory_space<hbm>> -> memref<16x128xi32, #tpu.memory_space<hbm>>
      %dma_start3A_41 = arith.constant 0 : i32
      %dma_start3A_42 = tpu.memref_slice %arg4[%add3A_32, %dma_start3A_41] : memref<512x128xi32, #tpu.memory_space<hbm>> -> memref<16x128xi32, #tpu.memory_space<hbm>>
      %dma_start3A_43 = arith.constant 0 : i32
      %dma_start3A_44 = arith.constant 0 : i32
      %dma_start3A_45 = tpu.memref_slice %arg6[%rem3A_13, %dma_start3A_43, %dma_start3A_44] : memref<2x16x128xi32, #tpu.memory_space<vmem>> -> memref<1x16x128xi32, #tpu.memory_space<vmem>>
      %dma_start3A_46 = tpu.memref_squeeze %dma_start3A_45 : memref<1x16x128xi32, #tpu.memory_space<vmem>> -> memref<16x128xi32, #tpu.memory_space<vmem>>
      tpu.enqueue_dma source(%dma_start3A_46 : memref<16x128xi32, #tpu.memory_space<vmem>>) target(%dma_start3A_42 : memref<16x128xi32, #tpu.memory_space<hbm>>) target_semaphore(%run_scoped3A : memref<!tpu.dma_semaphore, #tpu.memory_space<semaphore_mem>>)
      %dma_wait3A_47 = arith.constant 0 : i32
      %dma_wait3A_48 = arith.constant 0 : i32
      %dma_wait3A_49 = tpu.memref_slice %arg6[%rem3A_13, %dma_wait3A_47, %dma_wait3A_48] : memref<2x16x128xi32, #tpu.memory_space<vmem>> -> memref<1x16x128xi32, #tpu.memory_space<vmem>>
      %dma_wait3A_50 = tpu.memref_squeeze %dma_wait3A_49 : memref<1x16x128xi32, #tpu.memory_space<vmem>> -> memref<16x128xi32, #tpu.memory_space<vmem>>
      %dma_wait3A_51 = arith.constant 0 : i32
      %dma_wait3A_52 = tpu.memref_slice %arg4[%add3A_32, %dma_wait3A_51] : memref<512x128xi32, #tpu.memory_space<hbm>> -> memref<16x128xi32, #tpu.memory_space<hbm>>
      %dma_wait3A_53 = arith.constant 0 : i32
      %dma_wait3A_54 = tpu.memref_slice %arg4[%add3A_32, %dma_wait3A_53] : memref<512x128xi32, #tpu.memory_space<hbm>> -> memref<16x128xi32, #tpu.memory_space<hbm>>
      %dma_wait3A_55 = arith.constant 0 : i32
      %dma_wait3A_56 = arith.constant 0 : i32
      %dma_wait3A_57 = tpu.memref_slice %arg6[%rem3A_13, %dma_wait3A_55, %dma_wait3A_56] : memref<2x16x128xi32, #tpu.memory_space<vmem>> -> memref<1x16x128xi32, #tpu.memory_space<vmem>>
      %dma_wait3A_58 = tpu.memref_squeeze %dma_wait3A_57 : memref<1x16x128xi32, #tpu.memory_space<vmem>> -> memref<16x128xi32, #tpu.memory_space<vmem>>
      tpu.wait_dma2 semaphore(%run_scoped3A : memref<!tpu.dma_semaphore, #tpu.memory_space<semaphore_mem>>) src(%dma_wait3A_58 : memref<16x128xi32, #tpu.memory_space<vmem>>) dst(%dma_wait3A_54 : memref<16x128xi32, #tpu.memory_space<hbm>>)
      tpu.yield
    }) : () -> ()
    %scan3A_33 = arith.constant 0 : i32
    %scan3A_34 = arith.constant 1 : i32
    return
  }
}

#map = affine_map<(d0, d1) -> (0, 0)>
#map1 = affine_map<(d0, d1) -> (0)>
module attributes {stable_mosaic.version = 14 : i64} {
  func.func @gk(%arg0: i32, %arg1: i32, %arg2: memref<10000x128xf32, #tpu.memory_space<hbm>>, %arg3: memref<112896xi32, #tpu.memory_space<hbm>>, %arg4: memref<112896x128xf32, #tpu.memory_space<hbm>>, %arg5: memref<3528xi32, #tpu.memory_space<vmem>>, %arg6: memref<2x72x128xf32, #tpu.memory_space<vmem>>, %arg7: memref<!tpu.dma_semaphore, #tpu.memory_space<semaphore_mem>>) attributes {dimension_semantics = [#tpu.dimension_semantics<core_parallel>, #tpu.dimension_semantics<subcore_parallel>], iteration_bounds = array<i64: 2, 16>, scalar_prefetch = 0 : i64, scratch_operands = 3 : i64, tpu.core_type = #tpu.core_type<sc_vector_subcore>, window_params = [{transform_indices = #map}, {transform_indices = #map1}, {transform_indices = #map}]} {
    %mul3A = arith.constant 2 : i32
    %mul3A_0 = arith.muli %arg1, %mul3A : i32
    %add3A = arith.addi %mul3A_0, %arg0 : i32
    %mul3A_1 = arith.constant 3528 : i32
    %mul3A_2 = arith.muli %add3A, %mul3A_1 : i32
    "tpu.region"() ({
      %run_scoped3A = tpu.sem_alloc : memref<!tpu.dma_semaphore, #tpu.memory_space<semaphore_mem>>
      %dma_start3A_18 = tpu.memref_slice %arg3[%mul3A_2] : memref<112896xi32, #tpu.memory_space<hbm>> -> memref<3528xi32, #tpu.memory_space<hbm>>
      %dma_start3A_19 = tpu.memref_slice %arg3[%mul3A_2] : memref<112896xi32, #tpu.memory_space<hbm>> -> memref<3528xi32, #tpu.memory_space<hbm>>
      tpu.enqueue_dma source(%dma_start3A_19 : memref<3528xi32, #tpu.memory_space<hbm>>) target(%arg5 : memref<3528xi32, #tpu.memory_space<vmem>>) target_semaphore(%run_scoped3A : memref<!tpu.dma_semaphore, #tpu.memory_space<semaphore_mem>>)
      %dma_wait3A = tpu.memref_slice %arg3[%mul3A_2] : memref<112896xi32, #tpu.memory_space<hbm>> -> memref<3528xi32, #tpu.memory_space<hbm>>
      %dma_wait3A_20 = tpu.memref_slice %arg3[%mul3A_2] : memref<112896xi32, #tpu.memory_space<hbm>> -> memref<3528xi32, #tpu.memory_space<hbm>>
      tpu.wait_dma2 semaphore(%run_scoped3A : memref<!tpu.dma_semaphore, #tpu.memory_space<semaphore_mem>>) src(%dma_wait3A_20 : memref<3528xi32, #tpu.memory_space<hbm>>) dst(%arg5 : memref<3528xi32, #tpu.memory_space<vmem>>)
      tpu.yield
    }) : () -> ()
    %dma_start3A = arith.constant 0 : i32
    %dma_start3A_3 = arith.constant 0 : i32
    %dma_start3A_4 = arith.constant 0 : i32
    %dma_start3A_5 = tpu.memref_slice %arg6[%dma_start3A, %dma_start3A_3, %dma_start3A_4] : memref<2x72x128xf32, #tpu.memory_space<vmem>> -> memref<1x72x128xf32, #tpu.memory_space<vmem>>
    %dma_start3A_6 = tpu.memref_squeeze %dma_start3A_5 : memref<1x72x128xf32, #tpu.memory_space<vmem>> -> memref<72x128xf32, #tpu.memory_space<vmem>>
    %dma_start3A_7 = arith.constant 0 : i32
    %dma_start3A_8 = tpu.memref_slice %arg5[%dma_start3A_7] : memref<3528xi32, #tpu.memory_space<vmem>> -> memref<72xi32, #tpu.memory_space<vmem>>
    %dma_start3A_9 = arith.constant 0 : i32
    %dma_start3A_10 = arith.constant 0 : i32
    %dma_start3A_11 = tpu.memref_slice %arg2[%dma_start3A_9, %dma_start3A_10] : memref<10000x128xf32, #tpu.memory_space<hbm>> -> memref<10000x128xf32, #tpu.memory_space<hbm>>
    tpu.enqueue_indirect_dma source(%dma_start3A_11 : memref<10000x128xf32, #tpu.memory_space<hbm>>) target(%dma_start3A_6 : memref<72x128xf32, #tpu.memory_space<vmem>>) offsets(%dma_start3A_8 : memref<72xi32, #tpu.memory_space<vmem>>) semaphore(%arg7 : memref<!tpu.dma_semaphore, #tpu.memory_space<semaphore_mem>>)
    %scan3A = arith.constant 0 : i32
    %scan3A_12 = arith.constant 0 : i32
    %scan3A_13 = arith.constant 49 : i32
    %scan3A_14 = arith.addi %scan3A_12, %scan3A_13 : i32
    %scan3A_15 = arith.constant 1 : i32
    %scan3A_16 = scf.for %scan3A_18 = %scan3A_12 to %scan3A_14 step %scan3A_15 iter_args(%scan3A_19 = %scan3A) -> (i32)  : i32 {
      %rem3A = arith.constant 2 : i32
      %rem3A_20 = arith.remsi %scan3A_18, %rem3A : i32
      %add3A_21 = arith.constant 1 : i32
      %add3A_22 = arith.addi %scan3A_18, %add3A_21 : i32
      %rem3A_23 = arith.constant 2 : i32
      %rem3A_24 = arith.remsi %add3A_22, %rem3A_23 : i32
      %add3A_25 = arith.constant 1 : i32
      %add3A_26 = arith.addi %scan3A_18, %add3A_25 : i32
      %lt3A = arith.constant 49 : i32
      %lt3A_27 = arith.cmpi slt, %add3A_26, %lt3A : i32
      %convert_element_type3A = arith.extui %lt3A_27 : i1 to i32
      %cond3A = arith.constant 0 : i32
      %cond3A_28 = arith.cmpi ne, %convert_element_type3A, %cond3A : i32
      scf.if %cond3A_28 {
        %add3A_41 = arith.constant 1 : i32
        %add3A_42 = arith.addi %scan3A_18, %add3A_41 : i32
        %mul3A_43 = arith.constant 72 : i32
        %mul3A_44 = arith.muli %add3A_42, %mul3A_43 : i32
        %dma_start3A_45 = arith.constant 0 : i32
        %dma_start3A_46 = arith.constant 0 : i32
        %dma_start3A_47 = tpu.memref_slice %arg6[%rem3A_24, %dma_start3A_45, %dma_start3A_46] : memref<2x72x128xf32, #tpu.memory_space<vmem>> -> memref<1x72x128xf32, #tpu.memory_space<vmem>>
        %dma_start3A_48 = tpu.memref_squeeze %dma_start3A_47 : memref<1x72x128xf32, #tpu.memory_space<vmem>> -> memref<72x128xf32, #tpu.memory_space<vmem>>
        %dma_start3A_49 = tpu.memref_slice %arg5[%mul3A_44] : memref<3528xi32, #tpu.memory_space<vmem>> -> memref<72xi32, #tpu.memory_space<vmem>>
        %dma_start3A_50 = arith.constant 0 : i32
        %dma_start3A_51 = arith.constant 0 : i32
        %dma_start3A_52 = tpu.memref_slice %arg2[%dma_start3A_50, %dma_start3A_51] : memref<10000x128xf32, #tpu.memory_space<hbm>> -> memref<10000x128xf32, #tpu.memory_space<hbm>>
        tpu.enqueue_indirect_dma source(%dma_start3A_52 : memref<10000x128xf32, #tpu.memory_space<hbm>>) target(%dma_start3A_48 : memref<72x128xf32, #tpu.memory_space<vmem>>) offsets(%dma_start3A_49 : memref<72xi32, #tpu.memory_space<vmem>>) semaphore(%arg7 : memref<!tpu.dma_semaphore, #tpu.memory_space<semaphore_mem>>)
      } else {
      }
      %dma_wait3A = arith.constant 0 : i32
      %dma_wait3A_29 = arith.constant 0 : i32
      %dma_wait3A_30 = tpu.memref_slice %arg6[%rem3A_20, %dma_wait3A, %dma_wait3A_29] : memref<2x72x128xf32, #tpu.memory_space<vmem>> -> memref<1x72x128xf32, #tpu.memory_space<vmem>>
      %dma_wait3A_31 = tpu.memref_squeeze %dma_wait3A_30 : memref<1x72x128xf32, #tpu.memory_space<vmem>> -> memref<72x128xf32, #tpu.memory_space<vmem>>
      %dma_wait3A_32 = arith.constant 0 : i32
      %dma_wait3A_33 = tpu.memref_slice %arg5[%dma_wait3A_32] : memref<3528xi32, #tpu.memory_space<vmem>> -> memref<72xi32, #tpu.memory_space<vmem>>
      %dma_wait3A_34 = arith.constant 0 : i32
      %dma_wait3A_35 = arith.constant 0 : i32
      %dma_wait3A_36 = tpu.memref_slice %arg2[%dma_wait3A_34, %dma_wait3A_35] : memref<10000x128xf32, #tpu.memory_space<hbm>> -> memref<10000x128xf32, #tpu.memory_space<hbm>>
      tpu.wait_indirect_dma semaphore(%arg7 : memref<!tpu.dma_semaphore, #tpu.memory_space<semaphore_mem>>) src(%dma_wait3A_36 : memref<10000x128xf32, #tpu.memory_space<hbm>>) dst(%dma_wait3A_31 : memref<72x128xf32, #tpu.memory_space<vmem>>)
      %mul3A_37 = arith.constant 72 : i32
      %mul3A_38 = arith.muli %scan3A_18, %mul3A_37 : i32
      %add3A_39 = arith.addi %mul3A_2, %mul3A_38 : i32
      "tpu.region"() ({
        %run_scoped3A = tpu.sem_alloc : memref<!tpu.dma_semaphore, #tpu.memory_space<semaphore_mem>>
        %dma_start3A_41 = arith.constant 0 : i32
        %dma_start3A_42 = arith.constant 0 : i32
        %dma_start3A_43 = tpu.memref_slice %arg6[%rem3A_20, %dma_start3A_41, %dma_start3A_42] : memref<2x72x128xf32, #tpu.memory_space<vmem>> -> memref<1x72x128xf32, #tpu.memory_space<vmem>>
        %dma_start3A_44 = tpu.memref_squeeze %dma_start3A_43 : memref<1x72x128xf32, #tpu.memory_space<vmem>> -> memref<72x128xf32, #tpu.memory_space<vmem>>
        %dma_start3A_45 = arith.constant 0 : i32
        %dma_start3A_46 = tpu.memref_slice %arg4[%add3A_39, %dma_start3A_45] : memref<112896x128xf32, #tpu.memory_space<hbm>> -> memref<72x128xf32, #tpu.memory_space<hbm>>
        %dma_start3A_47 = arith.constant 0 : i32
        %dma_start3A_48 = tpu.memref_slice %arg4[%add3A_39, %dma_start3A_47] : memref<112896x128xf32, #tpu.memory_space<hbm>> -> memref<72x128xf32, #tpu.memory_space<hbm>>
        %dma_start3A_49 = arith.constant 0 : i32
        %dma_start3A_50 = arith.constant 0 : i32
        %dma_start3A_51 = tpu.memref_slice %arg6[%rem3A_20, %dma_start3A_49, %dma_start3A_50] : memref<2x72x128xf32, #tpu.memory_space<vmem>> -> memref<1x72x128xf32, #tpu.memory_space<vmem>>
        %dma_start3A_52 = tpu.memref_squeeze %dma_start3A_51 : memref<1x72x128xf32, #tpu.memory_space<vmem>> -> memref<72x128xf32, #tpu.memory_space<vmem>>
        tpu.enqueue_dma source(%dma_start3A_52 : memref<72x128xf32, #tpu.memory_space<vmem>>) target(%dma_start3A_48 : memref<72x128xf32, #tpu.memory_space<hbm>>) target_semaphore(%run_scoped3A : memref<!tpu.dma_semaphore, #tpu.memory_space<semaphore_mem>>)
        %dma_wait3A_53 = arith.constant 0 : i32
        %dma_wait3A_54 = arith.constant 0 : i32
        %dma_wait3A_55 = tpu.memref_slice %arg6[%rem3A_20, %dma_wait3A_53, %dma_wait3A_54] : memref<2x72x128xf32, #tpu.memory_space<vmem>> -> memref<1x72x128xf32, #tpu.memory_space<vmem>>
        %dma_wait3A_56 = tpu.memref_squeeze %dma_wait3A_55 : memref<1x72x128xf32, #tpu.memory_space<vmem>> -> memref<72x128xf32, #tpu.memory_space<vmem>>
        %dma_wait3A_57 = arith.constant 0 : i32
        %dma_wait3A_58 = tpu.memref_slice %arg4[%add3A_39, %dma_wait3A_57] : memref<112896x128xf32, #tpu.memory_space<hbm>> -> memref<72x128xf32, #tpu.memory_space<hbm>>
        %dma_wait3A_59 = arith.constant 0 : i32
        %dma_wait3A_60 = tpu.memref_slice %arg4[%add3A_39, %dma_wait3A_59] : memref<112896x128xf32, #tpu.memory_space<hbm>> -> memref<72x128xf32, #tpu.memory_space<hbm>>
        %dma_wait3A_61 = arith.constant 0 : i32
        %dma_wait3A_62 = arith.constant 0 : i32
        %dma_wait3A_63 = tpu.memref_slice %arg6[%rem3A_20, %dma_wait3A_61, %dma_wait3A_62] : memref<2x72x128xf32, #tpu.memory_space<vmem>> -> memref<1x72x128xf32, #tpu.memory_space<vmem>>
        %dma_wait3A_64 = tpu.memref_squeeze %dma_wait3A_63 : memref<1x72x128xf32, #tpu.memory_space<vmem>> -> memref<72x128xf32, #tpu.memory_space<vmem>>
        tpu.wait_dma2 semaphore(%run_scoped3A : memref<!tpu.dma_semaphore, #tpu.memory_space<semaphore_mem>>) src(%dma_wait3A_64 : memref<72x128xf32, #tpu.memory_space<vmem>>) dst(%dma_wait3A_60 : memref<72x128xf32, #tpu.memory_space<hbm>>)
        tpu.yield
      }) : () -> ()
      %scan3A_40 = arith.constant 0 : i32
      scf.yield %scan3A_40 : i32
    }
    %scan3A_17 = arith.constant 49 : i32
    return
  }
}

#map = affine_map<(d0, d1) -> (0, 0)>
#map1 = affine_map<(d0, d1) -> (0)>
module attributes {stable_mosaic.version = 14 : i64} {
  func.func @gk(%arg0: i32, %arg1: i32, %arg2: memref<320000x128xf32, #tpu.memory_space<hbm>>, %arg3: memref<117760xi32, #tpu.memory_space<hbm>>, %arg4: memref<117760x128xf32, #tpu.memory_space<hbm>>, %arg5: memref<3680xi32, #tpu.memory_space<vmem>>, %arg6: memref<2x80x128xf32, #tpu.memory_space<vmem>>, %arg7: memref<!tpu.dma_semaphore, #tpu.memory_space<semaphore_mem>>) attributes {dimension_semantics = [#tpu.dimension_semantics<core_parallel>, #tpu.dimension_semantics<subcore_parallel>], iteration_bounds = array<i64: 2, 16>, scalar_prefetch = 0 : i64, scratch_operands = 3 : i64, tpu.core_type = #tpu.core_type<sc_vector_subcore>, window_params = [{transform_indices = #map}, {transform_indices = #map1}, {transform_indices = #map}]} {
    %mul3A = arith.constant 2 : i32
    %mul3A_0 = arith.muli %arg1, %mul3A : i32
    %add3A = arith.addi %mul3A_0, %arg0 : i32
    %mul3A_1 = arith.constant 3680 : i32
    %mul3A_2 = arith.muli %add3A, %mul3A_1 : i32
    "tpu.region"() ({
      %run_scoped3A = tpu.sem_alloc : memref<!tpu.dma_semaphore, #tpu.memory_space<semaphore_mem>>
      %dma_start3A_18 = tpu.memref_slice %arg3[%mul3A_2] : memref<117760xi32, #tpu.memory_space<hbm>> -> memref<3680xi32, #tpu.memory_space<hbm>>
      %dma_start3A_19 = tpu.memref_slice %arg3[%mul3A_2] : memref<117760xi32, #tpu.memory_space<hbm>> -> memref<3680xi32, #tpu.memory_space<hbm>>
      tpu.enqueue_dma source(%dma_start3A_19 : memref<3680xi32, #tpu.memory_space<hbm>>) target(%arg5 : memref<3680xi32, #tpu.memory_space<vmem>>) target_semaphore(%run_scoped3A : memref<!tpu.dma_semaphore, #tpu.memory_space<semaphore_mem>>)
      %dma_wait3A = tpu.memref_slice %arg3[%mul3A_2] : memref<117760xi32, #tpu.memory_space<hbm>> -> memref<3680xi32, #tpu.memory_space<hbm>>
      %dma_wait3A_20 = tpu.memref_slice %arg3[%mul3A_2] : memref<117760xi32, #tpu.memory_space<hbm>> -> memref<3680xi32, #tpu.memory_space<hbm>>
      tpu.wait_dma2 semaphore(%run_scoped3A : memref<!tpu.dma_semaphore, #tpu.memory_space<semaphore_mem>>) src(%dma_wait3A_20 : memref<3680xi32, #tpu.memory_space<hbm>>) dst(%arg5 : memref<3680xi32, #tpu.memory_space<vmem>>)
      tpu.yield
    }) : () -> ()
    %dma_start3A = arith.constant 0 : i32
    %dma_start3A_3 = arith.constant 0 : i32
    %dma_start3A_4 = arith.constant 0 : i32
    %dma_start3A_5 = tpu.memref_slice %arg6[%dma_start3A, %dma_start3A_3, %dma_start3A_4] : memref<2x80x128xf32, #tpu.memory_space<vmem>> -> memref<1x80x128xf32, #tpu.memory_space<vmem>>
    %dma_start3A_6 = tpu.memref_squeeze %dma_start3A_5 : memref<1x80x128xf32, #tpu.memory_space<vmem>> -> memref<80x128xf32, #tpu.memory_space<vmem>>
    %dma_start3A_7 = arith.constant 0 : i32
    %dma_start3A_8 = tpu.memref_slice %arg5[%dma_start3A_7] : memref<3680xi32, #tpu.memory_space<vmem>> -> memref<80xi32, #tpu.memory_space<vmem>>
    %dma_start3A_9 = arith.constant 0 : i32
    %dma_start3A_10 = arith.constant 0 : i32
    %dma_start3A_11 = tpu.memref_slice %arg2[%dma_start3A_9, %dma_start3A_10] : memref<320000x128xf32, #tpu.memory_space<hbm>> -> memref<320000x128xf32, #tpu.memory_space<hbm>>
    tpu.enqueue_indirect_dma source(%dma_start3A_11 : memref<320000x128xf32, #tpu.memory_space<hbm>>) target(%dma_start3A_6 : memref<80x128xf32, #tpu.memory_space<vmem>>) offsets(%dma_start3A_8 : memref<80xi32, #tpu.memory_space<vmem>>) semaphore(%arg7 : memref<!tpu.dma_semaphore, #tpu.memory_space<semaphore_mem>>)
    %scan3A = arith.constant 0 : i32
    %scan3A_12 = arith.constant 0 : i32
    %scan3A_13 = arith.constant 46 : i32
    %scan3A_14 = arith.addi %scan3A_12, %scan3A_13 : i32
    %scan3A_15 = arith.constant 1 : i32
    %scan3A_16 = scf.for %scan3A_18 = %scan3A_12 to %scan3A_14 step %scan3A_15 iter_args(%scan3A_19 = %scan3A) -> (i32)  : i32 {
      %rem3A = arith.constant 2 : i32
      %rem3A_20 = arith.remsi %scan3A_18, %rem3A : i32
      %add3A_21 = arith.constant 1 : i32
      %add3A_22 = arith.addi %scan3A_18, %add3A_21 : i32
      %rem3A_23 = arith.constant 2 : i32
      %rem3A_24 = arith.remsi %add3A_22, %rem3A_23 : i32
      %add3A_25 = arith.constant 1 : i32
      %add3A_26 = arith.addi %scan3A_18, %add3A_25 : i32
      %lt3A = arith.constant 46 : i32
      %lt3A_27 = arith.cmpi slt, %add3A_26, %lt3A : i32
      %convert_element_type3A = arith.extui %lt3A_27 : i1 to i32
      %cond3A = arith.constant 0 : i32
      %cond3A_28 = arith.cmpi ne, %convert_element_type3A, %cond3A : i32
      scf.if %cond3A_28 {
        %add3A_41 = arith.constant 1 : i32
        %add3A_42 = arith.addi %scan3A_18, %add3A_41 : i32
        %mul3A_43 = arith.constant 80 : i32
        %mul3A_44 = arith.muli %add3A_42, %mul3A_43 : i32
        %dma_start3A_45 = arith.constant 0 : i32
        %dma_start3A_46 = arith.constant 0 : i32
        %dma_start3A_47 = tpu.memref_slice %arg6[%rem3A_24, %dma_start3A_45, %dma_start3A_46] : memref<2x80x128xf32, #tpu.memory_space<vmem>> -> memref<1x80x128xf32, #tpu.memory_space<vmem>>
        %dma_start3A_48 = tpu.memref_squeeze %dma_start3A_47 : memref<1x80x128xf32, #tpu.memory_space<vmem>> -> memref<80x128xf32, #tpu.memory_space<vmem>>
        %dma_start3A_49 = tpu.memref_slice %arg5[%mul3A_44] : memref<3680xi32, #tpu.memory_space<vmem>> -> memref<80xi32, #tpu.memory_space<vmem>>
        %dma_start3A_50 = arith.constant 0 : i32
        %dma_start3A_51 = arith.constant 0 : i32
        %dma_start3A_52 = tpu.memref_slice %arg2[%dma_start3A_50, %dma_start3A_51] : memref<320000x128xf32, #tpu.memory_space<hbm>> -> memref<320000x128xf32, #tpu.memory_space<hbm>>
        tpu.enqueue_indirect_dma source(%dma_start3A_52 : memref<320000x128xf32, #tpu.memory_space<hbm>>) target(%dma_start3A_48 : memref<80x128xf32, #tpu.memory_space<vmem>>) offsets(%dma_start3A_49 : memref<80xi32, #tpu.memory_space<vmem>>) semaphore(%arg7 : memref<!tpu.dma_semaphore, #tpu.memory_space<semaphore_mem>>)
      } else {
      }
      %dma_wait3A = arith.constant 0 : i32
      %dma_wait3A_29 = arith.constant 0 : i32
      %dma_wait3A_30 = tpu.memref_slice %arg6[%rem3A_20, %dma_wait3A, %dma_wait3A_29] : memref<2x80x128xf32, #tpu.memory_space<vmem>> -> memref<1x80x128xf32, #tpu.memory_space<vmem>>
      %dma_wait3A_31 = tpu.memref_squeeze %dma_wait3A_30 : memref<1x80x128xf32, #tpu.memory_space<vmem>> -> memref<80x128xf32, #tpu.memory_space<vmem>>
      %dma_wait3A_32 = arith.constant 0 : i32
      %dma_wait3A_33 = tpu.memref_slice %arg5[%dma_wait3A_32] : memref<3680xi32, #tpu.memory_space<vmem>> -> memref<80xi32, #tpu.memory_space<vmem>>
      %dma_wait3A_34 = arith.constant 0 : i32
      %dma_wait3A_35 = arith.constant 0 : i32
      %dma_wait3A_36 = tpu.memref_slice %arg2[%dma_wait3A_34, %dma_wait3A_35] : memref<320000x128xf32, #tpu.memory_space<hbm>> -> memref<320000x128xf32, #tpu.memory_space<hbm>>
      tpu.wait_indirect_dma semaphore(%arg7 : memref<!tpu.dma_semaphore, #tpu.memory_space<semaphore_mem>>) src(%dma_wait3A_36 : memref<320000x128xf32, #tpu.memory_space<hbm>>) dst(%dma_wait3A_31 : memref<80x128xf32, #tpu.memory_space<vmem>>)
      %mul3A_37 = arith.constant 80 : i32
      %mul3A_38 = arith.muli %scan3A_18, %mul3A_37 : i32
      %add3A_39 = arith.addi %mul3A_2, %mul3A_38 : i32
      "tpu.region"() ({
        %run_scoped3A = tpu.sem_alloc : memref<!tpu.dma_semaphore, #tpu.memory_space<semaphore_mem>>
        %dma_start3A_41 = arith.constant 0 : i32
        %dma_start3A_42 = arith.constant 0 : i32
        %dma_start3A_43 = tpu.memref_slice %arg6[%rem3A_20, %dma_start3A_41, %dma_start3A_42] : memref<2x80x128xf32, #tpu.memory_space<vmem>> -> memref<1x80x128xf32, #tpu.memory_space<vmem>>
        %dma_start3A_44 = tpu.memref_squeeze %dma_start3A_43 : memref<1x80x128xf32, #tpu.memory_space<vmem>> -> memref<80x128xf32, #tpu.memory_space<vmem>>
        %dma_start3A_45 = arith.constant 0 : i32
        %dma_start3A_46 = tpu.memref_slice %arg4[%add3A_39, %dma_start3A_45] : memref<117760x128xf32, #tpu.memory_space<hbm>> -> memref<80x128xf32, #tpu.memory_space<hbm>>
        %dma_start3A_47 = arith.constant 0 : i32
        %dma_start3A_48 = tpu.memref_slice %arg4[%add3A_39, %dma_start3A_47] : memref<117760x128xf32, #tpu.memory_space<hbm>> -> memref<80x128xf32, #tpu.memory_space<hbm>>
        %dma_start3A_49 = arith.constant 0 : i32
        %dma_start3A_50 = arith.constant 0 : i32
        %dma_start3A_51 = tpu.memref_slice %arg6[%rem3A_20, %dma_start3A_49, %dma_start3A_50] : memref<2x80x128xf32, #tpu.memory_space<vmem>> -> memref<1x80x128xf32, #tpu.memory_space<vmem>>
        %dma_start3A_52 = tpu.memref_squeeze %dma_start3A_51 : memref<1x80x128xf32, #tpu.memory_space<vmem>> -> memref<80x128xf32, #tpu.memory_space<vmem>>
        tpu.enqueue_dma source(%dma_start3A_52 : memref<80x128xf32, #tpu.memory_space<vmem>>) target(%dma_start3A_48 : memref<80x128xf32, #tpu.memory_space<hbm>>) target_semaphore(%run_scoped3A : memref<!tpu.dma_semaphore, #tpu.memory_space<semaphore_mem>>)
        %dma_wait3A_53 = arith.constant 0 : i32
        %dma_wait3A_54 = arith.constant 0 : i32
        %dma_wait3A_55 = tpu.memref_slice %arg6[%rem3A_20, %dma_wait3A_53, %dma_wait3A_54] : memref<2x80x128xf32, #tpu.memory_space<vmem>> -> memref<1x80x128xf32, #tpu.memory_space<vmem>>
        %dma_wait3A_56 = tpu.memref_squeeze %dma_wait3A_55 : memref<1x80x128xf32, #tpu.memory_space<vmem>> -> memref<80x128xf32, #tpu.memory_space<vmem>>
        %dma_wait3A_57 = arith.constant 0 : i32
        %dma_wait3A_58 = tpu.memref_slice %arg4[%add3A_39, %dma_wait3A_57] : memref<117760x128xf32, #tpu.memory_space<hbm>> -> memref<80x128xf32, #tpu.memory_space<hbm>>
        %dma_wait3A_59 = arith.constant 0 : i32
        %dma_wait3A_60 = tpu.memref_slice %arg4[%add3A_39, %dma_wait3A_59] : memref<117760x128xf32, #tpu.memory_space<hbm>> -> memref<80x128xf32, #tpu.memory_space<hbm>>
        %dma_wait3A_61 = arith.constant 0 : i32
        %dma_wait3A_62 = arith.constant 0 : i32
        %dma_wait3A_63 = tpu.memref_slice %arg6[%rem3A_20, %dma_wait3A_61, %dma_wait3A_62] : memref<2x80x128xf32, #tpu.memory_space<vmem>> -> memref<1x80x128xf32, #tpu.memory_space<vmem>>
        %dma_wait3A_64 = tpu.memref_squeeze %dma_wait3A_63 : memref<1x80x128xf32, #tpu.memory_space<vmem>> -> memref<80x128xf32, #tpu.memory_space<vmem>>
        tpu.wait_dma2 semaphore(%run_scoped3A : memref<!tpu.dma_semaphore, #tpu.memory_space<semaphore_mem>>) src(%dma_wait3A_64 : memref<80x128xf32, #tpu.memory_space<vmem>>) dst(%dma_wait3A_60 : memref<80x128xf32, #tpu.memory_space<hbm>>)
        tpu.yield
      }) : () -> ()
      %scan3A_40 = arith.constant 0 : i32
      scf.yield %scan3A_40 : i32
    }
    %scan3A_17 = arith.constant 46 : i32
    return
  }
}

#map = affine_map<(d0, d1) -> (0, 0)>
#map1 = affine_map<(d0, d1) -> (0)>
module attributes {stable_mosaic.version = 14 : i64} {
  func.func @gk(%arg0: i32, %arg1: i32, %arg2: memref<10000x128xf32, #tpu.memory_space<hbm>>, %arg3: memref<112896xi32, #tpu.memory_space<hbm>>, %arg4: memref<112896x128xf32, #tpu.memory_space<hbm>>, %arg5: memref<3528xi32, #tpu.memory_space<vmem>>, %arg6: memref<2x72x128xf32, #tpu.memory_space<vmem>>, %arg7: memref<!tpu.dma_semaphore, #tpu.memory_space<semaphore_mem>>) attributes {dimension_semantics = [#tpu.dimension_semantics<core_parallel>, #tpu.dimension_semantics<subcore_parallel>], iteration_bounds = array<i64: 2, 16>, scalar_prefetch = 0 : i64, scratch_operands = 3 : i64, tpu.core_type = #tpu.core_type<sc_vector_subcore>, window_params = [{transform_indices = #map}, {transform_indices = #map1}, {transform_indices = #map}]} {
    %mul3A = arith.constant 2 : i32
    %mul3A_0 = arith.muli %arg1, %mul3A : i32
    %add3A = arith.addi %mul3A_0, %arg0 : i32
    %mul3A_1 = arith.constant 3528 : i32
    %mul3A_2 = arith.muli %add3A, %mul3A_1 : i32
    "tpu.region"() ({
      %run_scoped3A = tpu.sem_alloc : memref<!tpu.dma_semaphore, #tpu.memory_space<semaphore_mem>>
      %dma_start3A_18 = tpu.memref_slice %arg3[%mul3A_2] : memref<112896xi32, #tpu.memory_space<hbm>> -> memref<3528xi32, #tpu.memory_space<hbm>>
      %dma_start3A_19 = tpu.memref_slice %arg3[%mul3A_2] : memref<112896xi32, #tpu.memory_space<hbm>> -> memref<3528xi32, #tpu.memory_space<hbm>>
      tpu.enqueue_dma source(%dma_start3A_19 : memref<3528xi32, #tpu.memory_space<hbm>>) target(%arg5 : memref<3528xi32, #tpu.memory_space<vmem>>) target_semaphore(%run_scoped3A : memref<!tpu.dma_semaphore, #tpu.memory_space<semaphore_mem>>)
      %dma_wait3A = tpu.memref_slice %arg3[%mul3A_2] : memref<112896xi32, #tpu.memory_space<hbm>> -> memref<3528xi32, #tpu.memory_space<hbm>>
      %dma_wait3A_20 = tpu.memref_slice %arg3[%mul3A_2] : memref<112896xi32, #tpu.memory_space<hbm>> -> memref<3528xi32, #tpu.memory_space<hbm>>
      tpu.wait_dma2 semaphore(%run_scoped3A : memref<!tpu.dma_semaphore, #tpu.memory_space<semaphore_mem>>) src(%dma_wait3A_20 : memref<3528xi32, #tpu.memory_space<hbm>>) dst(%arg5 : memref<3528xi32, #tpu.memory_space<vmem>>)
      tpu.yield
    }) : () -> ()
    %dma_start3A = arith.constant 0 : i32
    %dma_start3A_3 = arith.constant 0 : i32
    %dma_start3A_4 = arith.constant 0 : i32
    %dma_start3A_5 = tpu.memref_slice %arg6[%dma_start3A, %dma_start3A_3, %dma_start3A_4] : memref<2x72x128xf32, #tpu.memory_space<vmem>> -> memref<1x72x128xf32, #tpu.memory_space<vmem>>
    %dma_start3A_6 = tpu.memref_squeeze %dma_start3A_5 : memref<1x72x128xf32, #tpu.memory_space<vmem>> -> memref<72x128xf32, #tpu.memory_space<vmem>>
    %dma_start3A_7 = arith.constant 0 : i32
    %dma_start3A_8 = tpu.memref_slice %arg5[%dma_start3A_7] : memref<3528xi32, #tpu.memory_space<vmem>> -> memref<72xi32, #tpu.memory_space<vmem>>
    %dma_start3A_9 = arith.constant 0 : i32
    %dma_start3A_10 = arith.constant 0 : i32
    %dma_start3A_11 = tpu.memref_slice %arg2[%dma_start3A_9, %dma_start3A_10] : memref<10000x128xf32, #tpu.memory_space<hbm>> -> memref<10000x128xf32, #tpu.memory_space<hbm>>
    tpu.enqueue_indirect_dma source(%dma_start3A_11 : memref<10000x128xf32, #tpu.memory_space<hbm>>) target(%dma_start3A_6 : memref<72x128xf32, #tpu.memory_space<vmem>>) offsets(%dma_start3A_8 : memref<72xi32, #tpu.memory_space<vmem>>) semaphore(%arg7 : memref<!tpu.dma_semaphore, #tpu.memory_space<semaphore_mem>>)
    %scan3A = arith.constant 0 : i32
    %scan3A_12 = arith.constant 0 : i32
    %scan3A_13 = arith.constant 49 : i32
    %scan3A_14 = arith.addi %scan3A_12, %scan3A_13 : i32
    %scan3A_15 = arith.constant 1 : i32
    %scan3A_16 = scf.for %scan3A_18 = %scan3A_12 to %scan3A_14 step %scan3A_15 iter_args(%scan3A_19 = %scan3A) -> (i32)  : i32 {
      %rem3A = arith.constant 2 : i32
      %rem3A_20 = arith.remsi %scan3A_18, %rem3A : i32
      %add3A_21 = arith.constant 1 : i32
      %add3A_22 = arith.addi %scan3A_18, %add3A_21 : i32
      %rem3A_23 = arith.constant 2 : i32
      %rem3A_24 = arith.remsi %add3A_22, %rem3A_23 : i32
      %add3A_25 = arith.constant 1 : i32
      %add3A_26 = arith.addi %scan3A_18, %add3A_25 : i32
      %lt3A = arith.constant 49 : i32
      %lt3A_27 = arith.cmpi slt, %add3A_26, %lt3A : i32
      %convert_element_type3A = arith.extui %lt3A_27 : i1 to i32
      %cond3A = arith.constant 0 : i32
      %cond3A_28 = arith.cmpi ne, %convert_element_type3A, %cond3A : i32
      scf.if %cond3A_28 {
        %add3A_41 = arith.constant 1 : i32
        %add3A_42 = arith.addi %scan3A_18, %add3A_41 : i32
        %mul3A_43 = arith.constant 72 : i32
        %mul3A_44 = arith.muli %add3A_42, %mul3A_43 : i32
        %dma_start3A_45 = arith.constant 0 : i32
        %dma_start3A_46 = arith.constant 0 : i32
        %dma_start3A_47 = tpu.memref_slice %arg6[%rem3A_24, %dma_start3A_45, %dma_start3A_46] : memref<2x72x128xf32, #tpu.memory_space<vmem>> -> memref<1x72x128xf32, #tpu.memory_space<vmem>>
        %dma_start3A_48 = tpu.memref_squeeze %dma_start3A_47 : memref<1x72x128xf32, #tpu.memory_space<vmem>> -> memref<72x128xf32, #tpu.memory_space<vmem>>
        %dma_start3A_49 = tpu.memref_slice %arg5[%mul3A_44] : memref<3528xi32, #tpu.memory_space<vmem>> -> memref<72xi32, #tpu.memory_space<vmem>>
        %dma_start3A_50 = arith.constant 0 : i32
        %dma_start3A_51 = arith.constant 0 : i32
        %dma_start3A_52 = tpu.memref_slice %arg2[%dma_start3A_50, %dma_start3A_51] : memref<10000x128xf32, #tpu.memory_space<hbm>> -> memref<10000x128xf32, #tpu.memory_space<hbm>>
        tpu.enqueue_indirect_dma source(%dma_start3A_52 : memref<10000x128xf32, #tpu.memory_space<hbm>>) target(%dma_start3A_48 : memref<72x128xf32, #tpu.memory_space<vmem>>) offsets(%dma_start3A_49 : memref<72xi32, #tpu.memory_space<vmem>>) semaphore(%arg7 : memref<!tpu.dma_semaphore, #tpu.memory_space<semaphore_mem>>)
      } else {
      }
      %dma_wait3A = arith.constant 0 : i32
      %dma_wait3A_29 = arith.constant 0 : i32
      %dma_wait3A_30 = tpu.memref_slice %arg6[%rem3A_20, %dma_wait3A, %dma_wait3A_29] : memref<2x72x128xf32, #tpu.memory_space<vmem>> -> memref<1x72x128xf32, #tpu.memory_space<vmem>>
      %dma_wait3A_31 = tpu.memref_squeeze %dma_wait3A_30 : memref<1x72x128xf32, #tpu.memory_space<vmem>> -> memref<72x128xf32, #tpu.memory_space<vmem>>
      %dma_wait3A_32 = arith.constant 0 : i32
      %dma_wait3A_33 = tpu.memref_slice %arg5[%dma_wait3A_32] : memref<3528xi32, #tpu.memory_space<vmem>> -> memref<72xi32, #tpu.memory_space<vmem>>
      %dma_wait3A_34 = arith.constant 0 : i32
      %dma_wait3A_35 = arith.constant 0 : i32
      %dma_wait3A_36 = tpu.memref_slice %arg2[%dma_wait3A_34, %dma_wait3A_35] : memref<10000x128xf32, #tpu.memory_space<hbm>> -> memref<10000x128xf32, #tpu.memory_space<hbm>>
      tpu.wait_indirect_dma semaphore(%arg7 : memref<!tpu.dma_semaphore, #tpu.memory_space<semaphore_mem>>) src(%dma_wait3A_36 : memref<10000x128xf32, #tpu.memory_space<hbm>>) dst(%dma_wait3A_31 : memref<72x128xf32, #tpu.memory_space<vmem>>)
      %mul3A_37 = arith.constant 72 : i32
      %mul3A_38 = arith.muli %scan3A_18, %mul3A_37 : i32
      %add3A_39 = arith.addi %mul3A_2, %mul3A_38 : i32
      "tpu.region"() ({
        %run_scoped3A = tpu.sem_alloc : memref<!tpu.dma_semaphore, #tpu.memory_space<semaphore_mem>>
        %dma_start3A_41 = arith.constant 0 : i32
        %dma_start3A_42 = arith.constant 0 : i32
        %dma_start3A_43 = tpu.memref_slice %arg6[%rem3A_20, %dma_start3A_41, %dma_start3A_42] : memref<2x72x128xf32, #tpu.memory_space<vmem>> -> memref<1x72x128xf32, #tpu.memory_space<vmem>>
        %dma_start3A_44 = tpu.memref_squeeze %dma_start3A_43 : memref<1x72x128xf32, #tpu.memory_space<vmem>> -> memref<72x128xf32, #tpu.memory_space<vmem>>
        %dma_start3A_45 = arith.constant 0 : i32
        %dma_start3A_46 = tpu.memref_slice %arg4[%add3A_39, %dma_start3A_45] : memref<112896x128xf32, #tpu.memory_space<hbm>> -> memref<72x128xf32, #tpu.memory_space<hbm>>
        %dma_start3A_47 = arith.constant 0 : i32
        %dma_start3A_48 = tpu.memref_slice %arg4[%add3A_39, %dma_start3A_47] : memref<112896x128xf32, #tpu.memory_space<hbm>> -> memref<72x128xf32, #tpu.memory_space<hbm>>
        %dma_start3A_49 = arith.constant 0 : i32
        %dma_start3A_50 = arith.constant 0 : i32
        %dma_start3A_51 = tpu.memref_slice %arg6[%rem3A_20, %dma_start3A_49, %dma_start3A_50] : memref<2x72x128xf32, #tpu.memory_space<vmem>> -> memref<1x72x128xf32, #tpu.memory_space<vmem>>
        %dma_start3A_52 = tpu.memref_squeeze %dma_start3A_51 : memref<1x72x128xf32, #tpu.memory_space<vmem>> -> memref<72x128xf32, #tpu.memory_space<vmem>>
        tpu.enqueue_dma source(%dma_start3A_52 : memref<72x128xf32, #tpu.memory_space<vmem>>) target(%dma_start3A_48 : memref<72x128xf32, #tpu.memory_space<hbm>>) target_semaphore(%run_scoped3A : memref<!tpu.dma_semaphore, #tpu.memory_space<semaphore_mem>>)
        %dma_wait3A_53 = arith.constant 0 : i32
        %dma_wait3A_54 = arith.constant 0 : i32
        %dma_wait3A_55 = tpu.memref_slice %arg6[%rem3A_20, %dma_wait3A_53, %dma_wait3A_54] : memref<2x72x128xf32, #tpu.memory_space<vmem>> -> memref<1x72x128xf32, #tpu.memory_space<vmem>>
        %dma_wait3A_56 = tpu.memref_squeeze %dma_wait3A_55 : memref<1x72x128xf32, #tpu.memory_space<vmem>> -> memref<72x128xf32, #tpu.memory_space<vmem>>
        %dma_wait3A_57 = arith.constant 0 : i32
        %dma_wait3A_58 = tpu.memref_slice %arg4[%add3A_39, %dma_wait3A_57] : memref<112896x128xf32, #tpu.memory_space<hbm>> -> memref<72x128xf32, #tpu.memory_space<hbm>>
        %dma_wait3A_59 = arith.constant 0 : i32
        %dma_wait3A_60 = tpu.memref_slice %arg4[%add3A_39, %dma_wait3A_59] : memref<112896x128xf32, #tpu.memory_space<hbm>> -> memref<72x128xf32, #tpu.memory_space<hbm>>
        %dma_wait3A_61 = arith.constant 0 : i32
        %dma_wait3A_62 = arith.constant 0 : i32
        %dma_wait3A_63 = tpu.memref_slice %arg6[%rem3A_20, %dma_wait3A_61, %dma_wait3A_62] : memref<2x72x128xf32, #tpu.memory_space<vmem>> -> memref<1x72x128xf32, #tpu.memory_space<vmem>>
        %dma_wait3A_64 = tpu.memref_squeeze %dma_wait3A_63 : memref<1x72x128xf32, #tpu.memory_space<vmem>> -> memref<72x128xf32, #tpu.memory_space<vmem>>
        tpu.wait_dma2 semaphore(%run_scoped3A : memref<!tpu.dma_semaphore, #tpu.memory_space<semaphore_mem>>) src(%dma_wait3A_64 : memref<72x128xf32, #tpu.memory_space<vmem>>) dst(%dma_wait3A_60 : memref<72x128xf32, #tpu.memory_space<hbm>>)
        tpu.yield
      }) : () -> ()
      %scan3A_40 = arith.constant 0 : i32
      scf.yield %scan3A_40 : i32
    }
    %scan3A_17 = arith.constant 49 : i32
    return
  }
}

module attributes {stable_mosaic.version = 14 : i64} {
  func.func @_attn_body(%arg0: i32, %arg1: memref<128x128xf32, #tpu.memory_space<vmem>>, %arg2: memref<128x128xf32, #tpu.memory_space<vmem>>, %arg3: memref<2560x128xf32, #tpu.memory_space<vmem>>, %arg4: memref<2560x128xf32, #tpu.memory_space<vmem>>, %arg5: memref<1x20x128xf32, #tpu.memory_space<vmem>>, %arg6: memref<1x20x128xf32, #tpu.memory_space<vmem>>, %arg7: memref<256x256xf32, #tpu.memory_space<vmem>>, %arg8: memref<384x512xf32, #tpu.memory_space<vmem>>, %arg9: memref<256x256xf32, #tpu.memory_space<vmem>>, %arg10: memref<384x128xf32, #tpu.memory_space<vmem>>, %arg11: memref<1x128xf32, #tpu.memory_space<vmem>>, %arg12: memref<128x128xf32, #tpu.memory_space<vmem>>, %arg13: memref<1x128xf32, #tpu.memory_space<vmem>>, %arg14: memref<1x128xf32, #tpu.memory_space<vmem>>, %arg15: memref<1x128xf32, #tpu.memory_space<vmem>>, %arg16: memref<256x4xf32, #tpu.memory_space<vmem>>, %arg17: memref<4x256xf32, #tpu.memory_space<vmem>>, %arg18: memref<2560x128xf32, #tpu.memory_space<vmem>>, %arg19: memref<128x128xf32, #tpu.memory_space<vmem>>) attributes {dimension_semantics = [#tpu.dimension_semantics<arbitrary>], iteration_bounds = array<i64: 42>, scalar_prefetch = 0 : i64, scratch_operands = 0 : i64, tpu.core_type = #tpu.core_type<tc>, window_params = [{transform_indices = @transform_0, window_bounds = array<i64: 128, 128>}, {transform_indices = @transform_1, window_bounds = array<i64: 128, 128>}, {transform_indices = @transform_2, window_bounds = array<i64: 2560, 128>}, {transform_indices = @transform_3, window_bounds = array<i64: 2560, 128>}, {transform_indices = @transform_4, window_bounds = array<i64: 1, 20, 128>}, {transform_indices = @transform_5, window_bounds = array<i64: 1, 20, 128>}, {pipeline_mode = #tpu.pipeline_mode<synchronous>, transform_indices = @transform_6, window_bounds = array<i64: 256, 256>}, {pipeline_mode = #tpu.pipeline_mode<synchronous>, transform_indices = @transform_7, window_bounds = array<i64: 384, 512>}, {pipeline_mode = #tpu.pipeline_mode<synchronous>, transform_indices = @transform_8, window_bounds = array<i64: 256, 256>}, {pipeline_mode = #tpu.pipeline_mode<synchronous>, transform_indices = @transform_9, window_bounds = array<i64: 384, 128>}, {pipeline_mode = #tpu.pipeline_mode<synchronous>, transform_indices = @transform_10, window_bounds = array<i64: 1, 128>}, {pipeline_mode = #tpu.pipeline_mode<synchronous>, transform_indices = @transform_11, window_bounds = array<i64: 128, 128>}, {pipeline_mode = #tpu.pipeline_mode<synchronous>, transform_indices = @transform_12, window_bounds = array<i64: 1, 128>}, {pipeline_mode = #tpu.pipeline_mode<synchronous>, transform_indices = @transform_13, window_bounds = array<i64: 1, 128>}, {pipeline_mode = #tpu.pipeline_mode<synchronous>, transform_indices = @transform_14, window_bounds = array<i64: 1, 128>}, {pipeline_mode = #tpu.pipeline_mode<synchronous>, transform_indices = @transform_15, window_bounds = array<i64: 256, 4>}, {pipeline_mode = #tpu.pipeline_mode<synchronous>, transform_indices = @transform_16, window_bounds = array<i64: 4, 256>}, {pipeline_mode = #tpu.pipeline_mode<synchronous>, transform_indices = @transform_17, window_bounds = array<i64: 2560, 128>}, {transform_indices = @transform_18, window_bounds = array<i64: 128, 128>}]} {
    %get3A = arith.constant 0 : index
    %get3A_0 = arith.constant 0 : index
    %get3A_1 = vector.load %arg18[%get3A, %get3A_0] : memref<2560x128xf32, #tpu.memory_space<vmem>>, vector<2560x128xf32>
    %get3A_2 = arith.constant 0 : index
    %get3A_3 = arith.constant 0 : index
    %get3A_4 = arith.constant 0 : index
    %get3A_5 = vector.load %arg5[%get3A_2, %get3A_3, %get3A_4] : memref<1x20x128xf32, #tpu.memory_space<vmem>>, vector<1x20x128xf32>
    %get3A_6 = vector.shape_cast %get3A_5 : vector<1x20x128xf32> to vector<20x128xf32>
    %broadcast_in_dim3A = vector.shape_cast %get3A_6 : vector<20x128xf32> to vector<20x1x128xf32>
    %broadcast_in_dim3A_7 = vector.shape_cast %broadcast_in_dim3A : vector<20x1x128xf32> to vector<20x1x128xf32>
    %broadcast_in_dim3A_8 = vector.broadcast %broadcast_in_dim3A_7 : vector<20x1x128xf32> to vector<20x128x128xf32>
    %reshape3A = vector.shape_cast %broadcast_in_dim3A_8 : vector<20x128x128xf32> to vector<2560x128xf32>
    %mul3A = arith.mulf %reshape3A, %get3A_1 : vector<2560x128xf32>
    %reduce_sum3A = arith.constant dense<0.000000e+00> : vector<2560xf32>
    %reduce_sum3A_9 = vector.multi_reduction <add>, %mul3A, %reduce_sum3A [1] : vector<2560x128xf32> to vector<2560xf32>
    %broadcast_in_dim3A_10 = vector.shape_cast %reduce_sum3A_9 : vector<2560xf32> to vector<2560x1xf32>
    %get3A_11 = arith.constant 0 : index
    %get3A_12 = arith.constant 0 : index
    %get3A_13 = arith.constant 0 : index
    %get3A_14 = vector.load %arg6[%get3A_11, %get3A_12, %get3A_13] : memref<1x20x128xf32, #tpu.memory_space<vmem>>, vector<1x20x128xf32>
    %get3A_15 = vector.shape_cast %get3A_14 : vector<1x20x128xf32> to vector<20x128xf32>
    %broadcast_in_dim3A_16 = vector.shape_cast %get3A_15 : vector<20x128xf32> to vector<20x1x128xf32>
    %broadcast_in_dim3A_17 = vector.shape_cast %broadcast_in_dim3A_16 : vector<20x1x128xf32> to vector<20x1x128xf32>
    %broadcast_in_dim3A_18 = vector.broadcast %broadcast_in_dim3A_17 : vector<20x1x128xf32> to vector<20x128x128xf32>
    %reshape3A_19 = vector.shape_cast %broadcast_in_dim3A_18 : vector<20x128x128xf32> to vector<2560x128xf32>
    %mul3A_20 = arith.mulf %reshape3A_19, %get3A_1 : vector<2560x128xf32>
    %reduce_sum3A_21 = arith.constant dense<0.000000e+00> : vector<2560xf32>
    %reduce_sum3A_22 = vector.multi_reduction <add>, %mul3A_20, %reduce_sum3A_21 [1] : vector<2560x128xf32> to vector<2560xf32>
    %broadcast_in_dim3A_23 = vector.shape_cast %reduce_sum3A_22 : vector<2560xf32> to vector<2560x1xf32>
    %get3A_24 = arith.constant 0 : index
    %get3A_25 = arith.constant 0 : index
    %get3A_26 = vector.load %arg14[%get3A_24, %get3A_25] : memref<1x128xf32, #tpu.memory_space<vmem>>, vector<1x128xf32>
    %mul3A_27 = vector.broadcast %broadcast_in_dim3A_10 : vector<2560x1xf32> to vector<2560x128xf32>
    %mul3A_28 = vector.broadcast %get3A_26 : vector<1x128xf32> to vector<2560x128xf32>
    %mul3A_29 = arith.mulf %mul3A_27, %mul3A_28 : vector<2560x128xf32>
    %get3A_30 = arith.constant 0 : index
    %get3A_31 = arith.constant 0 : index
    %get3A_32 = vector.load %arg15[%get3A_30, %get3A_31] : memref<1x128xf32, #tpu.memory_space<vmem>>, vector<1x128xf32>
    %add3A = vector.broadcast %get3A_32 : vector<1x128xf32> to vector<2560x128xf32>
    %add3A_33 = arith.addf %mul3A_29, %add3A : vector<2560x128xf32>
    %round3A = math.roundeven %add3A_33 : vector<2560x128xf32>
    %sub3A = arith.subf %add3A_33, %round3A : vector<2560x128xf32>
    %mul3A_34 = arith.mulf %sub3A, %sub3A : vector<2560x128xf32>
    %mul3A_35 = arith.constant -1.46084297 : f32
    %mul3A_36 = vector.broadcast %mul3A_35 : f32 to vector<2560x128xf32>
    %mul3A_37 = arith.mulf %mul3A_36, %mul3A_34 : vector<2560x128xf32>
    %add3A_38 = arith.constant 7.80652618 : f32
    %add3A_39 = vector.broadcast %add3A_38 : f32 to vector<2560x128xf32>
    %add3A_40 = arith.addf %mul3A_37, %add3A_39 : vector<2560x128xf32>
    %mul3A_41 = arith.mulf %add3A_40, %mul3A_34 : vector<2560x128xf32>
    %add3A_42 = arith.constant -26.4067364 : f32
    %add3A_43 = vector.broadcast %add3A_42 : f32 to vector<2560x128xf32>
    %add3A_44 = arith.addf %mul3A_41, %add3A_43 : vector<2560x128xf32>
    %mul3A_45 = arith.mulf %add3A_44, %mul3A_34 : vector<2560x128xf32>
    %add3A_46 = arith.constant 60.2424622 : f32
    %add3A_47 = vector.broadcast %add3A_46 : f32 to vector<2560x128xf32>
    %add3A_48 = arith.addf %mul3A_45, %add3A_47 : vector<2560x128xf32>
    %mul3A_49 = arith.mulf %add3A_48, %mul3A_34 : vector<2560x128xf32>
    %add3A_50 = arith.constant -85.4566879 : f32
    %add3A_51 = vector.broadcast %add3A_50 : f32 to vector<2560x128xf32>
    %add3A_52 = arith.addf %mul3A_49, %add3A_51 : vector<2560x128xf32>
    %mul3A_53 = arith.mulf %add3A_52, %mul3A_34 : vector<2560x128xf32>
    %add3A_54 = arith.constant 64.9393921 : f32
    %add3A_55 = vector.broadcast %add3A_54 : f32 to vector<2560x128xf32>
    %add3A_56 = arith.addf %mul3A_53, %add3A_55 : vector<2560x128xf32>
    %mul3A_57 = arith.mulf %add3A_56, %mul3A_34 : vector<2560x128xf32>
    %add3A_58 = arith.constant -19.7392082 : f32
    %add3A_59 = vector.broadcast %add3A_58 : f32 to vector<2560x128xf32>
    %add3A_60 = arith.addf %mul3A_57, %add3A_59 : vector<2560x128xf32>
    %mul3A_61 = arith.mulf %add3A_60, %mul3A_34 : vector<2560x128xf32>
    %add3A_62 = arith.constant 1.000000e+00 : f32
    %add3A_63 = vector.broadcast %add3A_62 : f32 to vector<2560x128xf32>
    %add3A_64 = arith.addf %mul3A_61, %add3A_63 : vector<2560x128xf32>
    %get3A_65 = arith.constant 0 : index
    %get3A_66 = arith.constant 0 : index
    %get3A_67 = vector.load %arg3[%get3A_65, %get3A_66] : memref<2560x128xf32, #tpu.memory_space<vmem>>, vector<2560x128xf32>
    %get3A_68 = arith.constant 0 : index
    %get3A_69 = arith.constant 0 : index
    %get3A_70 = vector.load %arg4[%get3A_68, %get3A_69] : memref<2560x128xf32, #tpu.memory_space<vmem>>, vector<2560x128xf32>
    %concatenate3A = tpu.concatenate %get3A_67, %get3A_70, %add3A_64 in 1 : vector<2560x128xf32>, vector<2560x128xf32>, vector<2560x128xf32> -> vector<2560x384xf32>
    %get3A_71 = arith.constant 0 : index
    %get3A_72 = arith.constant 0 : index
    %get3A_73 = vector.load %arg8[%get3A_71, %get3A_72] : memref<384x512xf32, #tpu.memory_space<vmem>>, vector<384x512xf32>
    %dot_general3A = arith.constant dense<0.000000e+00> : vector<2560x512xf32>
    %dot_general3A_74 = tpu.matmul %concatenate3A, %get3A_73, %dot_general3A {dimension_numbers = #tpu.dot_dimension_numbers<[1], [0], [0], [1], [0, 0, 1, 1], [], []>, transpose_lhs_hint = false} : vector<2560x384xf32>, vector<384x512xf32>, vector<2560x512xf32> -> vector<2560x512xf32>
    %slice3A = vector.extract_strided_slice %dot_general3A_74 {offsets = [0, 0], sizes = [2560, 256], strides = [1, 1]} : vector<2560x512xf32> to vector<2560x256xf32>
    %slice3A_75 = vector.extract_strided_slice %dot_general3A_74 {offsets = [0, 256], sizes = [2560, 256], strides = [1, 1]} : vector<2560x512xf32> to vector<2560x256xf32>
    %get3A_76 = arith.constant 0 : index
    %get3A_77 = arith.constant 0 : index
    %get3A_78 = vector.load %arg15[%get3A_76, %get3A_77] : memref<1x128xf32, #tpu.memory_space<vmem>>, vector<1x128xf32>
    %round3A_79 = math.roundeven %get3A_78 : vector<1x128xf32>
    %sub3A_80 = arith.subf %get3A_78, %round3A_79 : vector<1x128xf32>
    %mul3A_81 = arith.mulf %sub3A_80, %sub3A_80 : vector<1x128xf32>
    %mul3A_82 = arith.constant -1.46084297 : f32
    %mul3A_83 = vector.broadcast %mul3A_82 : f32 to vector<1x128xf32>
    %mul3A_84 = arith.mulf %mul3A_83, %mul3A_81 : vector<1x128xf32>
    %add3A_85 = arith.constant 7.80652618 : f32
    %add3A_86 = vector.broadcast %add3A_85 : f32 to vector<1x128xf32>
    %add3A_87 = arith.addf %mul3A_84, %add3A_86 : vector<1x128xf32>
    %mul3A_88 = arith.mulf %add3A_87, %mul3A_81 : vector<1x128xf32>
    %add3A_89 = arith.constant -26.4067364 : f32
    %add3A_90 = vector.broadcast %add3A_89 : f32 to vector<1x128xf32>
    %add3A_91 = arith.addf %mul3A_88, %add3A_90 : vector<1x128xf32>
    %mul3A_92 = arith.mulf %add3A_91, %mul3A_81 : vector<1x128xf32>
    %add3A_93 = arith.constant 60.2424622 : f32
    %add3A_94 = vector.broadcast %add3A_93 : f32 to vector<1x128xf32>
    %add3A_95 = arith.addf %mul3A_92, %add3A_94 : vector<1x128xf32>
    %mul3A_96 = arith.mulf %add3A_95, %mul3A_81 : vector<1x128xf32>
    %add3A_97 = arith.constant -85.4566879 : f32
    %add3A_98 = vector.broadcast %add3A_97 : f32 to vector<1x128xf32>
    %add3A_99 = arith.addf %mul3A_96, %add3A_98 : vector<1x128xf32>
    %mul3A_100 = arith.mulf %add3A_99, %mul3A_81 : vector<1x128xf32>
    %add3A_101 = arith.constant 64.9393921 : f32
    %add3A_102 = vector.broadcast %add3A_101 : f32 to vector<1x128xf32>
    %add3A_103 = arith.addf %mul3A_100, %add3A_102 : vector<1x128xf32>
    %mul3A_104 = arith.mulf %add3A_103, %mul3A_81 : vector<1x128xf32>
    %add3A_105 = arith.constant -19.7392082 : f32
    %add3A_106 = vector.broadcast %add3A_105 : f32 to vector<1x128xf32>
    %add3A_107 = arith.addf %mul3A_104, %add3A_106 : vector<1x128xf32>
    %mul3A_108 = arith.mulf %add3A_107, %mul3A_81 : vector<1x128xf32>
    %add3A_109 = arith.constant 1.000000e+00 : f32
    %add3A_110 = vector.broadcast %add3A_109 : f32 to vector<1x128xf32>
    %add3A_111 = arith.addf %mul3A_108, %add3A_110 : vector<1x128xf32>
    %get3A_112 = arith.constant 0 : index
    %get3A_113 = arith.constant 0 : index
    %get3A_114 = vector.load %arg7[%get3A_112, %get3A_113] : memref<256x256xf32, #tpu.memory_space<vmem>>, vector<256x256xf32>
    %slice3A_115 = vector.extract_strided_slice %get3A_114 {offsets = [128, 0], sizes = [128, 256], strides = [1, 1]} : vector<256x256xf32> to vector<128x256xf32>
    %dot_general3A_116 = arith.constant dense<0.000000e+00> : vector<1x256xf32>
    %dot_general3A_117 = tpu.matmul %add3A_111, %slice3A_115, %dot_general3A_116 {dimension_numbers = #tpu.dot_dimension_numbers<[1], [0], [0], [1], [0, 0, 1, 1], [], []>, transpose_lhs_hint = false} : vector<1x128xf32>, vector<128x256xf32>, vector<1x256xf32> -> vector<1x256xf32>
    %get3A_118 = arith.constant 0 : index
    %get3A_119 = arith.constant 0 : index
    %get3A_120 = vector.load %arg1[%get3A_118, %get3A_119] : memref<128x128xf32, #tpu.memory_space<vmem>>, vector<128x128xf32>
    %get3A_121 = arith.constant 0 : index
    %get3A_122 = arith.constant 0 : index
    %get3A_123 = vector.load %arg7[%get3A_121, %get3A_122] : memref<256x256xf32, #tpu.memory_space<vmem>>, vector<256x256xf32>
    %slice3A_124 = vector.extract_strided_slice %get3A_123 {offsets = [0, 0], sizes = [128, 256], strides = [1, 1]} : vector<256x256xf32> to vector<128x256xf32>
    %dot_general3A_125 = arith.constant dense<0.000000e+00> : vector<128x256xf32>
    %dot_general3A_126 = tpu.matmul %get3A_120, %slice3A_124, %dot_general3A_125 {dimension_numbers = #tpu.dot_dimension_numbers<[1], [0], [0], [1], [0, 0, 1, 1], [], []>, transpose_lhs_hint = false} : vector<128x128xf32>, vector<128x256xf32>, vector<128x256xf32> -> vector<128x256xf32>
    %add3A_127 = vector.broadcast %dot_general3A_117 : vector<1x256xf32> to vector<128x256xf32>
    %add3A_128 = arith.addf %dot_general3A_126, %add3A_127 : vector<128x256xf32>
    %reshape3A_129 = vector.shape_cast %add3A_128 : vector<128x256xf32> to vector<128x1x256xf32>
    %broadcast_in_dim3A_130 = vector.shape_cast %reshape3A_129 : vector<128x1x256xf32> to vector<128x1x256xf32>
    %broadcast_in_dim3A_131 = vector.broadcast %broadcast_in_dim3A_130 : vector<128x1x256xf32> to vector<128x20x256xf32>
    %reshape3A_132 = vector.shape_cast %broadcast_in_dim3A_131 : vector<128x20x256xf32> to vector<2560x256xf32>
    %mul3A_133 = arith.mulf %slice3A, %reshape3A_132 : vector<2560x256xf32>
    %get3A_134 = arith.constant 0 : index
    %get3A_135 = arith.constant 0 : index
    %get3A_136 = vector.load %arg16[%get3A_134, %get3A_135] : memref<256x4xf32, #tpu.memory_space<vmem>>, vector<256x4xf32>
    %dot_general3A_137 = arith.constant dense<0.000000e+00> : vector<2560x4xf32>
    %dot_general3A_138 = tpu.matmul %mul3A_133, %get3A_136, %dot_general3A_137 {dimension_numbers = #tpu.dot_dimension_numbers<[1], [0], [0], [1], [0, 0, 1, 1], [], []>, transpose_lhs_hint = false} : vector<2560x256xf32>, vector<256x4xf32>, vector<2560x4xf32> -> vector<2560x4xf32>
    %mul3A_139 = arith.constant 1.250000e-01 : f32
    %mul3A_140 = vector.broadcast %mul3A_139 : f32 to vector<2560x4xf32>
    %mul3A_141 = arith.mulf %dot_general3A_138, %mul3A_140 : vector<2560x4xf32>
    %gt3A = arith.constant 5.000000e-01 : f32
    %gt3A_142 = vector.broadcast %gt3A : f32 to vector<2560x1xf32>
    %gt3A_143 = arith.cmpf ogt, %broadcast_in_dim3A_23, %gt3A_142 : vector<2560x1xf32>
    %jit3A = arith.constant -1.000000e+10 : f32
    %broadcast_in_dim3A_144 = vector.shape_cast %gt3A_143 : vector<2560x1xi1> to vector<2560x1xi1>
    %broadcast_in_dim3A_145 = vector.broadcast %broadcast_in_dim3A_144 : vector<2560x1xi1> to vector<2560x4xi1>
    %broadcast_in_dim3A_146 = vector.broadcast %jit3A : f32 to vector<2560x4xf32>
    %select_n3A = arith.select %broadcast_in_dim3A_145, %broadcast_in_dim3A_146, %mul3A_141 : vector<2560x4xi1>, vector<2560x4xf32>
    %reshape3A_147 = vector.shape_cast %select_n3A : vector<2560x4xf32> to vector<128x20x4xf32>
    %reduce_max3A = arith.constant dense<0xFF800000> : vector<128x4xf32>
    %reduce_max3A_148 = vector.multi_reduction <maximumf>, %reshape3A_147, %reduce_max3A [1] : vector<128x20x4xf32> to vector<128x4xf32>
    %broadcast_in_dim3A_149 = vector.shape_cast %reduce_max3A_148 : vector<128x4xf32> to vector<128x1x4xf32>
    %sub3A_150 = vector.broadcast %broadcast_in_dim3A_149 : vector<128x1x4xf32> to vector<128x20x4xf32>
    %sub3A_151 = arith.subf %reshape3A_147, %sub3A_150 : vector<128x20x4xf32>
    %exp3A = math.exp %sub3A_151 : vector<128x20x4xf32>
    %reduce_sum3A_152 = arith.constant dense<0.000000e+00> : vector<128x4xf32>
    %reduce_sum3A_153 = vector.multi_reduction <add>, %exp3A, %reduce_sum3A_152 [1] : vector<128x20x4xf32> to vector<128x4xf32>
    %broadcast_in_dim3A_154 = vector.shape_cast %reduce_sum3A_153 : vector<128x4xf32> to vector<128x1x4xf32>
    %div3A = vector.broadcast %broadcast_in_dim3A_154 : vector<128x1x4xf32> to vector<128x20x4xf32>
    %div3A_155 = arith.divf %exp3A, %div3A : vector<128x20x4xf32>
    %reshape3A_156 = vector.shape_cast %div3A_155 : vector<128x20x4xf32> to vector<2560x4xf32>
    %get3A_157 = arith.constant 0 : index
    %get3A_158 = arith.constant 0 : index
    %get3A_159 = vector.load %arg17[%get3A_157, %get3A_158] : memref<4x256xf32, #tpu.memory_space<vmem>>, vector<4x256xf32>
    %dot_general3A_160 = arith.constant dense<0.000000e+00> : vector<2560x256xf32>
    %dot_general3A_161 = tpu.matmul %reshape3A_156, %get3A_159, %dot_general3A_160 {dimension_numbers = #tpu.dot_dimension_numbers<[1], [0], [0], [1], [0, 0, 1, 1], [], []>, transpose_lhs_hint = false} : vector<2560x4xf32>, vector<4x256xf32>, vector<2560x256xf32> -> vector<2560x256xf32>
    %mul3A_162 = arith.mulf %dot_general3A_161, %slice3A_75 : vector<2560x256xf32>
    %reshape3A_163 = vector.shape_cast %mul3A_162 : vector<2560x256xf32> to vector<128x20x256xf32>
    %reduce_sum3A_164 = arith.constant dense<0.000000e+00> : vector<128x256xf32>
    %reduce_sum3A_165 = vector.multi_reduction <add>, %reshape3A_163, %reduce_sum3A_164 [1] : vector<128x20x256xf32> to vector<128x256xf32>
    %get3A_166 = arith.constant 0 : index
    %get3A_167 = arith.constant 0 : index
    %get3A_168 = vector.load %arg9[%get3A_166, %get3A_167] : memref<256x256xf32, #tpu.memory_space<vmem>>, vector<256x256xf32>
    %dot_general3A_169 = arith.constant dense<0.000000e+00> : vector<128x256xf32>
    %dot_general3A_170 = tpu.matmul %reduce_sum3A_165, %get3A_168, %dot_general3A_169 {dimension_numbers = #tpu.dot_dimension_numbers<[1], [0], [0], [1], [0, 0, 1, 1], [], []>, transpose_lhs_hint = false} : vector<128x256xf32>, vector<256x256xf32>, vector<128x256xf32> -> vector<128x256xf32>
    %get3A_171 = arith.constant 0 : index
    %get3A_172 = arith.constant 0 : index
    %get3A_173 = vector.load %arg2[%get3A_171, %get3A_172] : memref<128x128xf32, #tpu.memory_space<vmem>>, vector<128x128xf32>
    %concatenate3A_174 = tpu.concatenate %dot_general3A_170, %get3A_173 in 1 : vector<128x256xf32>, vector<128x128xf32> -> vector<128x384xf32>
    %get3A_175 = arith.constant 0 : index
    %get3A_176 = arith.constant 0 : index
    %get3A_177 = vector.load %arg10[%get3A_175, %get3A_176] : memref<384x128xf32, #tpu.memory_space<vmem>>, vector<384x128xf32>
    %dot_general3A_178 = arith.constant dense<0.000000e+00> : vector<128x128xf32>
    %dot_general3A_179 = tpu.matmul %concatenate3A_174, %get3A_177, %dot_general3A_178 {dimension_numbers = #tpu.dot_dimension_numbers<[1], [0], [0], [1], [0, 0, 1, 1], [], []>, transpose_lhs_hint = false} : vector<128x384xf32>, vector<384x128xf32>, vector<128x128xf32> -> vector<128x128xf32>
    %get3A_180 = arith.constant 0 : index
    %get3A_181 = arith.constant 0 : index
    %get3A_182 = vector.load %arg11[%get3A_180, %get3A_181] : memref<1x128xf32, #tpu.memory_space<vmem>>, vector<1x128xf32>
    %add3A_183 = vector.broadcast %get3A_182 : vector<1x128xf32> to vector<128x128xf32>
    %add3A_184 = arith.addf %dot_general3A_179, %add3A_183 : vector<128x128xf32>
    %max3A = arith.constant 0.000000e+00 : f32
    %max3A_185 = vector.broadcast %max3A : f32 to vector<128x128xf32>
    %max3A_186 = arith.maximumf %add3A_184, %max3A_185 : vector<128x128xf32>
    %get3A_187 = arith.constant 0 : index
    %get3A_188 = arith.constant 0 : index
    %get3A_189 = vector.load %arg12[%get3A_187, %get3A_188] : memref<128x128xf32, #tpu.memory_space<vmem>>, vector<128x128xf32>
    %dot_general3A_190 = arith.constant dense<0.000000e+00> : vector<128x128xf32>
    %dot_general3A_191 = tpu.matmul %max3A_186, %get3A_189, %dot_general3A_190 {dimension_numbers = #tpu.dot_dimension_numbers<[1], [0], [0], [1], [0, 0, 1, 1], [], []>, transpose_lhs_hint = false} : vector<128x128xf32>, vector<128x128xf32>, vector<128x128xf32> -> vector<128x128xf32>
    %get3A_192 = arith.constant 0 : index
    %get3A_193 = arith.constant 0 : index
    %get3A_194 = vector.load %arg13[%get3A_192, %get3A_193] : memref<1x128xf32, #tpu.memory_space<vmem>>, vector<1x128xf32>
    %add3A_195 = vector.broadcast %get3A_194 : vector<1x128xf32> to vector<128x128xf32>
    %add3A_196 = arith.addf %dot_general3A_191, %add3A_195 : vector<128x128xf32>
    %swap3A = arith.constant 0 : index
    %swap3A_197 = arith.constant 0 : index
    %swap3A_198 = vector.load %arg19[%swap3A, %swap3A_197] : memref<128x128xf32, #tpu.memory_space<vmem>>, vector<128x128xf32>
    tpu.vector_store %arg19[%swap3A, %swap3A_197], %add3A_196 {strides = array<i32>} : memref<128x128xf32, #tpu.memory_space<vmem>>, vector<128x128xf32>,
    return
  }
  func.func @transform_0(%arg0: i32) -> (i32, i32) {
    %add3A = arith.constant 840 : i32
    %add3A_0 = arith.addi %add3A, %arg0 : i32
    %c0_i32 = arith.constant 0 : i32
    %c0_i32_1 = arith.constant 0 : i32
    return %add3A_0, %c0_i32 : i32, i32
  }
  func.func @transform_1(%arg0: i32) -> (i32, i32) {
    %add3A = arith.constant 840 : i32
    %add3A_0 = arith.addi %add3A, %arg0 : i32
    %c0_i32 = arith.constant 0 : i32
    %c0_i32_1 = arith.constant 0 : i32
    return %add3A_0, %c0_i32 : i32, i32
  }
  func.func @transform_2(%arg0: i32) -> (i32, i32) {
    %add3A = arith.constant 0 : i32
    %add3A_0 = arith.addi %add3A, %arg0 : i32
    %c0_i32 = arith.constant 0 : i32
    %c0_i32_1 = arith.constant 0 : i32
    return %add3A_0, %c0_i32 : i32, i32
  }
  func.func @transform_3(%arg0: i32) -> (i32, i32) {
    %add3A = arith.constant 0 : i32
    %add3A_0 = arith.addi %add3A, %arg0 : i32
    %c0_i32 = arith.constant 0 : i32
    %c0_i32_1 = arith.constant 0 : i32
    return %add3A_0, %c0_i32 : i32, i32
  }
  func.func @transform_4(%arg0: i32) -> (i32, i32, i32) {
    %add3A = arith.constant 0 : i32
    %add3A_0 = arith.addi %add3A, %arg0 : i32
    %c0_i32 = arith.constant 0 : i32
    %c0_i32_1 = arith.constant 0 : i32
    %c0_i32_2 = arith.constant 0 : i32
    return %add3A_0, %c0_i32, %c0_i32_1 : i32, i32, i32
  }
  func.func @transform_5(%arg0: i32) -> (i32, i32, i32) {
    %add3A = arith.constant 0 : i32
    %add3A_0 = arith.addi %add3A, %arg0 : i32
    %c0_i32 = arith.constant 0 : i32
    %c0_i32_1 = arith.constant 0 : i32
    %c0_i32_2 = arith.constant 0 : i32
    return %add3A_0, %c0_i32, %c0_i32_1 : i32, i32, i32
  }
  func.func @transform_6(%arg0: i32) -> (i32, i32) {
    %c0_i32 = arith.constant 0 : i32
    %c0_i32_0 = arith.constant 0 : i32
    %c0_i32_1 = arith.constant 0 : i32
    return %c0_i32, %c0_i32_0 : i32, i32
  }
  func.func @transform_7(%arg0: i32) -> (i32, i32) {
    %c0_i32 = arith.constant 0 : i32
    %c0_i32_0 = arith.constant 0 : i32
    %c0_i32_1 = arith.constant 0 : i32
    return %c0_i32, %c0_i32_0 : i32, i32
  }
  func.func @transform_8(%arg0: i32) -> (i32, i32) {
    %c0_i32 = arith.constant 0 : i32
    %c0_i32_0 = arith.constant 0 : i32
    %c0_i32_1 = arith.constant 0 : i32
    return %c0_i32, %c0_i32_0 : i32, i32
  }
  func.func @transform_9(%arg0: i32) -> (i32, i32) {
    %c0_i32 = arith.constant 0 : i32
    %c0_i32_0 = arith.constant 0 : i32
    %c0_i32_1 = arith.constant 0 : i32
    return %c0_i32, %c0_i32_0 : i32, i32
  }
  func.func @transform_10(%arg0: i32) -> (i32, i32) {
    %c0_i32 = arith.constant 0 : i32
    %c0_i32_0 = arith.constant 0 : i32
    %c0_i32_1 = arith.constant 0 : i32
    return %c0_i32, %c0_i32_0 : i32, i32
  }
  func.func @transform_11(%arg0: i32) -> (i32, i32) {
    %c0_i32 = arith.constant 0 : i32
    %c0_i32_0 = arith.constant 0 : i32
    %c0_i32_1 = arith.constant 0 : i32
    return %c0_i32, %c0_i32_0 : i32, i32
  }
  func.func @transform_12(%arg0: i32) -> (i32, i32) {
    %c0_i32 = arith.constant 0 : i32
    %c0_i32_0 = arith.constant 0 : i32
    %c0_i32_1 = arith.constant 0 : i32
    return %c0_i32, %c0_i32_0 : i32, i32
  }
  func.func @transform_13(%arg0: i32) -> (i32, i32) {
    %c0_i32 = arith.constant 0 : i32
    %c0_i32_0 = arith.constant 0 : i32
    %c0_i32_1 = arith.constant 0 : i32
    return %c0_i32, %c0_i32_0 : i32, i32
  }
  func.func @transform_14(%arg0: i32) -> (i32, i32) {
    %c0_i32 = arith.constant 0 : i32
    %c0_i32_0 = arith.constant 0 : i32
    %c0_i32_1 = arith.constant 0 : i32
    return %c0_i32, %c0_i32_0 : i32, i32
  }
  func.func @transform_15(%arg0: i32) -> (i32, i32) {
    %c0_i32 = arith.constant 0 : i32
    %c0_i32_0 = arith.constant 0 : i32
    %c0_i32_1 = arith.constant 0 : i32
    return %c0_i32, %c0_i32_0 : i32, i32
  }
  func.func @transform_16(%arg0: i32) -> (i32, i32) {
    %c0_i32 = arith.constant 0 : i32
    %c0_i32_0 = arith.constant 0 : i32
    %c0_i32_1 = arith.constant 0 : i32
    return %c0_i32, %c0_i32_0 : i32, i32
  }
  func.func @transform_17(%arg0: i32) -> (i32, i32) {
    %c0_i32 = arith.constant 0 : i32
    %c0_i32_0 = arith.constant 0 : i32
    %c0_i32_1 = arith.constant 0 : i32
    return %c0_i32, %c0_i32_0 : i32, i32
  }
  func.func @transform_18(%arg0: i32) -> (i32, i32) {
    %c0_i32 = arith.constant 0 : i32
    %c0_i32_0 = arith.constant 0 : i32
    return %arg0, %c0_i32 : i32, i32
  }
}

module attributes {stable_mosaic.version = 14 : i64} {
  func.func @_attn_body(%arg0: i32, %arg1: memref<128x128xf32, #tpu.memory_space<vmem>>, %arg2: memref<128x128xf32, #tpu.memory_space<vmem>>, %arg3: memref<2560x128xf32, #tpu.memory_space<vmem>>, %arg4: memref<2560x128xf32, #tpu.memory_space<vmem>>, %arg5: memref<1x20x128xf32, #tpu.memory_space<vmem>>, %arg6: memref<1x20x128xf32, #tpu.memory_space<vmem>>, %arg7: memref<256x256xf32, #tpu.memory_space<vmem>>, %arg8: memref<384x512xf32, #tpu.memory_space<vmem>>, %arg9: memref<256x256xf32, #tpu.memory_space<vmem>>, %arg10: memref<384x128xf32, #tpu.memory_space<vmem>>, %arg11: memref<1x128xf32, #tpu.memory_space<vmem>>, %arg12: memref<128x128xf32, #tpu.memory_space<vmem>>, %arg13: memref<1x128xf32, #tpu.memory_space<vmem>>, %arg14: memref<1x128xf32, #tpu.memory_space<vmem>>, %arg15: memref<1x128xf32, #tpu.memory_space<vmem>>, %arg16: memref<256x4xf32, #tpu.memory_space<vmem>>, %arg17: memref<4x256xf32, #tpu.memory_space<vmem>>, %arg18: memref<2560x128xf32, #tpu.memory_space<vmem>>, %arg19: memref<128x128xf32, #tpu.memory_space<vmem>>) attributes {dimension_semantics = [#tpu.dimension_semantics<arbitrary>], iteration_bounds = array<i64: 42>, scalar_prefetch = 0 : i64, scratch_operands = 0 : i64, tpu.core_type = #tpu.core_type<tc>, window_params = [{transform_indices = @transform_0, window_bounds = array<i64: 128, 128>}, {transform_indices = @transform_1, window_bounds = array<i64: 128, 128>}, {transform_indices = @transform_2, window_bounds = array<i64: 2560, 128>}, {transform_indices = @transform_3, window_bounds = array<i64: 2560, 128>}, {transform_indices = @transform_4, window_bounds = array<i64: 1, 20, 128>}, {transform_indices = @transform_5, window_bounds = array<i64: 1, 20, 128>}, {pipeline_mode = #tpu.pipeline_mode<synchronous>, transform_indices = @transform_6, window_bounds = array<i64: 256, 256>}, {pipeline_mode = #tpu.pipeline_mode<synchronous>, transform_indices = @transform_7, window_bounds = array<i64: 384, 512>}, {pipeline_mode = #tpu.pipeline_mode<synchronous>, transform_indices = @transform_8, window_bounds = array<i64: 256, 256>}, {pipeline_mode = #tpu.pipeline_mode<synchronous>, transform_indices = @transform_9, window_bounds = array<i64: 384, 128>}, {pipeline_mode = #tpu.pipeline_mode<synchronous>, transform_indices = @transform_10, window_bounds = array<i64: 1, 128>}, {pipeline_mode = #tpu.pipeline_mode<synchronous>, transform_indices = @transform_11, window_bounds = array<i64: 128, 128>}, {pipeline_mode = #tpu.pipeline_mode<synchronous>, transform_indices = @transform_12, window_bounds = array<i64: 1, 128>}, {pipeline_mode = #tpu.pipeline_mode<synchronous>, transform_indices = @transform_13, window_bounds = array<i64: 1, 128>}, {pipeline_mode = #tpu.pipeline_mode<synchronous>, transform_indices = @transform_14, window_bounds = array<i64: 1, 128>}, {pipeline_mode = #tpu.pipeline_mode<synchronous>, transform_indices = @transform_15, window_bounds = array<i64: 256, 4>}, {pipeline_mode = #tpu.pipeline_mode<synchronous>, transform_indices = @transform_16, window_bounds = array<i64: 4, 256>}, {pipeline_mode = #tpu.pipeline_mode<synchronous>, transform_indices = @transform_17, window_bounds = array<i64: 2560, 128>}, {transform_indices = @transform_18, window_bounds = array<i64: 128, 128>}]} {
    %get3A = arith.constant 0 : index
    %get3A_0 = arith.constant 0 : index
    %get3A_1 = vector.load %arg18[%get3A, %get3A_0] : memref<2560x128xf32, #tpu.memory_space<vmem>>, vector<2560x128xf32>
    %get3A_2 = arith.constant 0 : index
    %get3A_3 = arith.constant 0 : index
    %get3A_4 = arith.constant 0 : index
    %get3A_5 = vector.load %arg5[%get3A_2, %get3A_3, %get3A_4] : memref<1x20x128xf32, #tpu.memory_space<vmem>>, vector<1x20x128xf32>
    %get3A_6 = vector.shape_cast %get3A_5 : vector<1x20x128xf32> to vector<20x128xf32>
    %broadcast_in_dim3A = vector.shape_cast %get3A_6 : vector<20x128xf32> to vector<20x1x128xf32>
    %broadcast_in_dim3A_7 = vector.shape_cast %broadcast_in_dim3A : vector<20x1x128xf32> to vector<20x1x128xf32>
    %broadcast_in_dim3A_8 = vector.broadcast %broadcast_in_dim3A_7 : vector<20x1x128xf32> to vector<20x128x128xf32>
    %reshape3A = vector.shape_cast %broadcast_in_dim3A_8 : vector<20x128x128xf32> to vector<2560x128xf32>
    %mul3A = arith.mulf %reshape3A, %get3A_1 : vector<2560x128xf32>
    %reduce_sum3A = arith.constant dense<0.000000e+00> : vector<2560xf32>
    %reduce_sum3A_9 = vector.multi_reduction <add>, %mul3A, %reduce_sum3A [1] : vector<2560x128xf32> to vector<2560xf32>
    %broadcast_in_dim3A_10 = vector.shape_cast %reduce_sum3A_9 : vector<2560xf32> to vector<2560x1xf32>
    %get3A_11 = arith.constant 0 : index
    %get3A_12 = arith.constant 0 : index
    %get3A_13 = arith.constant 0 : index
    %get3A_14 = vector.load %arg6[%get3A_11, %get3A_12, %get3A_13] : memref<1x20x128xf32, #tpu.memory_space<vmem>>, vector<1x20x128xf32>
    %get3A_15 = vector.shape_cast %get3A_14 : vector<1x20x128xf32> to vector<20x128xf32>
    %broadcast_in_dim3A_16 = vector.shape_cast %get3A_15 : vector<20x128xf32> to vector<20x1x128xf32>
    %broadcast_in_dim3A_17 = vector.shape_cast %broadcast_in_dim3A_16 : vector<20x1x128xf32> to vector<20x1x128xf32>
    %broadcast_in_dim3A_18 = vector.broadcast %broadcast_in_dim3A_17 : vector<20x1x128xf32> to vector<20x128x128xf32>
    %reshape3A_19 = vector.shape_cast %broadcast_in_dim3A_18 : vector<20x128x128xf32> to vector<2560x128xf32>
    %mul3A_20 = arith.mulf %reshape3A_19, %get3A_1 : vector<2560x128xf32>
    %reduce_sum3A_21 = arith.constant dense<0.000000e+00> : vector<2560xf32>
    %reduce_sum3A_22 = vector.multi_reduction <add>, %mul3A_20, %reduce_sum3A_21 [1] : vector<2560x128xf32> to vector<2560xf32>
    %broadcast_in_dim3A_23 = vector.shape_cast %reduce_sum3A_22 : vector<2560xf32> to vector<2560x1xf32>
    %get3A_24 = arith.constant 0 : index
    %get3A_25 = arith.constant 0 : index
    %get3A_26 = vector.load %arg14[%get3A_24, %get3A_25] : memref<1x128xf32, #tpu.memory_space<vmem>>, vector<1x128xf32>
    %mul3A_27 = vector.broadcast %broadcast_in_dim3A_10 : vector<2560x1xf32> to vector<2560x128xf32>
    %mul3A_28 = vector.broadcast %get3A_26 : vector<1x128xf32> to vector<2560x128xf32>
    %mul3A_29 = arith.mulf %mul3A_27, %mul3A_28 : vector<2560x128xf32>
    %get3A_30 = arith.constant 0 : index
    %get3A_31 = arith.constant 0 : index
    %get3A_32 = vector.load %arg15[%get3A_30, %get3A_31] : memref<1x128xf32, #tpu.memory_space<vmem>>, vector<1x128xf32>
    %add3A = vector.broadcast %get3A_32 : vector<1x128xf32> to vector<2560x128xf32>
    %add3A_33 = arith.addf %mul3A_29, %add3A : vector<2560x128xf32>
    %round3A = math.roundeven %add3A_33 : vector<2560x128xf32>
    %sub3A = arith.subf %add3A_33, %round3A : vector<2560x128xf32>
    %mul3A_34 = arith.mulf %sub3A, %sub3A : vector<2560x128xf32>
    %mul3A_35 = arith.constant -1.46084297 : f32
    %mul3A_36 = vector.broadcast %mul3A_35 : f32 to vector<2560x128xf32>
    %mul3A_37 = arith.mulf %mul3A_36, %mul3A_34 : vector<2560x128xf32>
    %add3A_38 = arith.constant 7.80652618 : f32
    %add3A_39 = vector.broadcast %add3A_38 : f32 to vector<2560x128xf32>
    %add3A_40 = arith.addf %mul3A_37, %add3A_39 : vector<2560x128xf32>
    %mul3A_41 = arith.mulf %add3A_40, %mul3A_34 : vector<2560x128xf32>
    %add3A_42 = arith.constant -26.4067364 : f32
    %add3A_43 = vector.broadcast %add3A_42 : f32 to vector<2560x128xf32>
    %add3A_44 = arith.addf %mul3A_41, %add3A_43 : vector<2560x128xf32>
    %mul3A_45 = arith.mulf %add3A_44, %mul3A_34 : vector<2560x128xf32>
    %add3A_46 = arith.constant 60.2424622 : f32
    %add3A_47 = vector.broadcast %add3A_46 : f32 to vector<2560x128xf32>
    %add3A_48 = arith.addf %mul3A_45, %add3A_47 : vector<2560x128xf32>
    %mul3A_49 = arith.mulf %add3A_48, %mul3A_34 : vector<2560x128xf32>
    %add3A_50 = arith.constant -85.4566879 : f32
    %add3A_51 = vector.broadcast %add3A_50 : f32 to vector<2560x128xf32>
    %add3A_52 = arith.addf %mul3A_49, %add3A_51 : vector<2560x128xf32>
    %mul3A_53 = arith.mulf %add3A_52, %mul3A_34 : vector<2560x128xf32>
    %add3A_54 = arith.constant 64.9393921 : f32
    %add3A_55 = vector.broadcast %add3A_54 : f32 to vector<2560x128xf32>
    %add3A_56 = arith.addf %mul3A_53, %add3A_55 : vector<2560x128xf32>
    %mul3A_57 = arith.mulf %add3A_56, %mul3A_34 : vector<2560x128xf32>
    %add3A_58 = arith.constant -19.7392082 : f32
    %add3A_59 = vector.broadcast %add3A_58 : f32 to vector<2560x128xf32>
    %add3A_60 = arith.addf %mul3A_57, %add3A_59 : vector<2560x128xf32>
    %mul3A_61 = arith.mulf %add3A_60, %mul3A_34 : vector<2560x128xf32>
    %add3A_62 = arith.constant 1.000000e+00 : f32
    %add3A_63 = vector.broadcast %add3A_62 : f32 to vector<2560x128xf32>
    %add3A_64 = arith.addf %mul3A_61, %add3A_63 : vector<2560x128xf32>
    %get3A_65 = arith.constant 0 : index
    %get3A_66 = arith.constant 0 : index
    %get3A_67 = vector.load %arg3[%get3A_65, %get3A_66] : memref<2560x128xf32, #tpu.memory_space<vmem>>, vector<2560x128xf32>
    %get3A_68 = arith.constant 0 : index
    %get3A_69 = arith.constant 0 : index
    %get3A_70 = vector.load %arg4[%get3A_68, %get3A_69] : memref<2560x128xf32, #tpu.memory_space<vmem>>, vector<2560x128xf32>
    %concatenate3A = tpu.concatenate %get3A_67, %get3A_70, %add3A_64 in 1 : vector<2560x128xf32>, vector<2560x128xf32>, vector<2560x128xf32> -> vector<2560x384xf32>
    %get3A_71 = arith.constant 0 : index
    %get3A_72 = arith.constant 0 : index
    %get3A_73 = vector.load %arg8[%get3A_71, %get3A_72] : memref<384x512xf32, #tpu.memory_space<vmem>>, vector<384x512xf32>
    %dot_general3A = arith.constant dense<0.000000e+00> : vector<2560x512xf32>
    %dot_general3A_74 = tpu.matmul %concatenate3A, %get3A_73, %dot_general3A {dimension_numbers = #tpu.dot_dimension_numbers<[1], [0], [0], [1], [0, 0, 1, 1], [], []>, transpose_lhs_hint = false} : vector<2560x384xf32>, vector<384x512xf32>, vector<2560x512xf32> -> vector<2560x512xf32>
    %slice3A = vector.extract_strided_slice %dot_general3A_74 {offsets = [0, 0], sizes = [2560, 256], strides = [1, 1]} : vector<2560x512xf32> to vector<2560x256xf32>
    %slice3A_75 = vector.extract_strided_slice %dot_general3A_74 {offsets = [0, 256], sizes = [2560, 256], strides = [1, 1]} : vector<2560x512xf32> to vector<2560x256xf32>
    %get3A_76 = arith.constant 0 : index
    %get3A_77 = arith.constant 0 : index
    %get3A_78 = vector.load %arg15[%get3A_76, %get3A_77] : memref<1x128xf32, #tpu.memory_space<vmem>>, vector<1x128xf32>
    %round3A_79 = math.roundeven %get3A_78 : vector<1x128xf32>
    %sub3A_80 = arith.subf %get3A_78, %round3A_79 : vector<1x128xf32>
    %mul3A_81 = arith.mulf %sub3A_80, %sub3A_80 : vector<1x128xf32>
    %mul3A_82 = arith.constant -1.46084297 : f32
    %mul3A_83 = vector.broadcast %mul3A_82 : f32 to vector<1x128xf32>
    %mul3A_84 = arith.mulf %mul3A_83, %mul3A_81 : vector<1x128xf32>
    %add3A_85 = arith.constant 7.80652618 : f32
    %add3A_86 = vector.broadcast %add3A_85 : f32 to vector<1x128xf32>
    %add3A_87 = arith.addf %mul3A_84, %add3A_86 : vector<1x128xf32>
    %mul3A_88 = arith.mulf %add3A_87, %mul3A_81 : vector<1x128xf32>
    %add3A_89 = arith.constant -26.4067364 : f32
    %add3A_90 = vector.broadcast %add3A_89 : f32 to vector<1x128xf32>
    %add3A_91 = arith.addf %mul3A_88, %add3A_90 : vector<1x128xf32>
    %mul3A_92 = arith.mulf %add3A_91, %mul3A_81 : vector<1x128xf32>
    %add3A_93 = arith.constant 60.2424622 : f32
    %add3A_94 = vector.broadcast %add3A_93 : f32 to vector<1x128xf32>
    %add3A_95 = arith.addf %mul3A_92, %add3A_94 : vector<1x128xf32>
    %mul3A_96 = arith.mulf %add3A_95, %mul3A_81 : vector<1x128xf32>
    %add3A_97 = arith.constant -85.4566879 : f32
    %add3A_98 = vector.broadcast %add3A_97 : f32 to vector<1x128xf32>
    %add3A_99 = arith.addf %mul3A_96, %add3A_98 : vector<1x128xf32>
    %mul3A_100 = arith.mulf %add3A_99, %mul3A_81 : vector<1x128xf32>
    %add3A_101 = arith.constant 64.9393921 : f32
    %add3A_102 = vector.broadcast %add3A_101 : f32 to vector<1x128xf32>
    %add3A_103 = arith.addf %mul3A_100, %add3A_102 : vector<1x128xf32>
    %mul3A_104 = arith.mulf %add3A_103, %mul3A_81 : vector<1x128xf32>
    %add3A_105 = arith.constant -19.7392082 : f32
    %add3A_106 = vector.broadcast %add3A_105 : f32 to vector<1x128xf32>
    %add3A_107 = arith.addf %mul3A_104, %add3A_106 : vector<1x128xf32>
    %mul3A_108 = arith.mulf %add3A_107, %mul3A_81 : vector<1x128xf32>
    %add3A_109 = arith.constant 1.000000e+00 : f32
    %add3A_110 = vector.broadcast %add3A_109 : f32 to vector<1x128xf32>
    %add3A_111 = arith.addf %mul3A_108, %add3A_110 : vector<1x128xf32>
    %get3A_112 = arith.constant 0 : index
    %get3A_113 = arith.constant 0 : index
    %get3A_114 = vector.load %arg7[%get3A_112, %get3A_113] : memref<256x256xf32, #tpu.memory_space<vmem>>, vector<256x256xf32>
    %slice3A_115 = vector.extract_strided_slice %get3A_114 {offsets = [128, 0], sizes = [128, 256], strides = [1, 1]} : vector<256x256xf32> to vector<128x256xf32>
    %dot_general3A_116 = arith.constant dense<0.000000e+00> : vector<1x256xf32>
    %dot_general3A_117 = tpu.matmul %add3A_111, %slice3A_115, %dot_general3A_116 {dimension_numbers = #tpu.dot_dimension_numbers<[1], [0], [0], [1], [0, 0, 1, 1], [], []>, transpose_lhs_hint = false} : vector<1x128xf32>, vector<128x256xf32>, vector<1x256xf32> -> vector<1x256xf32>
    %get3A_118 = arith.constant 0 : index
    %get3A_119 = arith.constant 0 : index
    %get3A_120 = vector.load %arg1[%get3A_118, %get3A_119] : memref<128x128xf32, #tpu.memory_space<vmem>>, vector<128x128xf32>
    %get3A_121 = arith.constant 0 : index
    %get3A_122 = arith.constant 0 : index
    %get3A_123 = vector.load %arg7[%get3A_121, %get3A_122] : memref<256x256xf32, #tpu.memory_space<vmem>>, vector<256x256xf32>
    %slice3A_124 = vector.extract_strided_slice %get3A_123 {offsets = [0, 0], sizes = [128, 256], strides = [1, 1]} : vector<256x256xf32> to vector<128x256xf32>
    %dot_general3A_125 = arith.constant dense<0.000000e+00> : vector<128x256xf32>
    %dot_general3A_126 = tpu.matmul %get3A_120, %slice3A_124, %dot_general3A_125 {dimension_numbers = #tpu.dot_dimension_numbers<[1], [0], [0], [1], [0, 0, 1, 1], [], []>, transpose_lhs_hint = false} : vector<128x128xf32>, vector<128x256xf32>, vector<128x256xf32> -> vector<128x256xf32>
    %add3A_127 = vector.broadcast %dot_general3A_117 : vector<1x256xf32> to vector<128x256xf32>
    %add3A_128 = arith.addf %dot_general3A_126, %add3A_127 : vector<128x256xf32>
    %reshape3A_129 = vector.shape_cast %add3A_128 : vector<128x256xf32> to vector<128x1x256xf32>
    %broadcast_in_dim3A_130 = vector.shape_cast %reshape3A_129 : vector<128x1x256xf32> to vector<128x1x256xf32>
    %broadcast_in_dim3A_131 = vector.broadcast %broadcast_in_dim3A_130 : vector<128x1x256xf32> to vector<128x20x256xf32>
    %reshape3A_132 = vector.shape_cast %broadcast_in_dim3A_131 : vector<128x20x256xf32> to vector<2560x256xf32>
    %mul3A_133 = arith.mulf %slice3A, %reshape3A_132 : vector<2560x256xf32>
    %get3A_134 = arith.constant 0 : index
    %get3A_135 = arith.constant 0 : index
    %get3A_136 = vector.load %arg16[%get3A_134, %get3A_135] : memref<256x4xf32, #tpu.memory_space<vmem>>, vector<256x4xf32>
    %dot_general3A_137 = arith.constant dense<0.000000e+00> : vector<2560x4xf32>
    %dot_general3A_138 = tpu.matmul %mul3A_133, %get3A_136, %dot_general3A_137 {dimension_numbers = #tpu.dot_dimension_numbers<[1], [0], [0], [1], [0, 0, 1, 1], [], []>, transpose_lhs_hint = false} : vector<2560x256xf32>, vector<256x4xf32>, vector<2560x4xf32> -> vector<2560x4xf32>
    %mul3A_139 = arith.constant 1.250000e-01 : f32
    %mul3A_140 = vector.broadcast %mul3A_139 : f32 to vector<2560x4xf32>
    %mul3A_141 = arith.mulf %dot_general3A_138, %mul3A_140 : vector<2560x4xf32>
    %gt3A = arith.constant 5.000000e-01 : f32
    %gt3A_142 = vector.broadcast %gt3A : f32 to vector<2560x1xf32>
    %gt3A_143 = arith.cmpf ogt, %broadcast_in_dim3A_23, %gt3A_142 : vector<2560x1xf32>
    %jit3A = arith.constant -1.000000e+10 : f32
    %broadcast_in_dim3A_144 = vector.shape_cast %gt3A_143 : vector<2560x1xi1> to vector<2560x1xi1>
    %broadcast_in_dim3A_145 = vector.broadcast %broadcast_in_dim3A_144 : vector<2560x1xi1> to vector<2560x4xi1>
    %broadcast_in_dim3A_146 = vector.broadcast %jit3A : f32 to vector<2560x4xf32>
    %select_n3A = arith.select %broadcast_in_dim3A_145, %broadcast_in_dim3A_146, %mul3A_141 : vector<2560x4xi1>, vector<2560x4xf32>
    %reshape3A_147 = vector.shape_cast %select_n3A : vector<2560x4xf32> to vector<128x20x4xf32>
    %reduce_max3A = arith.constant dense<0xFF800000> : vector<128x4xf32>
    %reduce_max3A_148 = vector.multi_reduction <maximumf>, %reshape3A_147, %reduce_max3A [1] : vector<128x20x4xf32> to vector<128x4xf32>
    %broadcast_in_dim3A_149 = vector.shape_cast %reduce_max3A_148 : vector<128x4xf32> to vector<128x1x4xf32>
    %sub3A_150 = vector.broadcast %broadcast_in_dim3A_149 : vector<128x1x4xf32> to vector<128x20x4xf32>
    %sub3A_151 = arith.subf %reshape3A_147, %sub3A_150 : vector<128x20x4xf32>
    %exp3A = math.exp %sub3A_151 : vector<128x20x4xf32>
    %reduce_sum3A_152 = arith.constant dense<0.000000e+00> : vector<128x4xf32>
    %reduce_sum3A_153 = vector.multi_reduction <add>, %exp3A, %reduce_sum3A_152 [1] : vector<128x20x4xf32> to vector<128x4xf32>
    %broadcast_in_dim3A_154 = vector.shape_cast %reduce_sum3A_153 : vector<128x4xf32> to vector<128x1x4xf32>
    %div3A = vector.broadcast %broadcast_in_dim3A_154 : vector<128x1x4xf32> to vector<128x20x4xf32>
    %div3A_155 = arith.divf %exp3A, %div3A : vector<128x20x4xf32>
    %reshape3A_156 = vector.shape_cast %div3A_155 : vector<128x20x4xf32> to vector<2560x4xf32>
    %get3A_157 = arith.constant 0 : index
    %get3A_158 = arith.constant 0 : index
    %get3A_159 = vector.load %arg17[%get3A_157, %get3A_158] : memref<4x256xf32, #tpu.memory_space<vmem>>, vector<4x256xf32>
    %dot_general3A_160 = arith.constant dense<0.000000e+00> : vector<2560x256xf32>
    %dot_general3A_161 = tpu.matmul %reshape3A_156, %get3A_159, %dot_general3A_160 {dimension_numbers = #tpu.dot_dimension_numbers<[1], [0], [0], [1], [0, 0, 1, 1], [], []>, transpose_lhs_hint = false} : vector<2560x4xf32>, vector<4x256xf32>, vector<2560x256xf32> -> vector<2560x256xf32>
    %mul3A_162 = arith.mulf %dot_general3A_161, %slice3A_75 : vector<2560x256xf32>
    %reshape3A_163 = vector.shape_cast %mul3A_162 : vector<2560x256xf32> to vector<128x20x256xf32>
    %reduce_sum3A_164 = arith.constant dense<0.000000e+00> : vector<128x256xf32>
    %reduce_sum3A_165 = vector.multi_reduction <add>, %reshape3A_163, %reduce_sum3A_164 [1] : vector<128x20x256xf32> to vector<128x256xf32>
    %get3A_166 = arith.constant 0 : index
    %get3A_167 = arith.constant 0 : index
    %get3A_168 = vector.load %arg9[%get3A_166, %get3A_167] : memref<256x256xf32, #tpu.memory_space<vmem>>, vector<256x256xf32>
    %dot_general3A_169 = arith.constant dense<0.000000e+00> : vector<128x256xf32>
    %dot_general3A_170 = tpu.matmul %reduce_sum3A_165, %get3A_168, %dot_general3A_169 {dimension_numbers = #tpu.dot_dimension_numbers<[1], [0], [0], [1], [0, 0, 1, 1], [], []>, transpose_lhs_hint = false} : vector<128x256xf32>, vector<256x256xf32>, vector<128x256xf32> -> vector<128x256xf32>
    %get3A_171 = arith.constant 0 : index
    %get3A_172 = arith.constant 0 : index
    %get3A_173 = vector.load %arg2[%get3A_171, %get3A_172] : memref<128x128xf32, #tpu.memory_space<vmem>>, vector<128x128xf32>
    %concatenate3A_174 = tpu.concatenate %dot_general3A_170, %get3A_173 in 1 : vector<128x256xf32>, vector<128x128xf32> -> vector<128x384xf32>
    %get3A_175 = arith.constant 0 : index
    %get3A_176 = arith.constant 0 : index
    %get3A_177 = vector.load %arg10[%get3A_175, %get3A_176] : memref<384x128xf32, #tpu.memory_space<vmem>>, vector<384x128xf32>
    %dot_general3A_178 = arith.constant dense<0.000000e+00> : vector<128x128xf32>
    %dot_general3A_179 = tpu.matmul %concatenate3A_174, %get3A_177, %dot_general3A_178 {dimension_numbers = #tpu.dot_dimension_numbers<[1], [0], [0], [1], [0, 0, 1, 1], [], []>, transpose_lhs_hint = false} : vector<128x384xf32>, vector<384x128xf32>, vector<128x128xf32> -> vector<128x128xf32>
    %get3A_180 = arith.constant 0 : index
    %get3A_181 = arith.constant 0 : index
    %get3A_182 = vector.load %arg11[%get3A_180, %get3A_181] : memref<1x128xf32, #tpu.memory_space<vmem>>, vector<1x128xf32>
    %add3A_183 = vector.broadcast %get3A_182 : vector<1x128xf32> to vector<128x128xf32>
    %add3A_184 = arith.addf %dot_general3A_179, %add3A_183 : vector<128x128xf32>
    %max3A = arith.constant 0.000000e+00 : f32
    %max3A_185 = vector.broadcast %max3A : f32 to vector<128x128xf32>
    %max3A_186 = arith.maximumf %add3A_184, %max3A_185 : vector<128x128xf32>
    %get3A_187 = arith.constant 0 : index
    %get3A_188 = arith.constant 0 : index
    %get3A_189 = vector.load %arg12[%get3A_187, %get3A_188] : memref<128x128xf32, #tpu.memory_space<vmem>>, vector<128x128xf32>
    %dot_general3A_190 = arith.constant dense<0.000000e+00> : vector<128x128xf32>
    %dot_general3A_191 = tpu.matmul %max3A_186, %get3A_189, %dot_general3A_190 {dimension_numbers = #tpu.dot_dimension_numbers<[1], [0], [0], [1], [0, 0, 1, 1], [], []>, transpose_lhs_hint = false} : vector<128x128xf32>, vector<128x128xf32>, vector<128x128xf32> -> vector<128x128xf32>
    %get3A_192 = arith.constant 0 : index
    %get3A_193 = arith.constant 0 : index
    %get3A_194 = vector.load %arg13[%get3A_192, %get3A_193] : memref<1x128xf32, #tpu.memory_space<vmem>>, vector<1x128xf32>
    %add3A_195 = vector.broadcast %get3A_194 : vector<1x128xf32> to vector<128x128xf32>
    %add3A_196 = arith.addf %dot_general3A_191, %add3A_195 : vector<128x128xf32>
    %swap3A = arith.constant 0 : index
    %swap3A_197 = arith.constant 0 : index
    %swap3A_198 = vector.load %arg19[%swap3A, %swap3A_197] : memref<128x128xf32, #tpu.memory_space<vmem>>, vector<128x128xf32>
    tpu.vector_store %arg19[%swap3A, %swap3A_197], %add3A_196 {strides = array<i32>} : memref<128x128xf32, #tpu.memory_space<vmem>>, vector<128x128xf32>,
    return
  }
  func.func @transform_0(%arg0: i32) -> (i32, i32) {
    %add3A = arith.constant 840 : i32
    %add3A_0 = arith.addi %add3A, %arg0 : i32
    %c0_i32 = arith.constant 0 : i32
    %c0_i32_1 = arith.constant 0 : i32
    return %add3A_0, %c0_i32 : i32, i32
  }
  func.func @transform_1(%arg0: i32) -> (i32, i32) {
    %add3A = arith.constant 840 : i32
    %add3A_0 = arith.addi %add3A, %arg0 : i32
    %c0_i32 = arith.constant 0 : i32
    %c0_i32_1 = arith.constant 0 : i32
    return %add3A_0, %c0_i32 : i32, i32
  }
  func.func @transform_2(%arg0: i32) -> (i32, i32) {
    %add3A = arith.constant 0 : i32
    %add3A_0 = arith.addi %add3A, %arg0 : i32
    %c0_i32 = arith.constant 0 : i32
    %c0_i32_1 = arith.constant 0 : i32
    return %add3A_0, %c0_i32 : i32, i32
  }
  func.func @transform_3(%arg0: i32) -> (i32, i32) {
    %add3A = arith.constant 0 : i32
    %add3A_0 = arith.addi %add3A, %arg0 : i32
    %c0_i32 = arith.constant 0 : i32
    %c0_i32_1 = arith.constant 0 : i32
    return %add3A_0, %c0_i32 : i32, i32
  }
  func.func @transform_4(%arg0: i32) -> (i32, i32, i32) {
    %add3A = arith.constant 42 : i32
    %add3A_0 = arith.addi %add3A, %arg0 : i32
    %c0_i32 = arith.constant 0 : i32
    %c0_i32_1 = arith.constant 0 : i32
    %c0_i32_2 = arith.constant 0 : i32
    return %add3A_0, %c0_i32, %c0_i32_1 : i32, i32, i32
  }
  func.func @transform_5(%arg0: i32) -> (i32, i32, i32) {
    %add3A = arith.constant 42 : i32
    %add3A_0 = arith.addi %add3A, %arg0 : i32
    %c0_i32 = arith.constant 0 : i32
    %c0_i32_1 = arith.constant 0 : i32
    %c0_i32_2 = arith.constant 0 : i32
    return %add3A_0, %c0_i32, %c0_i32_1 : i32, i32, i32
  }
  func.func @transform_6(%arg0: i32) -> (i32, i32) {
    %c0_i32 = arith.constant 0 : i32
    %c0_i32_0 = arith.constant 0 : i32
    %c0_i32_1 = arith.constant 0 : i32
    return %c0_i32, %c0_i32_0 : i32, i32
  }
  func.func @transform_7(%arg0: i32) -> (i32, i32) {
    %c0_i32 = arith.constant 0 : i32
    %c0_i32_0 = arith.constant 0 : i32
    %c0_i32_1 = arith.constant 0 : i32
    return %c0_i32, %c0_i32_0 : i32, i32
  }
  func.func @transform_8(%arg0: i32) -> (i32, i32) {
    %c0_i32 = arith.constant 0 : i32
    %c0_i32_0 = arith.constant 0 : i32
    %c0_i32_1 = arith.constant 0 : i32
    return %c0_i32, %c0_i32_0 : i32, i32
  }
  func.func @transform_9(%arg0: i32) -> (i32, i32) {
    %c0_i32 = arith.constant 0 : i32
    %c0_i32_0 = arith.constant 0 : i32
    %c0_i32_1 = arith.constant 0 : i32
    return %c0_i32, %c0_i32_0 : i32, i32
  }
  func.func @transform_10(%arg0: i32) -> (i32, i32) {
    %c0_i32 = arith.constant 0 : i32
    %c0_i32_0 = arith.constant 0 : i32
    %c0_i32_1 = arith.constant 0 : i32
    return %c0_i32, %c0_i32_0 : i32, i32
  }
  func.func @transform_11(%arg0: i32) -> (i32, i32) {
    %c0_i32 = arith.constant 0 : i32
    %c0_i32_0 = arith.constant 0 : i32
    %c0_i32_1 = arith.constant 0 : i32
    return %c0_i32, %c0_i32_0 : i32, i32
  }
  func.func @transform_12(%arg0: i32) -> (i32, i32) {
    %c0_i32 = arith.constant 0 : i32
    %c0_i32_0 = arith.constant 0 : i32
    %c0_i32_1 = arith.constant 0 : i32
    return %c0_i32, %c0_i32_0 : i32, i32
  }
  func.func @transform_13(%arg0: i32) -> (i32, i32) {
    %c0_i32 = arith.constant 0 : i32
    %c0_i32_0 = arith.constant 0 : i32
    %c0_i32_1 = arith.constant 0 : i32
    return %c0_i32, %c0_i32_0 : i32, i32
  }
  func.func @transform_14(%arg0: i32) -> (i32, i32) {
    %c0_i32 = arith.constant 0 : i32
    %c0_i32_0 = arith.constant 0 : i32
    %c0_i32_1 = arith.constant 0 : i32
    return %c0_i32, %c0_i32_0 : i32, i32
  }
  func.func @transform_15(%arg0: i32) -> (i32, i32) {
    %c0_i32 = arith.constant 0 : i32
    %c0_i32_0 = arith.constant 0 : i32
    %c0_i32_1 = arith.constant 0 : i32
    return %c0_i32, %c0_i32_0 : i32, i32
  }
  func.func @transform_16(%arg0: i32) -> (i32, i32) {
    %c0_i32 = arith.constant 0 : i32
    %c0_i32_0 = arith.constant 0 : i32
    %c0_i32_1 = arith.constant 0 : i32
    return %c0_i32, %c0_i32_0 : i32, i32
  }
  func.func @transform_17(%arg0: i32) -> (i32, i32) {
    %c0_i32 = arith.constant 0 : i32
    %c0_i32_0 = arith.constant 0 : i32
    %c0_i32_1 = arith.constant 0 : i32
    return %c0_i32, %c0_i32_0 : i32, i32
  }
  func.func @transform_18(%arg0: i32) -> (i32, i32) {
    %c0_i32 = arith.constant 0 : i32
    %c0_i32_0 = arith.constant 0 : i32
    return %arg0, %c0_i32 : i32, i32
  }
}

module attributes {stable_mosaic.version = 14 : i64} {
  func.func @_attn_body(%arg0: i32, %arg1: memref<128x128xf32, #tpu.memory_space<vmem>>, %arg2: memref<128x128xf32, #tpu.memory_space<vmem>>, %arg3: memref<2560x128xf32, #tpu.memory_space<vmem>>, %arg4: memref<2560x128xf32, #tpu.memory_space<vmem>>, %arg5: memref<1x20x128xf32, #tpu.memory_space<vmem>>, %arg6: memref<1x20x128xf32, #tpu.memory_space<vmem>>, %arg7: memref<256x256xf32, #tpu.memory_space<vmem>>, %arg8: memref<384x512xf32, #tpu.memory_space<vmem>>, %arg9: memref<256x256xf32, #tpu.memory_space<vmem>>, %arg10: memref<384x128xf32, #tpu.memory_space<vmem>>, %arg11: memref<1x128xf32, #tpu.memory_space<vmem>>, %arg12: memref<128x128xf32, #tpu.memory_space<vmem>>, %arg13: memref<1x128xf32, #tpu.memory_space<vmem>>, %arg14: memref<1x128xf32, #tpu.memory_space<vmem>>, %arg15: memref<1x128xf32, #tpu.memory_space<vmem>>, %arg16: memref<256x4xf32, #tpu.memory_space<vmem>>, %arg17: memref<4x256xf32, #tpu.memory_space<vmem>>, %arg18: memref<2560x128xf32, #tpu.memory_space<vmem>>, %arg19: memref<128x128xf32, #tpu.memory_space<vmem>>) attributes {dimension_semantics = [#tpu.dimension_semantics<arbitrary>], iteration_bounds = array<i64: 4>, scalar_prefetch = 0 : i64, scratch_operands = 0 : i64, tpu.core_type = #tpu.core_type<tc>, window_params = [{transform_indices = @transform_0, window_bounds = array<i64: 128, 128>}, {transform_indices = @transform_1, window_bounds = array<i64: 128, 128>}, {transform_indices = @transform_2, window_bounds = array<i64: 2560, 128>}, {transform_indices = @transform_3, window_bounds = array<i64: 2560, 128>}, {transform_indices = @transform_4, window_bounds = array<i64: 1, 20, 128>}, {transform_indices = @transform_5, window_bounds = array<i64: 1, 20, 128>}, {pipeline_mode = #tpu.pipeline_mode<synchronous>, transform_indices = @transform_6, window_bounds = array<i64: 256, 256>}, {pipeline_mode = #tpu.pipeline_mode<synchronous>, transform_indices = @transform_7, window_bounds = array<i64: 384, 512>}, {pipeline_mode = #tpu.pipeline_mode<synchronous>, transform_indices = @transform_8, window_bounds = array<i64: 256, 256>}, {pipeline_mode = #tpu.pipeline_mode<synchronous>, transform_indices = @transform_9, window_bounds = array<i64: 384, 128>}, {pipeline_mode = #tpu.pipeline_mode<synchronous>, transform_indices = @transform_10, window_bounds = array<i64: 1, 128>}, {pipeline_mode = #tpu.pipeline_mode<synchronous>, transform_indices = @transform_11, window_bounds = array<i64: 128, 128>}, {pipeline_mode = #tpu.pipeline_mode<synchronous>, transform_indices = @transform_12, window_bounds = array<i64: 1, 128>}, {pipeline_mode = #tpu.pipeline_mode<synchronous>, transform_indices = @transform_13, window_bounds = array<i64: 1, 128>}, {pipeline_mode = #tpu.pipeline_mode<synchronous>, transform_indices = @transform_14, window_bounds = array<i64: 1, 128>}, {pipeline_mode = #tpu.pipeline_mode<synchronous>, transform_indices = @transform_15, window_bounds = array<i64: 256, 4>}, {pipeline_mode = #tpu.pipeline_mode<synchronous>, transform_indices = @transform_16, window_bounds = array<i64: 4, 256>}, {pipeline_mode = #tpu.pipeline_mode<synchronous>, transform_indices = @transform_17, window_bounds = array<i64: 2560, 128>}, {transform_indices = @transform_18, window_bounds = array<i64: 128, 128>}]} {
    %get3A = arith.constant 0 : index
    %get3A_0 = arith.constant 0 : index
    %get3A_1 = vector.load %arg18[%get3A, %get3A_0] : memref<2560x128xf32, #tpu.memory_space<vmem>>, vector<2560x128xf32>
    %get3A_2 = arith.constant 0 : index
    %get3A_3 = arith.constant 0 : index
    %get3A_4 = arith.constant 0 : index
    %get3A_5 = vector.load %arg5[%get3A_2, %get3A_3, %get3A_4] : memref<1x20x128xf32, #tpu.memory_space<vmem>>, vector<1x20x128xf32>
    %get3A_6 = vector.shape_cast %get3A_5 : vector<1x20x128xf32> to vector<20x128xf32>
    %broadcast_in_dim3A = vector.shape_cast %get3A_6 : vector<20x128xf32> to vector<20x1x128xf32>
    %broadcast_in_dim3A_7 = vector.shape_cast %broadcast_in_dim3A : vector<20x1x128xf32> to vector<20x1x128xf32>
    %broadcast_in_dim3A_8 = vector.broadcast %broadcast_in_dim3A_7 : vector<20x1x128xf32> to vector<20x128x128xf32>
    %reshape3A = vector.shape_cast %broadcast_in_dim3A_8 : vector<20x128x128xf32> to vector<2560x128xf32>
    %mul3A = arith.mulf %reshape3A, %get3A_1 : vector<2560x128xf32>
    %reduce_sum3A = arith.constant dense<0.000000e+00> : vector<2560xf32>
    %reduce_sum3A_9 = vector.multi_reduction <add>, %mul3A, %reduce_sum3A [1] : vector<2560x128xf32> to vector<2560xf32>
    %broadcast_in_dim3A_10 = vector.shape_cast %reduce_sum3A_9 : vector<2560xf32> to vector<2560x1xf32>
    %get3A_11 = arith.constant 0 : index
    %get3A_12 = arith.constant 0 : index
    %get3A_13 = arith.constant 0 : index
    %get3A_14 = vector.load %arg6[%get3A_11, %get3A_12, %get3A_13] : memref<1x20x128xf32, #tpu.memory_space<vmem>>, vector<1x20x128xf32>
    %get3A_15 = vector.shape_cast %get3A_14 : vector<1x20x128xf32> to vector<20x128xf32>
    %broadcast_in_dim3A_16 = vector.shape_cast %get3A_15 : vector<20x128xf32> to vector<20x1x128xf32>
    %broadcast_in_dim3A_17 = vector.shape_cast %broadcast_in_dim3A_16 : vector<20x1x128xf32> to vector<20x1x128xf32>
    %broadcast_in_dim3A_18 = vector.broadcast %broadcast_in_dim3A_17 : vector<20x1x128xf32> to vector<20x128x128xf32>
    %reshape3A_19 = vector.shape_cast %broadcast_in_dim3A_18 : vector<20x128x128xf32> to vector<2560x128xf32>
    %mul3A_20 = arith.mulf %reshape3A_19, %get3A_1 : vector<2560x128xf32>
    %reduce_sum3A_21 = arith.constant dense<0.000000e+00> : vector<2560xf32>
    %reduce_sum3A_22 = vector.multi_reduction <add>, %mul3A_20, %reduce_sum3A_21 [1] : vector<2560x128xf32> to vector<2560xf32>
    %broadcast_in_dim3A_23 = vector.shape_cast %reduce_sum3A_22 : vector<2560xf32> to vector<2560x1xf32>
    %get3A_24 = arith.constant 0 : index
    %get3A_25 = arith.constant 0 : index
    %get3A_26 = vector.load %arg14[%get3A_24, %get3A_25] : memref<1x128xf32, #tpu.memory_space<vmem>>, vector<1x128xf32>
    %mul3A_27 = vector.broadcast %broadcast_in_dim3A_10 : vector<2560x1xf32> to vector<2560x128xf32>
    %mul3A_28 = vector.broadcast %get3A_26 : vector<1x128xf32> to vector<2560x128xf32>
    %mul3A_29 = arith.mulf %mul3A_27, %mul3A_28 : vector<2560x128xf32>
    %get3A_30 = arith.constant 0 : index
    %get3A_31 = arith.constant 0 : index
    %get3A_32 = vector.load %arg15[%get3A_30, %get3A_31] : memref<1x128xf32, #tpu.memory_space<vmem>>, vector<1x128xf32>
    %add3A = vector.broadcast %get3A_32 : vector<1x128xf32> to vector<2560x128xf32>
    %add3A_33 = arith.addf %mul3A_29, %add3A : vector<2560x128xf32>
    %round3A = math.roundeven %add3A_33 : vector<2560x128xf32>
    %sub3A = arith.subf %add3A_33, %round3A : vector<2560x128xf32>
    %mul3A_34 = arith.mulf %sub3A, %sub3A : vector<2560x128xf32>
    %mul3A_35 = arith.constant -1.46084297 : f32
    %mul3A_36 = vector.broadcast %mul3A_35 : f32 to vector<2560x128xf32>
    %mul3A_37 = arith.mulf %mul3A_36, %mul3A_34 : vector<2560x128xf32>
    %add3A_38 = arith.constant 7.80652618 : f32
    %add3A_39 = vector.broadcast %add3A_38 : f32 to vector<2560x128xf32>
    %add3A_40 = arith.addf %mul3A_37, %add3A_39 : vector<2560x128xf32>
    %mul3A_41 = arith.mulf %add3A_40, %mul3A_34 : vector<2560x128xf32>
    %add3A_42 = arith.constant -26.4067364 : f32
    %add3A_43 = vector.broadcast %add3A_42 : f32 to vector<2560x128xf32>
    %add3A_44 = arith.addf %mul3A_41, %add3A_43 : vector<2560x128xf32>
    %mul3A_45 = arith.mulf %add3A_44, %mul3A_34 : vector<2560x128xf32>
    %add3A_46 = arith.constant 60.2424622 : f32
    %add3A_47 = vector.broadcast %add3A_46 : f32 to vector<2560x128xf32>
    %add3A_48 = arith.addf %mul3A_45, %add3A_47 : vector<2560x128xf32>
    %mul3A_49 = arith.mulf %add3A_48, %mul3A_34 : vector<2560x128xf32>
    %add3A_50 = arith.constant -85.4566879 : f32
    %add3A_51 = vector.broadcast %add3A_50 : f32 to vector<2560x128xf32>
    %add3A_52 = arith.addf %mul3A_49, %add3A_51 : vector<2560x128xf32>
    %mul3A_53 = arith.mulf %add3A_52, %mul3A_34 : vector<2560x128xf32>
    %add3A_54 = arith.constant 64.9393921 : f32
    %add3A_55 = vector.broadcast %add3A_54 : f32 to vector<2560x128xf32>
    %add3A_56 = arith.addf %mul3A_53, %add3A_55 : vector<2560x128xf32>
    %mul3A_57 = arith.mulf %add3A_56, %mul3A_34 : vector<2560x128xf32>
    %add3A_58 = arith.constant -19.7392082 : f32
    %add3A_59 = vector.broadcast %add3A_58 : f32 to vector<2560x128xf32>
    %add3A_60 = arith.addf %mul3A_57, %add3A_59 : vector<2560x128xf32>
    %mul3A_61 = arith.mulf %add3A_60, %mul3A_34 : vector<2560x128xf32>
    %add3A_62 = arith.constant 1.000000e+00 : f32
    %add3A_63 = vector.broadcast %add3A_62 : f32 to vector<2560x128xf32>
    %add3A_64 = arith.addf %mul3A_61, %add3A_63 : vector<2560x128xf32>
    %get3A_65 = arith.constant 0 : index
    %get3A_66 = arith.constant 0 : index
    %get3A_67 = vector.load %arg3[%get3A_65, %get3A_66] : memref<2560x128xf32, #tpu.memory_space<vmem>>, vector<2560x128xf32>
    %get3A_68 = arith.constant 0 : index
    %get3A_69 = arith.constant 0 : index
    %get3A_70 = vector.load %arg4[%get3A_68, %get3A_69] : memref<2560x128xf32, #tpu.memory_space<vmem>>, vector<2560x128xf32>
    %concatenate3A = tpu.concatenate %get3A_67, %get3A_70, %add3A_64 in 1 : vector<2560x128xf32>, vector<2560x128xf32>, vector<2560x128xf32> -> vector<2560x384xf32>
    %get3A_71 = arith.constant 0 : index
    %get3A_72 = arith.constant 0 : index
    %get3A_73 = vector.load %arg8[%get3A_71, %get3A_72] : memref<384x512xf32, #tpu.memory_space<vmem>>, vector<384x512xf32>
    %dot_general3A = arith.constant dense<0.000000e+00> : vector<2560x512xf32>
    %dot_general3A_74 = tpu.matmul %concatenate3A, %get3A_73, %dot_general3A {dimension_numbers = #tpu.dot_dimension_numbers<[1], [0], [0], [1], [0, 0, 1, 1], [], []>, transpose_lhs_hint = false} : vector<2560x384xf32>, vector<384x512xf32>, vector<2560x512xf32> -> vector<2560x512xf32>
    %slice3A = vector.extract_strided_slice %dot_general3A_74 {offsets = [0, 0], sizes = [2560, 256], strides = [1, 1]} : vector<2560x512xf32> to vector<2560x256xf32>
    %slice3A_75 = vector.extract_strided_slice %dot_general3A_74 {offsets = [0, 256], sizes = [2560, 256], strides = [1, 1]} : vector<2560x512xf32> to vector<2560x256xf32>
    %get3A_76 = arith.constant 0 : index
    %get3A_77 = arith.constant 0 : index
    %get3A_78 = vector.load %arg15[%get3A_76, %get3A_77] : memref<1x128xf32, #tpu.memory_space<vmem>>, vector<1x128xf32>
    %round3A_79 = math.roundeven %get3A_78 : vector<1x128xf32>
    %sub3A_80 = arith.subf %get3A_78, %round3A_79 : vector<1x128xf32>
    %mul3A_81 = arith.mulf %sub3A_80, %sub3A_80 : vector<1x128xf32>
    %mul3A_82 = arith.constant -1.46084297 : f32
    %mul3A_83 = vector.broadcast %mul3A_82 : f32 to vector<1x128xf32>
    %mul3A_84 = arith.mulf %mul3A_83, %mul3A_81 : vector<1x128xf32>
    %add3A_85 = arith.constant 7.80652618 : f32
    %add3A_86 = vector.broadcast %add3A_85 : f32 to vector<1x128xf32>
    %add3A_87 = arith.addf %mul3A_84, %add3A_86 : vector<1x128xf32>
    %mul3A_88 = arith.mulf %add3A_87, %mul3A_81 : vector<1x128xf32>
    %add3A_89 = arith.constant -26.4067364 : f32
    %add3A_90 = vector.broadcast %add3A_89 : f32 to vector<1x128xf32>
    %add3A_91 = arith.addf %mul3A_88, %add3A_90 : vector<1x128xf32>
    %mul3A_92 = arith.mulf %add3A_91, %mul3A_81 : vector<1x128xf32>
    %add3A_93 = arith.constant 60.2424622 : f32
    %add3A_94 = vector.broadcast %add3A_93 : f32 to vector<1x128xf32>
    %add3A_95 = arith.addf %mul3A_92, %add3A_94 : vector<1x128xf32>
    %mul3A_96 = arith.mulf %add3A_95, %mul3A_81 : vector<1x128xf32>
    %add3A_97 = arith.constant -85.4566879 : f32
    %add3A_98 = vector.broadcast %add3A_97 : f32 to vector<1x128xf32>
    %add3A_99 = arith.addf %mul3A_96, %add3A_98 : vector<1x128xf32>
    %mul3A_100 = arith.mulf %add3A_99, %mul3A_81 : vector<1x128xf32>
    %add3A_101 = arith.constant 64.9393921 : f32
    %add3A_102 = vector.broadcast %add3A_101 : f32 to vector<1x128xf32>
    %add3A_103 = arith.addf %mul3A_100, %add3A_102 : vector<1x128xf32>
    %mul3A_104 = arith.mulf %add3A_103, %mul3A_81 : vector<1x128xf32>
    %add3A_105 = arith.constant -19.7392082 : f32
    %add3A_106 = vector.broadcast %add3A_105 : f32 to vector<1x128xf32>
    %add3A_107 = arith.addf %mul3A_104, %add3A_106 : vector<1x128xf32>
    %mul3A_108 = arith.mulf %add3A_107, %mul3A_81 : vector<1x128xf32>
    %add3A_109 = arith.constant 1.000000e+00 : f32
    %add3A_110 = vector.broadcast %add3A_109 : f32 to vector<1x128xf32>
    %add3A_111 = arith.addf %mul3A_108, %add3A_110 : vector<1x128xf32>
    %get3A_112 = arith.constant 0 : index
    %get3A_113 = arith.constant 0 : index
    %get3A_114 = vector.load %arg7[%get3A_112, %get3A_113] : memref<256x256xf32, #tpu.memory_space<vmem>>, vector<256x256xf32>
    %slice3A_115 = vector.extract_strided_slice %get3A_114 {offsets = [128, 0], sizes = [128, 256], strides = [1, 1]} : vector<256x256xf32> to vector<128x256xf32>
    %dot_general3A_116 = arith.constant dense<0.000000e+00> : vector<1x256xf32>
    %dot_general3A_117 = tpu.matmul %add3A_111, %slice3A_115, %dot_general3A_116 {dimension_numbers = #tpu.dot_dimension_numbers<[1], [0], [0], [1], [0, 0, 1, 1], [], []>, transpose_lhs_hint = false} : vector<1x128xf32>, vector<128x256xf32>, vector<1x256xf32> -> vector<1x256xf32>
    %get3A_118 = arith.constant 0 : index
    %get3A_119 = arith.constant 0 : index
    %get3A_120 = vector.load %arg1[%get3A_118, %get3A_119] : memref<128x128xf32, #tpu.memory_space<vmem>>, vector<128x128xf32>
    %get3A_121 = arith.constant 0 : index
    %get3A_122 = arith.constant 0 : index
    %get3A_123 = vector.load %arg7[%get3A_121, %get3A_122] : memref<256x256xf32, #tpu.memory_space<vmem>>, vector<256x256xf32>
    %slice3A_124 = vector.extract_strided_slice %get3A_123 {offsets = [0, 0], sizes = [128, 256], strides = [1, 1]} : vector<256x256xf32> to vector<128x256xf32>
    %dot_general3A_125 = arith.constant dense<0.000000e+00> : vector<128x256xf32>
    %dot_general3A_126 = tpu.matmul %get3A_120, %slice3A_124, %dot_general3A_125 {dimension_numbers = #tpu.dot_dimension_numbers<[1], [0], [0], [1], [0, 0, 1, 1], [], []>, transpose_lhs_hint = false} : vector<128x128xf32>, vector<128x256xf32>, vector<128x256xf32> -> vector<128x256xf32>
    %add3A_127 = vector.broadcast %dot_general3A_117 : vector<1x256xf32> to vector<128x256xf32>
    %add3A_128 = arith.addf %dot_general3A_126, %add3A_127 : vector<128x256xf32>
    %reshape3A_129 = vector.shape_cast %add3A_128 : vector<128x256xf32> to vector<128x1x256xf32>
    %broadcast_in_dim3A_130 = vector.shape_cast %reshape3A_129 : vector<128x1x256xf32> to vector<128x1x256xf32>
    %broadcast_in_dim3A_131 = vector.broadcast %broadcast_in_dim3A_130 : vector<128x1x256xf32> to vector<128x20x256xf32>
    %reshape3A_132 = vector.shape_cast %broadcast_in_dim3A_131 : vector<128x20x256xf32> to vector<2560x256xf32>
    %mul3A_133 = arith.mulf %slice3A, %reshape3A_132 : vector<2560x256xf32>
    %get3A_134 = arith.constant 0 : index
    %get3A_135 = arith.constant 0 : index
    %get3A_136 = vector.load %arg16[%get3A_134, %get3A_135] : memref<256x4xf32, #tpu.memory_space<vmem>>, vector<256x4xf32>
    %dot_general3A_137 = arith.constant dense<0.000000e+00> : vector<2560x4xf32>
    %dot_general3A_138 = tpu.matmul %mul3A_133, %get3A_136, %dot_general3A_137 {dimension_numbers = #tpu.dot_dimension_numbers<[1], [0], [0], [1], [0, 0, 1, 1], [], []>, transpose_lhs_hint = false} : vector<2560x256xf32>, vector<256x4xf32>, vector<2560x4xf32> -> vector<2560x4xf32>
    %mul3A_139 = arith.constant 1.250000e-01 : f32
    %mul3A_140 = vector.broadcast %mul3A_139 : f32 to vector<2560x4xf32>
    %mul3A_141 = arith.mulf %dot_general3A_138, %mul3A_140 : vector<2560x4xf32>
    %gt3A = arith.constant 5.000000e-01 : f32
    %gt3A_142 = vector.broadcast %gt3A : f32 to vector<2560x1xf32>
    %gt3A_143 = arith.cmpf ogt, %broadcast_in_dim3A_23, %gt3A_142 : vector<2560x1xf32>
    %jit3A = arith.constant -1.000000e+10 : f32
    %broadcast_in_dim3A_144 = vector.shape_cast %gt3A_143 : vector<2560x1xi1> to vector<2560x1xi1>
    %broadcast_in_dim3A_145 = vector.broadcast %broadcast_in_dim3A_144 : vector<2560x1xi1> to vector<2560x4xi1>
    %broadcast_in_dim3A_146 = vector.broadcast %jit3A : f32 to vector<2560x4xf32>
    %select_n3A = arith.select %broadcast_in_dim3A_145, %broadcast_in_dim3A_146, %mul3A_141 : vector<2560x4xi1>, vector<2560x4xf32>
    %reshape3A_147 = vector.shape_cast %select_n3A : vector<2560x4xf32> to vector<128x20x4xf32>
    %reduce_max3A = arith.constant dense<0xFF800000> : vector<128x4xf32>
    %reduce_max3A_148 = vector.multi_reduction <maximumf>, %reshape3A_147, %reduce_max3A [1] : vector<128x20x4xf32> to vector<128x4xf32>
    %broadcast_in_dim3A_149 = vector.shape_cast %reduce_max3A_148 : vector<128x4xf32> to vector<128x1x4xf32>
    %sub3A_150 = vector.broadcast %broadcast_in_dim3A_149 : vector<128x1x4xf32> to vector<128x20x4xf32>
    %sub3A_151 = arith.subf %reshape3A_147, %sub3A_150 : vector<128x20x4xf32>
    %exp3A = math.exp %sub3A_151 : vector<128x20x4xf32>
    %reduce_sum3A_152 = arith.constant dense<0.000000e+00> : vector<128x4xf32>
    %reduce_sum3A_153 = vector.multi_reduction <add>, %exp3A, %reduce_sum3A_152 [1] : vector<128x20x4xf32> to vector<128x4xf32>
    %broadcast_in_dim3A_154 = vector.shape_cast %reduce_sum3A_153 : vector<128x4xf32> to vector<128x1x4xf32>
    %div3A = vector.broadcast %broadcast_in_dim3A_154 : vector<128x1x4xf32> to vector<128x20x4xf32>
    %div3A_155 = arith.divf %exp3A, %div3A : vector<128x20x4xf32>
    %reshape3A_156 = vector.shape_cast %div3A_155 : vector<128x20x4xf32> to vector<2560x4xf32>
    %get3A_157 = arith.constant 0 : index
    %get3A_158 = arith.constant 0 : index
    %get3A_159 = vector.load %arg17[%get3A_157, %get3A_158] : memref<4x256xf32, #tpu.memory_space<vmem>>, vector<4x256xf32>
    %dot_general3A_160 = arith.constant dense<0.000000e+00> : vector<2560x256xf32>
    %dot_general3A_161 = tpu.matmul %reshape3A_156, %get3A_159, %dot_general3A_160 {dimension_numbers = #tpu.dot_dimension_numbers<[1], [0], [0], [1], [0, 0, 1, 1], [], []>, transpose_lhs_hint = false} : vector<2560x4xf32>, vector<4x256xf32>, vector<2560x256xf32> -> vector<2560x256xf32>
    %mul3A_162 = arith.mulf %dot_general3A_161, %slice3A_75 : vector<2560x256xf32>
    %reshape3A_163 = vector.shape_cast %mul3A_162 : vector<2560x256xf32> to vector<128x20x256xf32>
    %reduce_sum3A_164 = arith.constant dense<0.000000e+00> : vector<128x256xf32>
    %reduce_sum3A_165 = vector.multi_reduction <add>, %reshape3A_163, %reduce_sum3A_164 [1] : vector<128x20x256xf32> to vector<128x256xf32>
    %get3A_166 = arith.constant 0 : index
    %get3A_167 = arith.constant 0 : index
    %get3A_168 = vector.load %arg9[%get3A_166, %get3A_167] : memref<256x256xf32, #tpu.memory_space<vmem>>, vector<256x256xf32>
    %dot_general3A_169 = arith.constant dense<0.000000e+00> : vector<128x256xf32>
    %dot_general3A_170 = tpu.matmul %reduce_sum3A_165, %get3A_168, %dot_general3A_169 {dimension_numbers = #tpu.dot_dimension_numbers<[1], [0], [0], [1], [0, 0, 1, 1], [], []>, transpose_lhs_hint = false} : vector<128x256xf32>, vector<256x256xf32>, vector<128x256xf32> -> vector<128x256xf32>
    %get3A_171 = arith.constant 0 : index
    %get3A_172 = arith.constant 0 : index
    %get3A_173 = vector.load %arg2[%get3A_171, %get3A_172] : memref<128x128xf32, #tpu.memory_space<vmem>>, vector<128x128xf32>
    %concatenate3A_174 = tpu.concatenate %dot_general3A_170, %get3A_173 in 1 : vector<128x256xf32>, vector<128x128xf32> -> vector<128x384xf32>
    %get3A_175 = arith.constant 0 : index
    %get3A_176 = arith.constant 0 : index
    %get3A_177 = vector.load %arg10[%get3A_175, %get3A_176] : memref<384x128xf32, #tpu.memory_space<vmem>>, vector<384x128xf32>
    %dot_general3A_178 = arith.constant dense<0.000000e+00> : vector<128x128xf32>
    %dot_general3A_179 = tpu.matmul %concatenate3A_174, %get3A_177, %dot_general3A_178 {dimension_numbers = #tpu.dot_dimension_numbers<[1], [0], [0], [1], [0, 0, 1, 1], [], []>, transpose_lhs_hint = false} : vector<128x384xf32>, vector<384x128xf32>, vector<128x128xf32> -> vector<128x128xf32>
    %get3A_180 = arith.constant 0 : index
    %get3A_181 = arith.constant 0 : index
    %get3A_182 = vector.load %arg11[%get3A_180, %get3A_181] : memref<1x128xf32, #tpu.memory_space<vmem>>, vector<1x128xf32>
    %add3A_183 = vector.broadcast %get3A_182 : vector<1x128xf32> to vector<128x128xf32>
    %add3A_184 = arith.addf %dot_general3A_179, %add3A_183 : vector<128x128xf32>
    %max3A = arith.constant 0.000000e+00 : f32
    %max3A_185 = vector.broadcast %max3A : f32 to vector<128x128xf32>
    %max3A_186 = arith.maximumf %add3A_184, %max3A_185 : vector<128x128xf32>
    %get3A_187 = arith.constant 0 : index
    %get3A_188 = arith.constant 0 : index
    %get3A_189 = vector.load %arg12[%get3A_187, %get3A_188] : memref<128x128xf32, #tpu.memory_space<vmem>>, vector<128x128xf32>
    %dot_general3A_190 = arith.constant dense<0.000000e+00> : vector<128x128xf32>
    %dot_general3A_191 = tpu.matmul %max3A_186, %get3A_189, %dot_general3A_190 {dimension_numbers = #tpu.dot_dimension_numbers<[1], [0], [0], [1], [0, 0, 1, 1], [], []>, transpose_lhs_hint = false} : vector<128x128xf32>, vector<128x128xf32>, vector<128x128xf32> -> vector<128x128xf32>
    %get3A_192 = arith.constant 0 : index
    %get3A_193 = arith.constant 0 : index
    %get3A_194 = vector.load %arg13[%get3A_192, %get3A_193] : memref<1x128xf32, #tpu.memory_space<vmem>>, vector<1x128xf32>
    %add3A_195 = vector.broadcast %get3A_194 : vector<1x128xf32> to vector<128x128xf32>
    %add3A_196 = arith.addf %dot_general3A_191, %add3A_195 : vector<128x128xf32>
    %swap3A = arith.constant 0 : index
    %swap3A_197 = arith.constant 0 : index
    %swap3A_198 = vector.load %arg19[%swap3A, %swap3A_197] : memref<128x128xf32, #tpu.memory_space<vmem>>, vector<128x128xf32>
    tpu.vector_store %arg19[%swap3A, %swap3A_197], %add3A_196 {strides = array<i32>} : memref<128x128xf32, #tpu.memory_space<vmem>>, vector<128x128xf32>,
    return
  }
  func.func @transform_0(%arg0: i32) -> (i32, i32) {
    %add3A = arith.constant 80 : i32
    %add3A_0 = arith.addi %add3A, %arg0 : i32
    %c0_i32 = arith.constant 0 : i32
    %c0_i32_1 = arith.constant 0 : i32
    return %add3A_0, %c0_i32 : i32, i32
  }
  func.func @transform_1(%arg0: i32) -> (i32, i32) {
    %add3A = arith.constant 878 : i32
    %add3A_0 = arith.addi %add3A, %arg0 : i32
    %c0_i32 = arith.constant 0 : i32
    %c0_i32_1 = arith.constant 0 : i32
    return %add3A_0, %c0_i32 : i32, i32
  }
  func.func @transform_2(%arg0: i32) -> (i32, i32) {
    %add3A = arith.constant 0 : i32
    %add3A_0 = arith.addi %add3A, %arg0 : i32
    %c0_i32 = arith.constant 0 : i32
    %c0_i32_1 = arith.constant 0 : i32
    return %add3A_0, %c0_i32 : i32, i32
  }
  func.func @transform_3(%arg0: i32) -> (i32, i32) {
    %add3A = arith.constant 42 : i32
    %add3A_0 = arith.addi %add3A, %arg0 : i32
    %c0_i32 = arith.constant 0 : i32
    %c0_i32_1 = arith.constant 0 : i32
    return %add3A_0, %c0_i32 : i32, i32
  }
  func.func @transform_4(%arg0: i32) -> (i32, i32, i32) {
    %add3A = arith.constant 0 : i32
    %add3A_0 = arith.addi %add3A, %arg0 : i32
    %c0_i32 = arith.constant 0 : i32
    %c0_i32_1 = arith.constant 0 : i32
    %c0_i32_2 = arith.constant 0 : i32
    return %add3A_0, %c0_i32, %c0_i32_1 : i32, i32, i32
  }
  func.func @transform_5(%arg0: i32) -> (i32, i32, i32) {
    %add3A = arith.constant 0 : i32
    %add3A_0 = arith.addi %add3A, %arg0 : i32
    %c0_i32 = arith.constant 0 : i32
    %c0_i32_1 = arith.constant 0 : i32
    %c0_i32_2 = arith.constant 0 : i32
    return %add3A_0, %c0_i32, %c0_i32_1 : i32, i32, i32
  }
  func.func @transform_6(%arg0: i32) -> (i32, i32) {
    %c0_i32 = arith.constant 0 : i32
    %c0_i32_0 = arith.constant 0 : i32
    %c0_i32_1 = arith.constant 0 : i32
    return %c0_i32, %c0_i32_0 : i32, i32
  }
  func.func @transform_7(%arg0: i32) -> (i32, i32) {
    %c0_i32 = arith.constant 0 : i32
    %c0_i32_0 = arith.constant 0 : i32
    %c0_i32_1 = arith.constant 0 : i32
    return %c0_i32, %c0_i32_0 : i32, i32
  }
  func.func @transform_8(%arg0: i32) -> (i32, i32) {
    %c0_i32 = arith.constant 0 : i32
    %c0_i32_0 = arith.constant 0 : i32
    %c0_i32_1 = arith.constant 0 : i32
    return %c0_i32, %c0_i32_0 : i32, i32
  }
  func.func @transform_9(%arg0: i32) -> (i32, i32) {
    %c0_i32 = arith.constant 0 : i32
    %c0_i32_0 = arith.constant 0 : i32
    %c0_i32_1 = arith.constant 0 : i32
    return %c0_i32, %c0_i32_0 : i32, i32
  }
  func.func @transform_10(%arg0: i32) -> (i32, i32) {
    %c0_i32 = arith.constant 0 : i32
    %c0_i32_0 = arith.constant 0 : i32
    %c0_i32_1 = arith.constant 0 : i32
    return %c0_i32, %c0_i32_0 : i32, i32
  }
  func.func @transform_11(%arg0: i32) -> (i32, i32) {
    %c0_i32 = arith.constant 0 : i32
    %c0_i32_0 = arith.constant 0 : i32
    %c0_i32_1 = arith.constant 0 : i32
    return %c0_i32, %c0_i32_0 : i32, i32
  }
  func.func @transform_12(%arg0: i32) -> (i32, i32) {
    %c0_i32 = arith.constant 0 : i32
    %c0_i32_0 = arith.constant 0 : i32
    %c0_i32_1 = arith.constant 0 : i32
    return %c0_i32, %c0_i32_0 : i32, i32
  }
  func.func @transform_13(%arg0: i32) -> (i32, i32) {
    %c0_i32 = arith.constant 0 : i32
    %c0_i32_0 = arith.constant 0 : i32
    %c0_i32_1 = arith.constant 0 : i32
    return %c0_i32, %c0_i32_0 : i32, i32
  }
  func.func @transform_14(%arg0: i32) -> (i32, i32) {
    %c0_i32 = arith.constant 0 : i32
    %c0_i32_0 = arith.constant 0 : i32
    %c0_i32_1 = arith.constant 0 : i32
    return %c0_i32, %c0_i32_0 : i32, i32
  }
  func.func @transform_15(%arg0: i32) -> (i32, i32) {
    %c0_i32 = arith.constant 0 : i32
    %c0_i32_0 = arith.constant 0 : i32
    %c0_i32_1 = arith.constant 0 : i32
    return %c0_i32, %c0_i32_0 : i32, i32
  }
  func.func @transform_16(%arg0: i32) -> (i32, i32) {
    %c0_i32 = arith.constant 0 : i32
    %c0_i32_0 = arith.constant 0 : i32
    %c0_i32_1 = arith.constant 0 : i32
    return %c0_i32, %c0_i32_0 : i32, i32
  }
  func.func @transform_17(%arg0: i32) -> (i32, i32) {
    %c0_i32 = arith.constant 0 : i32
    %c0_i32_0 = arith.constant 0 : i32
    %c0_i32_1 = arith.constant 0 : i32
    return %c0_i32, %c0_i32_0 : i32, i32
  }
  func.func @transform_18(%arg0: i32) -> (i32, i32) {
    %c0_i32 = arith.constant 0 : i32
    %c0_i32_0 = arith.constant 0 : i32
    return %arg0, %c0_i32 : i32, i32
  }
}

</mosaic_0001>

<sc_bundles>
// kernel: kernel.11.cloned.1.call-start
scs
__scs_entry_jumppad:
0x0: {  	(pc) =	sbr.rel $0x88, $3  }
0x1: {  	(tag) =	ssettag $0x0;
	lr =	simm.s32 $0x1  }
0x2: {  	[smem:$0x3F90] =	sst lr;
	_ =	strace $0xD0000000  }
0x3: {  	_ = 	snop  }
0x4: {  	_ = 	snop  }
0x5: {  	_ = 	snop  }
0x6: {  	_ = 	snop  }
0x7: {  	_ = 	snop  }
__scs_overlays_trampoline_lowered:
0x8: {  	[smem:$0x3F9F] =	sst s0  }
0x9: {  	[smem:$0x3FA0] =	sst s1  }
0xa: {  	[smem:$0x3FA1] =	sst s2  }
0xb: {  	[smem:$0x3FA2] =	sst s3  }
0xc: {  	[smem:$0x3FA3] =	sst s4  }
0xd: {  	[smem:$0x3FA4] =	sst s5  }
0xe: {  	[smem:$0x3FA5] =	sst s6  }
0xf: {  	[smem:$0x3FA6] =	sst s7  }
0x10: {  	[smem:$0x3FA7] =	sst s8  }
0x11: {  	[smem:$0x3FA8] =	sst s9;
	s0 =	simm.s32 @!p0 $0x0  }
0x12: {  	s1 =	sld [smem:$0x3F8E];
	s0 =	simm.s32 @p0 $0x1  }
0x13: {  	[smem:$0x3FA9] =	sst s0;
	s0 =	simm.s32 @!p1 $0x0  }
0x14: {  	s2 =	sld [smem:$0x3F8D];
	s0 =	simm.s32 @p1 $0x1  }
0x15: {  	[smem:$0x3FAA] =	sst s0;
	s0 =	simm.s32 @!p2 $0x0  }
0x16: {  	s3 =	sld [smem:$0x3FDB];
	s0 =	simm.s32 @p2 $0x1  }
0x17: {  	s4 =	simm.s32 $0x1BF5;
	[smem:$0x3FAC] =	sst s0  }
0x18: {  	s0 =	sld [smem:$0x3F8F];
	_ =	swait.ge [sflag:s4], $0x0  }
0x19: {  	s7 =	sld [smem:$0x3F90]  }
0x1a: {  	s8 =	sadd.s32 $0xFFFFE003, lr  }
0x1b: {  	s9 =	sadd.s32 $0xFFFFFEF7, lr;
	s5 =	simm.s32 $0xFFFFFFFF;
	p2 =	slt.u32 s8, $0xFFFFF086  }
0x1c: {  	p1 =	slt.u32 s9, $0xF7A;
	s5 =	simm.s32 @!p2 $0x0  }
0x1d: {  	s5 =	simm.s32 @p1 $0x1;
	p0 =	seq.s32 s7, s2  }
0x1e: {  	s7 =	smul.u32 @!p0 $0xF7A, s2;
	p2 =	seq.s32 @!p0 s5, $0x0  }
0x1f: {  	s9 =	smul.u32 $0xF7A, s1;
	s8 =	simm.s32 @!p0 $0x1BF5;
	p2 =	por !p2, p0  }
0x20: {  	[sflag:s8] =	ssyncset.s32 @!p0 $0xFFFFF086;
	s6 =	sadd.s32 @!p0 s3, s7;
	s7 =	simm.s32 @!p0 $0x108  }
0x21: {  	s3 =	sadd.s32 s3, s9;
	s6 =	sadd.s32 @!p0 $0x88, s6;
	s7 =	simm.s32 @p2 $0x1082  }
0x22: {  	[simem:s7], [sflag:s8] =	dma.local @!p0 [hbm:s6], $0xF7A  }
0x23: {  	s9 =	sor.u32 $0xD0000000, s2;
	s6 =	simm.s32 $0x108;
	_ =	swait.ge @!p0 [sflag:s8], $0x0  }
0x24: {  	s3 =	sadd.s32 $0x88, s3;
	s6 =	simm.s32 @!p1 $0x1082;
	[sflag:s4] =	ssyncset.s32 $0xFFFFF086  }
0x25: {  	[simem:s6], [sflag:s4] =	dma.local [hbm:s3], $0xF7A  }
0x26: {  	[smem:$0x3F90] =	sst s1;
	(tag) =	ssettag s2;
	_ =	strace s9  }
0x27: {  	s1 =	sld [smem:$0x3FA0]  }
0x28: {  	s2 =	sld [smem:$0x3FA1]  }
0x29: {  	s4 =	sld [smem:$0x3FA3]  }
0x2a: {  	p0 =	seq.s32 s5, $0x0;
	s5 =	sld [smem:$0x3FA4]  }
0x2b: {  	s6 =	sld [smem:$0x3FA5]  }
0x2c: {  	s7 =	sld [smem:$0x3FA6]  }
0x2d: {  	s3 =	simm.s32 $0x108;
	s8 =	sld [smem:$0x3FA7]  }
0x2e: {  	s3 =	simm.s32 @!p0 $0x1082;
	s9 =	sld [smem:$0x3FA8]  }
0x2f: {  	lr =	sadd.s32 s0, s3;
	s0 =	sld [smem:$0x3F9F]  }
0x30: {  	s3 =	sld [smem:$0x3FA2]  }
0x31: {  	[smem:$0x3FAB] =	sst s10  }
0x32: {  	s10 =	sld [smem:$0x3FA9];
	_ =	sdelay $0x3  }
0x33: {  	p0 =	seq.s32 s10, $0x1;
	s10 =	sld [smem:$0x3FAB];
	_ =	sdelay $0x3  }
0x34: {  	[smem:$0x3FAB] =	sst s10  }
0x35: {  	s10 =	sld [smem:$0x3FAA];
	_ =	sdelay $0x3  }
0x36: {  	p1 =	seq.s32 s10, $0x1;
	s10 =	sld [smem:$0x3FAB];
	_ =	sdelay $0x3  }
0x37: {  	[smem:$0x3FAB] =	sst s10  }
0x38: {  	s10 =	sld [smem:$0x3FAC]  }
0x39: {  	_ = 	snop;
	(pc) =	sbr.ind lr, $3  }
0x3a: {  	_ = 	snop  }
0x3b: {  	_ = 	snop  }
0x3c: {  	p2 =	seq.s32 s10, $0x1;
	s10 =	sld [smem:$0x3FAB]  }
0x3d: {  	_ =	shalt  }
0x3e: {  	_ =	shalt  }
0x3f: {  	_ =	shalt  }
0x40: {  	_ =	shalt  }
0x41: {  	_ =	shalt  }
0x42: {  	_ =	shalt  }
0x43: {  	_ =	shalt  }
0x44: {  	_ =	shalt  }
0x45: {  	_ =	shalt  }
0x46: {  	_ =	shalt  }
0x47: {  	_ =	shalt  }
0x48: {  	_ =	shalt  }
0x49: {  	_ =	shalt  }
0x4a: {  	_ =	shalt  }
0x4b: {  	_ =	shalt  }
0x4c: {  	_ =	shalt  }
0x4d: {  	_ =	shalt  }
0x4e: {  	_ =	shalt  }
0x4f: {  	_ =	shalt  }
0x50: {  	_ =	shalt  }
0x51: {  	_ =	shalt  }
0x52: {  	_ =	shalt  }
0x53: {  	_ =	shalt  }
0x54: {  	_ =	shalt  }
0x55: {  	_ =	shalt  }
0x56: {  	_ =	shalt  }
0x57: {  	_ =	shalt  }
0x58: {  	_ =	shalt  }
0x59: {  	_ =	shalt  }
0x5a: {  	_ =	shalt  }
0x5b: {  	_ =	shalt  }
0x5c: {  	_ =	shalt  }
0x5d: {  	_ =	shalt  }
0x5e: {  	_ =	shalt  }
0x5f: {  	_ =	shalt  }
0x60: {  	_ =	shalt  }
0x61: {  	_ =	shalt  }
0x62: {  	_ =	shalt  }
0x63: {  	_ =	shalt  }
0x64: {  	_ =	shalt  }
0x65: {  	_ =	shalt  }
0x66: {  	_ =	shalt  }
0x67: {  	_ =	shalt  }
0x68: {  	_ =	shalt  }
0x69: {  	_ =	shalt  }
0x6a: {  	_ =	shalt  }
0x6b: {  	_ =	shalt  }
0x6c: {  	_ =	shalt  }
0x6d: {  	_ =	shalt  }
0x6e: {  	_ =	shalt  }
0x6f: {  	_ =	shalt  }
0x70: {  	_ =	shalt  }
0x71: {  	_ =	shalt  }
0x72: {  	_ =	shalt  }
0x73: {  	_ =	shalt  }
0x74: {  	_ =	shalt  }
0x75: {  	_ =	shalt  }
0x76: {  	_ =	shalt  }
0x77: {  	_ =	shalt  }
0x78: {  	_ =	shalt  }
0x79: {  	_ =	shalt  }
0x7a: {  	_ =	shalt  }
0x7b: {  	_ =	shalt  }
0x7c: {  	_ =	shalt  }
0x7d: {  	_ =	shalt  }
0x7e: {  	_ =	shalt  }
0x7f: {  	_ =	shalt  }
0x80: {  	_ =	shalt  }
0x81: {  	_ =	shalt  }
0x82: {  	_ =	shalt  }
0x83: {  	_ =	shalt  }
0x84: {  	_ =	shalt  }
0x85: {  	_ =	shalt  }
0x86: {  	_ =	shalt  }
0x87: {  	_ =	shalt  }
.Lfunc_end0:
.L_simem_size_0:
called_computation_lowered:
.L_overlay_start_0:
0x88: {  	s2 =	sld [smem:$0x3FD9]  }
0x89: {  	s3 =	sld [smem:$0x3FFE];
	_ =	sdelay $0x1  }
0x8a: {  	s1 =	srdreg.scid  }
0x8b: {  	s0 =	sand.u32 $0x1, s1  }
0x8c: {  	s17 =	sshll.u32 s0, $0xA;
	s2 =	sadd.s32 s3, s2  }
0x8d: {  	s2 =	sadd.s32 s2, s17  }
0x8e: {  	[smem:$0x3FB7] =	sst s2  }
0x8f: {  	_ = 	snop  }
0x90: {  	s2 =	sld [smem:$0x3FC9];
	(tm) =	ssettm $0x1  }
0x91: {  	s18 =	sld [smem:$0x3FFB];
	_ =	sdelay $0x3  }
0x92: {  	_ =	strace s18  }
0x93: {  	s3 =	sld [smem:$0x3FFC];
	_ =	sdelay $0x3  }
0x94: {  	_ =	strace s3  }
0x95: {  	s3 =	sld [smem:$0x3FFD];
	_ =	sdelay $0x3  }
0x96: {  	_ =	strace s3  }
0x97: {  	_ =	strace $0x8FFFFFFF  }
0x98: {  	s19 =	sld [smem:$0x3FDB];
	_ =	sdelay $0x1  }
0x99: {  	s4 =	simm.s32 $_scs_section_size  }
0x9a: {  	s5 =	simm.s32 $_size__tile_overlayer_lowered;
	s6 =	simm.s32 $_tile_overlayer_lowered  }
0x9b: {  	s22 =	simm.s32 $0x1BFF;
	s21 =	sshll.u32 s6, $0x1;
	s3 =	sadd.s32 s4, s19  }
0x9c: {  	s7 =	simm.s32 $0x0;
	s20 =	sshll.u32 s5, $0x1;
	s5 =	sadd.s32 s21, s3  }
0x9d: {  	[timem:s7], [sflag:s22] =	dma.local [hbm:s5], s20  }
0x9e: {  	_ =	swait.ge [sflag:s22], s20  }
0x9f: {  	s4 =	ssub.s32 $0x0, s20;
	[sflag:s22] =	ssyncset.done $0x0  }
0xa0: {  	[sflag:s22] =	ssyncadd.s32 s4;
	_ =	sdelay $0x1  }
0xa1: {  	s23 =	simm.s32 $0x1B8B  }
0xa2: {  	_ =	swait.ge [sflag:s23], $0x1  }
0xa3: {  	[sflag:s23] =	ssyncset.done $0x0  }
0xa4: {  	s25 =	simm.s32 $0x1B8E;
	s24 =	sld [smem:$0x3FFE];
	[sflag:s23] =	ssyncadd.s32 $0xFFFFFFFF  }
0xa5: {  	s26 =	simm.s32 $execute0_lowered;
	[smem:$0x3FD2] =	sst s25  }
0xa6: {  	s5 =	sshll.u32 s26, $0x1;
	_ =	strace $0x80000046;
	[dreg:$0x1] =	wrdreg $0xFFFFFFFF  }
0xa7: {  	s28 =	simm.s32 $_size_execute0_lowered;
	s3 =	sadd.s32 s3, s5;
	[dreg:$0x0] =	wrdreg $0x0  }
0xa8: {  	s5 =	sshll.u32 s28, $0x1;
	[dreg:$0x2] =	wrdreg s3  }
0xa9: {  	[dreg:$0x3] =	wrdreg s5  }
0xaa: {  	[dreg:$0x4] =	wrdreg $0xC0  }
0xab: {  	_ =	task [dreg:s7], $0x5FFFF  }
0xac: {  	[dreg:$0x1] =	wrdreg $0xFFFFFFFF  }
0xad: {  	[dreg:$0x0] =	wrdreg $0x60  }
0xae: {  	[dreg:$0x2] =	wrdreg s24  }
0xaf: {  	[dreg:$0x3] =	wrdreg s2  }
0xb0: {  	[dreg:$0x4] =	wrdreg $0x9  }
0xb1: {  	_ =	task.clear_ibuf [dreg:s7], $0x5FFFF;
	_ =	strace $0x90000046  }
0xb2: {  	s29 =	simm.s32 $0x9;
	_ =	strace $0x80000048  }
0xb3: {  	_ =	swait.ge [sflag:s29], $0x1  }
0xb4: {  	[sflag:s29] =	ssyncadd.s32 $0xFFFFFFFF  }
0xb5: {  	_ =	strace $0x90000048  }
0xb6: {  	_ =	sfence  }
0xb7: {  	s30 =	sld [smem:$0x0];
	_ =	sdelay $0x2  }
0xb8: {  	s31 =	sshll.u32 s1, $0xD;
	s1 =	sshrl.u32 s1, $0x2  }
0xb9: {  	s3 =	sand.u32 $0x4000, s31;
	s1 =	sadd.s32 s1, s30  }
0xba: {  	s0 =	sor.u32 s3, s0;
	s1 =	sshll.u32 s1, $0x11  }
0xbb: {  	s0 =	sor.u32 s1, s0  }
0xbc: {  	s0 =	sadd.s32 $0x8F2B, s0  }
0xbd: {  	[sflag:s0] =	ssyncadd.remote.s32 $0x1  }
0xbe: {  	_ =	sfence.sel $0xFFFF  }
0xbf: {  	[dreg:$0x0] =	wrdreg $0xFFFFFFFF;
	(pc) =	sbr.abs _section_cstart, $3  }
0xc0: {  	[dreg:$0x1] =	wrdreg $0xFFFFFFFF  }
0xc1: {  	_ =	task.clear_ibuf [dreg:s7], $0x2FFFF;
	_ =	strace $0x9FFFFFFF  }
0xc2: {  	(tm) =	ssettm $0x7FFFFFFF  }
0xc3: {  	_ =	shalt  }
tec
execute0_lowered:
.L_overlay_start_1:
0x0: {  	(tag) =	ssettag $0x1  }
0x1: {  	s1 =	srdreg.scid;
	s9 =	rddreg [dreg:$0x0]  }
0x2: {  	s0 =	stileid.u32;
	s3 =	rddreg [dreg:$0x1]  }
0x3: {  	s2 =	simm.s32 $0x0;
	s7 =	simm.s32 $0x80;
	s6 =	sand.u32 $0x1, s1  }
0x4: {  	s4 =	sshll.u32 s0, $0x5;
	s1 =	rddreg [dreg:$0x2];
	s5 =	sshll.u32 s6, $0x4  }
0x5: {  	s8 =	simm.s32 $0x1;
	[smem:$0x7FF] =	sst s2;
	s10 =	sor.u32 s5, s4  }
0x6: {  	_ =	strace $0x80000047;
	s11 =	ssub.s32 $0x2, s6;
	s4 =	sshrl.u32 s10, $0x3  }
0x7: {  	s6 =	simm.s32 $0x10;
	s4 =	sadd.s32 s3, s4;
	s3 =	simm.s32 $0x2  }
0x8: {  	[tilespmem:s2], [sflag:$0x2] =	stream.linear.gather [hbm4b:s4+s2], $0x10, $0x38;
	[tilespmem:$0x1080] =	vst v63  }
0x9: {  	s5 =	sadd.s32 $0x6C00, s9;
	s12 =	sshrl.u32 s11, $0x1;
	_ =	swait.ge [sflag:s3], $0x10  }
0xa: {  	s10 =	sshll.u32 s10, $0x4;
	s31 =	ssub.s32 s11, s12;
	[sflag:s3] =	ssyncset.done $0x0  }
0xb: {  	s9 =	sadd.s32 s10, s9;
	s10 =	smax.u32 s31, $0x1;
	[sflag:s3] =	ssyncadd.s32 $0xFFFFFFF0  }
0xc: {  	[tilespmem:s7], [sflag:$0x1] =	stream.indirect.gather [hbm4b:s5+s6], $0x80, s2, s6, $0xb8;
	[tilespmem:$0x1080] =	vst v63  }
0xd: {  	p0 =	sne.s32 s10, $0x1;
	_ =	swait.ge [sflag:s8], $0x800  }
.Ltmp0:
0xe: {  	[sflag:s8] =	ssyncset.done $0x0;
	(pc) =	sbr.rel @!p0 .LBB2_2-.Ltmp0, $4  }
0xf: {  	s9 =	sadd.s32 $0x2DE00, s9;
	[sflag:s8] =	ssyncadd.s32 $0xFFFFF800  }
0x10: {  	[hbm4b:s9+s2] =	stream.linear.scatter [tilespmem:s7], [sflag:$0x2], $0x800, $0x38;
	[tilespmem:$0x1080] =	vst v63  }
0x11: {  	_ =	swait.ge [sflag:s3], $0x800  }
0x12: {  	s10 =	sadd.s32 $0xFFFFFFFF, s10;
	[sflag:s3] =	ssyncset.done $0x0  }
.LBB2_1:
0x13: {  	p0 =	sne.s32 s10, $0x1;
	s10 =	sadd.s32 $0xFFFFFFFF, s10;
	[sflag:s3] =	ssyncadd.s32 $0xFFFFF800  }
0x14: {  	[tilespmem:s2], [sflag:$0x2] =	stream.linear.gather [hbm4b:s4+s2], $0x10, $0x38;
	[tilespmem:$0x1080] =	vst v63  }
0x15: {  	_ =	swait.ge [sflag:s3], $0x10  }
0x16: {  	[sflag:s3] =	ssyncset.done $0x0  }
0x17: {  	[sflag:s3] =	ssyncadd.s32 $0xFFFFFFF0  }
0x18: {  	[tilespmem:s7], [sflag:$0x1] =	stream.indirect.gather [hbm4b:s5+s6], $0x80, s2, s6, $0xb8;
	[tilespmem:$0x1080] =	vst v63  }
0x19: {  	_ =	swait.ge [sflag:s8], $0x800  }
.Ltmp1:
0x1a: {  	[sflag:s8] =	ssyncset.done $0x0;
	(pc) =	sbr.rel @p0 .LBB2_1-.Ltmp1, $4  }
0x1b: {  	[sflag:s8] =	ssyncadd.s32 $0xFFFFF800  }
0x1c: {  	[hbm4b:s9+s2] =	stream.linear.scatter [tilespmem:s7], [sflag:$0x2], $0x800, $0x38;
	[tilespmem:$0x1080] =	vst v63  }
0x1d: {  	_ =	swait.ge [sflag:s3], $0x800  }
0x1e: {  	[sflag:s3] =	ssyncset.done $0x0  }
.LBB2_2:
0x1f: {  	[sflag:s3] =	ssyncadd.s32 $0xFFFFF800  }
0x20: {  	_ =	sfence.sel $0x180000  }
0x21: {  	[bflag:$0x0] =	sbarrier.arrive $0xFFFF  }
0x22: {  	p0 =	sne.s32 s0, $0x0;
	_ =	strace $0x90000047  }
0x23: {  	s0 =	sadd.s32 @!p0 $0x100000, s1;
	[bflag:$0x2] =	sbarrier.arrive $0xFFFF  }
0x24: {  	[sflag:s0] =	ssyncadd.tile.s32 @!p0 $0x1;
	_ =	shalt  }
.Lfunc_end2:
_tile_overlayer_lowered:
.L_overlay_start_2:
0x25: {  	(tag) =	ssettag $0x2  }
0x26: {  	s0 =	rddreg [dreg:$0x0];
	s2 =	stileid.u32  }
0x27: {  	s1 =	rddreg [dreg:$0x1];
	p0 =	sne.s32 s2, $0x0  }
0x28: {  	s3 =	rddreg [dreg:$0x2];
	[bflag:$0x3] =	sbarrier.arrive $0xFFFF;
	s2 =	simm.s32 @!p0 $0x1C02  }
0x29: {  	[timem:s3], [sflag:s2] =	dma.local @!p0 [hbm:s0], s1  }
0x2a: {  	s0 =	simm.s32 @!p0 $0x2  }
0x2b: {  	_ =	swait.ge @!p0 [sflag:s0], s1  }
0x2c: {  	s1 =	ssub.s32 @!p0 $0x0, s1;
	[sflag:s0] =	ssyncset.done @!p0 $0x0  }
0x2d: {  	[sflag:s0] =	ssyncadd.s32 @!p0 s1  }
0x2e: {  	[bflag:$0x3] =	sbarrier.arrive $0xFFFF  }
0x2f: {  	_ =	shalt  }

// kernel: kernel.14.cloned.1.call-start
scs
__scs_entry_jumppad:
0x0: {  	(pc) =	sbr.rel $0x88, $3  }
0x1: {  	(tag) =	ssettag $0x0;
	lr =	simm.s32 $0x1  }
0x2: {  	[smem:$0x3F90] =	sst lr;
	_ =	strace $0xD0000000  }
0x3: {  	_ = 	snop  }
0x4: {  	_ = 	snop  }
0x5: {  	_ = 	snop  }
0x6: {  	_ = 	snop  }
0x7: {  	_ = 	snop  }
__scs_overlays_trampoline_lowered:
0x8: {  	[smem:$0x3F9F] =	sst s0  }
0x9: {  	[smem:$0x3FA0] =	sst s1  }
0xa: {  	[smem:$0x3FA1] =	sst s2  }
0xb: {  	[smem:$0x3FA2] =	sst s3  }
0xc: {  	[smem:$0x3FA3] =	sst s4  }
0xd: {  	[smem:$0x3FA4] =	sst s5  }
0xe: {  	[smem:$0x3FA5] =	sst s6  }
0xf: {  	[smem:$0x3FA6] =	sst s7  }
0x10: {  	[smem:$0x3FA7] =	sst s8  }
0x11: {  	[smem:$0x3FA8] =	sst s9;
	s0 =	simm.s32 @!p0 $0x0  }
0x12: {  	s1 =	sld [smem:$0x3F8E];
	s0 =	simm.s32 @p0 $0x1  }
0x13: {  	[smem:$0x3FA9] =	sst s0;
	s0 =	simm.s32 @!p1 $0x0  }
0x14: {  	s2 =	sld [smem:$0x3F8D];
	s0 =	simm.s32 @p1 $0x1  }
0x15: {  	[smem:$0x3FAA] =	sst s0;
	s0 =	simm.s32 @!p2 $0x0  }
0x16: {  	s3 =	sld [smem:$0x3FDB];
	s0 =	simm.s32 @p2 $0x1  }
0x17: {  	s4 =	simm.s32 $0x1BF5;
	[smem:$0x3FAC] =	sst s0  }
0x18: {  	s0 =	sld [smem:$0x3F8F];
	_ =	swait.ge [sflag:s4], $0x0  }
0x19: {  	s7 =	sld [smem:$0x3F90]  }
0x1a: {  	s8 =	sadd.s32 $0xFFFFE003, lr  }
0x1b: {  	s9 =	sadd.s32 $0xFFFFFEF7, lr;
	s5 =	simm.s32 $0xFFFFFFFF;
	p2 =	slt.u32 s8, $0xFFFFF086  }
0x1c: {  	p1 =	slt.u32 s9, $0xF7A;
	s5 =	simm.s32 @!p2 $0x0  }
0x1d: {  	s5 =	simm.s32 @p1 $0x1;
	p0 =	seq.s32 s7, s2  }
0x1e: {  	s7 =	smul.u32 @!p0 $0xF7A, s2;
	p2 =	seq.s32 @!p0 s5, $0x0  }
0x1f: {  	s9 =	smul.u32 $0xF7A, s1;
	s8 =	simm.s32 @!p0 $0x1BF5;
	p2 =	por !p2, p0  }
0x20: {  	[sflag:s8] =	ssyncset.s32 @!p0 $0xFFFFF086;
	s6 =	sadd.s32 @!p0 s3, s7;
	s7 =	simm.s32 @!p0 $0x108  }
0x21: {  	s3 =	sadd.s32 s3, s9;
	s6 =	sadd.s32 @!p0 $0x88, s6;
	s7 =	simm.s32 @p2 $0x1082  }
0x22: {  	[simem:s7], [sflag:s8] =	dma.local @!p0 [hbm:s6], $0xF7A  }
0x23: {  	s9 =	sor.u32 $0xD0000000, s2;
	s6 =	simm.s32 $0x108;
	_ =	swait.ge @!p0 [sflag:s8], $0x0  }
0x24: {  	s3 =	sadd.s32 $0x88, s3;
	s6 =	simm.s32 @!p1 $0x1082;
	[sflag:s4] =	ssyncset.s32 $0xFFFFF086  }
0x25: {  	[simem:s6], [sflag:s4] =	dma.local [hbm:s3], $0xF7A  }
0x26: {  	[smem:$0x3F90] =	sst s1;
	(tag) =	ssettag s2;
	_ =	strace s9  }
0x27: {  	s1 =	sld [smem:$0x3FA0]  }
0x28: {  	s2 =	sld [smem:$0x3FA1]  }
0x29: {  	s4 =	sld [smem:$0x3FA3]  }
0x2a: {  	p0 =	seq.s32 s5, $0x0;
	s5 =	sld [smem:$0x3FA4]  }
0x2b: {  	s6 =	sld [smem:$0x3FA5]  }
0x2c: {  	s7 =	sld [smem:$0x3FA6]  }
0x2d: {  	s3 =	simm.s32 $0x108;
	s8 =	sld [smem:$0x3FA7]  }
0x2e: {  	s3 =	simm.s32 @!p0 $0x1082;
	s9 =	sld [smem:$0x3FA8]  }
0x2f: {  	lr =	sadd.s32 s0, s3;
	s0 =	sld [smem:$0x3F9F]  }
0x30: {  	s3 =	sld [smem:$0x3FA2]  }
0x31: {  	[smem:$0x3FAB] =	sst s10  }
0x32: {  	s10 =	sld [smem:$0x3FA9];
	_ =	sdelay $0x3  }
0x33: {  	p0 =	seq.s32 s10, $0x1;
	s10 =	sld [smem:$0x3FAB];
	_ =	sdelay $0x3  }
0x34: {  	[smem:$0x3FAB] =	sst s10  }
0x35: {  	s10 =	sld [smem:$0x3FAA];
	_ =	sdelay $0x3  }
0x36: {  	p1 =	seq.s32 s10, $0x1;
	s10 =	sld [smem:$0x3FAB];
	_ =	sdelay $0x3  }
0x37: {  	[smem:$0x3FAB] =	sst s10  }
0x38: {  	s10 =	sld [smem:$0x3FAC]  }
0x39: {  	_ = 	snop;
	(pc) =	sbr.ind lr, $3  }
0x3a: {  	_ = 	snop  }
0x3b: {  	_ = 	snop  }
0x3c: {  	p2 =	seq.s32 s10, $0x1;
	s10 =	sld [smem:$0x3FAB]  }
0x3d: {  	_ =	shalt  }
0x3e: {  	_ =	shalt  }
0x3f: {  	_ =	shalt  }
0x40: {  	_ =	shalt  }
0x41: {  	_ =	shalt  }
0x42: {  	_ =	shalt  }
0x43: {  	_ =	shalt  }
0x44: {  	_ =	shalt  }
0x45: {  	_ =	shalt  }
0x46: {  	_ =	shalt  }
0x47: {  	_ =	shalt  }
0x48: {  	_ =	shalt  }
0x49: {  	_ =	shalt  }
0x4a: {  	_ =	shalt  }
0x4b: {  	_ =	shalt  }
0x4c: {  	_ =	shalt  }
0x4d: {  	_ =	shalt  }
0x4e: {  	_ =	shalt  }
0x4f: {  	_ =	shalt  }
0x50: {  	_ =	shalt  }
0x51: {  	_ =	shalt  }
0x52: {  	_ =	shalt  }
0x53: {  	_ =	shalt  }
0x54: {  	_ =	shalt  }
0x55: {  	_ =	shalt  }
0x56: {  	_ =	shalt  }
0x57: {  	_ =	shalt  }
0x58: {  	_ =	shalt  }
0x59: {  	_ =	shalt  }
0x5a: {  	_ =	shalt  }
0x5b: {  	_ =	shalt  }
0x5c: {  	_ =	shalt  }
0x5d: {  	_ =	shalt  }
0x5e: {  	_ =	shalt  }
0x5f: {  	_ =	shalt  }
0x60: {  	_ =	shalt  }
0x61: {  	_ =	shalt  }
0x62: {  	_ =	shalt  }
0x63: {  	_ =	shalt  }
0x64: {  	_ =	shalt  }
0x65: {  	_ =	shalt  }
0x66: {  	_ =	shalt  }
0x67: {  	_ =	shalt  }
0x68: {  	_ =	shalt  }
0x69: {  	_ =	shalt  }
0x6a: {  	_ =	shalt  }
0x6b: {  	_ =	shalt  }
0x6c: {  	_ =	shalt  }
0x6d: {  	_ =	shalt  }
0x6e: {  	_ =	shalt  }
0x6f: {  	_ =	shalt  }
0x70: {  	_ =	shalt  }
0x71: {  	_ =	shalt  }
0x72: {  	_ =	shalt  }
0x73: {  	_ =	shalt  }
0x74: {  	_ =	shalt  }
0x75: {  	_ =	shalt  }
0x76: {  	_ =	shalt  }
0x77: {  	_ =	shalt  }
0x78: {  	_ =	shalt  }
0x79: {  	_ =	shalt  }
0x7a: {  	_ =	shalt  }
0x7b: {  	_ =	shalt  }
0x7c: {  	_ =	shalt  }
0x7d: {  	_ =	shalt  }
0x7e: {  	_ =	shalt  }
0x7f: {  	_ =	shalt  }
0x80: {  	_ =	shalt  }
0x81: {  	_ =	shalt  }
0x82: {  	_ =	shalt  }
0x83: {  	_ =	shalt  }
0x84: {  	_ =	shalt  }
0x85: {  	_ =	shalt  }
0x86: {  	_ =	shalt  }
0x87: {  	_ =	shalt  }
.Lfunc_end0:
.L_simem_size_0:
called_computation.1_lowered:
.L_overlay_start_0:
0x88: {  	s2 =	sld [smem:$0x3FD9]  }
0x89: {  	s3 =	sld [smem:$0x3FFE];
	_ =	sdelay $0x1  }
0x8a: {  	s1 =	srdreg.scid  }
0x8b: {  	s0 =	sand.u32 $0x1, s1  }
0x8c: {  	s16 =	sshll.u32 s0, $0xA;
	s2 =	sadd.s32 s3, s2  }
0x8d: {  	s2 =	sadd.s32 s2, s16  }
0x8e: {  	[smem:$0x3FB7] =	sst s2  }
0x8f: {  	_ = 	snop  }
0x90: {  	(tm) =	ssettm $0x1  }
0x91: {  	s17 =	sld [smem:$0x3FFB];
	_ =	sdelay $0x3  }
0x92: {  	_ =	strace s17  }
0x93: {  	s2 =	sld [smem:$0x3FFC];
	_ =	sdelay $0x3  }
0x94: {  	_ =	strace s2  }
0x95: {  	s2 =	sld [smem:$0x3FFD];
	_ =	sdelay $0x3  }
0x96: {  	_ =	strace s2  }
0x97: {  	_ =	strace $0x8FFFFFFF  }
0x98: {  	s18 =	sld [smem:$0x3FDB];
	_ =	sdelay $0x1  }
0x99: {  	s19 =	simm.s32 $_scs_section_size  }
0x9a: {  	s4 =	simm.s32 $_size__tile_overlayer_lowered;
	s5 =	simm.s32 $_tile_overlayer_lowered  }
0x9b: {  	s22 =	simm.s32 $0x1BFF;
	s21 =	sshll.u32 s5, $0x1;
	s2 =	sadd.s32 s19, s18  }
0x9c: {  	s6 =	simm.s32 $0x0;
	s20 =	sshll.u32 s4, $0x1;
	s4 =	sadd.s32 s21, s2  }
0x9d: {  	[timem:s6], [sflag:s22] =	dma.local [hbm:s4], s20  }
0x9e: {  	_ =	swait.ge [sflag:s22], s20  }
0x9f: {  	s3 =	ssub.s32 $0x0, s20;
	[sflag:s22] =	ssyncset.done $0x0  }
0xa0: {  	[sflag:s22] =	ssyncadd.s32 s3;
	_ =	sdelay $0x1  }
0xa1: {  	s23 =	simm.s32 $0x1B8B  }
0xa2: {  	_ =	swait.ge [sflag:s23], $0x1  }
0xa3: {  	[sflag:s23] =	ssyncset.done $0x0  }
0xa4: {  	s25 =	simm.s32 $0x1B8E;
	s24 =	sld [smem:$0x3FFE];
	[sflag:s23] =	ssyncadd.s32 $0xFFFFFFFF  }
0xa5: {  	s26 =	simm.s32 $execute0_lowered;
	[smem:$0x3FD2] =	sst s25  }
0xa6: {  	s4 =	sshll.u32 s26, $0x1;
	_ =	strace $0x80000049;
	[dreg:$0x1] =	wrdreg $0xFFFFFFFF  }
0xa7: {  	s28 =	simm.s32 $_size_execute0_lowered;
	s2 =	sadd.s32 s2, s4;
	[dreg:$0x0] =	wrdreg $0x0  }
0xa8: {  	s4 =	sshll.u32 s28, $0x1;
	[dreg:$0x2] =	wrdreg s2  }
0xa9: {  	[dreg:$0x3] =	wrdreg s4  }
0xaa: {  	[dreg:$0x4] =	wrdreg $0xC0  }
0xab: {  	_ =	task [dreg:s6], $0x5FFFF  }
0xac: {  	[dreg:$0x1] =	wrdreg $0xFFFFFFFF  }
0xad: {  	[dreg:$0x0] =	wrdreg $0x60  }
0xae: {  	[dreg:$0x2] =	wrdreg s24  }
0xaf: {  	[dreg:$0x3] =	wrdreg $0x9  }
0xb0: {  	_ =	task.clear_ibuf [dreg:s6], $0x4FFFF;
	_ =	strace $0x90000049  }
0xb1: {  	s29 =	simm.s32 $0x9;
	_ =	strace $0x8000004B  }
0xb2: {  	_ =	swait.ge [sflag:s29], $0x1  }
0xb3: {  	[sflag:s29] =	ssyncadd.s32 $0xFFFFFFFF  }
0xb4: {  	_ =	strace $0x9000004B  }
0xb5: {  	_ =	sfence  }
0xb6: {  	s30 =	sld [smem:$0x0];
	_ =	sdelay $0x2  }
0xb7: {  	s31 =	sshll.u32 s1, $0xD;
	s1 =	sshrl.u32 s1, $0x2  }
0xb8: {  	s3 =	sand.u32 $0x4000, s31;
	s1 =	sadd.s32 s1, s30  }
0xb9: {  	s0 =	sor.u32 s3, s0;
	s1 =	sshll.u32 s1, $0x11  }
0xba: {  	s0 =	sor.u32 s1, s0  }
0xbb: {  	s0 =	sadd.s32 $0x8F2B, s0  }
0xbc: {  	[sflag:s0] =	ssyncadd.remote.s32 $0x1  }
0xbd: {  	_ =	sfence.sel $0xFFFF  }
0xbe: {  	[dreg:$0x0] =	wrdreg $0xFFFFFFFF;
	(pc) =	sbr.abs _section_cstart, $3  }
0xbf: {  	[dreg:$0x1] =	wrdreg $0xFFFFFFFF  }
0xc0: {  	_ =	task.clear_ibuf [dreg:s6], $0x2FFFF;
	_ =	strace $0x9FFFFFFF  }
0xc1: {  	(tm) =	ssettm $0x7FFFFFFF  }
tec
execute0_lowered:
.L_overlay_start_1:
0x0: {  	(tag) =	ssettag $0x1  }
0x1: {  	s1 =	srdreg.scid;
	s0 =	stileid.u32  }
0x2: {  	s13 =	sand.u32 $0x1, s1;
	s31 =	sshll.u32 s0, $0x1  }
0x3: {  	s8 =	sor.u32 s13, s31  }
0x4: {  	s10 =	rddreg [dreg:$0x0];
	s3 =	smul.u32 $0x2A, s8  }
0x5: {  	s2 =	simm.s32 $0x0;
	s1 =	rddreg [dreg:$0x1]  }
0x6: {  	[smem:$0x7FF] =	sst s2;
	s3 =	sadd.s32 s3, s10  }
0x7: {  	_ =	strace $0x8000004A;
	s4 =	sadd.s32 $0x30400, s3;
	s3 =	simm.s32 $0x2  }
0x8: {  	[tilespmem:s2], [sflag:$0x2] =	stream.linear.gather [hbm4b:s4+s2], $0x150, $0x38;
	[tilespmem:$0x7180] =	vst v63  }
0x9: {  	_ =	swait.ge [sflag:s3], $0x150  }
0xa: {  	s6 =	simm.s32 $0x70;
	[sflag:s3] =	ssyncset.done $0x0  }
0xb: {  	s7 =	simm.s32 $0x180;
	s5 =	sadd.s32 $0x6C00, s10;
	[sflag:s3] =	ssyncadd.s32 $0xFFFFFEB0  }
0xc: {  	[tilespmem:s7], [sflag:$0x1] =	stream.indirect.gather [hbm4b:s5+s6], $0x80, s2, s6, $0xb8;
	[tilespmem:$0x7180] =	vst v63  }
0xd: {  	s9 =	simm.s32 $0x1;
	s11 =	smul.u32 $0x1500, s8;
	s8 =	simm.s32 $0x3980  }
0xe: {  	[tilespmem:s8], [sflag:$0x1] =	stream.indirect.gather [hbm4b:s5+s6], $0x80, s6, s6, $0xb8;
	[tilespmem:$0x7180] =	vst v63  }
0xf: {  	_ =	swait.ge [sflag:s9], $0x3800  }
0x10: {  	s14 =	sadd.s32 s11, s10;
	[sflag:s9] =	ssyncset.done $0x0  }
0x11: {  	s10 =	sadd.s32 $0x30A00, s14;
	[sflag:s9] =	ssyncadd.s32 $0xFFFFC800  }
0x12: {  	[hbm4b:s10+s2] =	stream.linear.scatter [tilespmem:s7], [sflag:$0x2], $0x3800, $0x38;
	[tilespmem:$0x7180] =	vst v63  }
0x13: {  	_ =	swait.ge [sflag:s3], $0x3800  }
0x14: {  	[sflag:s3] =	ssyncset.done $0x0  }
0x15: {  	s11 =	simm.s32 $0xE0;
	[sflag:s3] =	ssyncadd.s32 $0xFFFFC800  }
0x16: {  	[tilespmem:s7], [sflag:$0x1] =	stream.indirect.gather [hbm4b:s5+s6], $0x80, s11, s6, $0xb8;
	[tilespmem:$0x7180] =	vst v63  }
0x17: {  	_ =	swait.ge [sflag:s9], $0x3800  }
0x18: {  	[sflag:s9] =	ssyncset.done $0x0  }
0x19: {  	s13 =	ssub.s32 $0x2, s13;
	s12 =	sadd.s32 $0x31100, s14;
	[sflag:s9] =	ssyncadd.s32 $0xFFFFC800  }
0x1a: {  	[hbm4b:s12+s2] =	stream.linear.scatter [tilespmem:s8], [sflag:$0x2], $0x3800, $0x38;
	[tilespmem:$0x7180] =	vst v63  }
0x1b: {  	s15 =	sshrl.u32 s13, $0x1;
	_ =	swait.ge [sflag:s3], $0x3800  }
0x1c: {  	s13 =	ssub.s32 s13, s15;
	[sflag:s3] =	ssyncset.done $0x0  }
0x1d: {  	s15 =	smax.u32 s13, $0x1;
	[sflag:s3] =	ssyncadd.s32 $0xFFFFC800  }
0x1e: {  	p0 =	sne.s32 s15, $0x1;
	_ =	swait.ge [sflag:s9], $0x3800  }
.Ltmp0:
0x1f: {  	[sflag:s9] =	ssyncset.done $0x0;
	(pc) =	sbr.rel @!p0 .LBB2_2-.Ltmp0, $4  }
0x20: {  	s13 =	sadd.s32 $0x31800, s14;
	[sflag:s9] =	ssyncadd.s32 $0xFFFFC800  }
0x21: {  	[hbm4b:s13+s2] =	stream.linear.scatter [tilespmem:s7], [sflag:$0x2], $0x3800, $0x38;
	[tilespmem:$0x7180] =	vst v63  }
0x22: {  	_ =	swait.ge [sflag:s3], $0x3800  }
0x23: {  	s14 =	sadd.s32 $0xFFFFFFFF, s15;
	[sflag:s3] =	ssyncset.done $0x0  }
.LBB2_1:
0x24: {  	p0 =	sne.s32 s14, $0x1;
	s14 =	sadd.s32 $0xFFFFFFFF, s14;
	[sflag:s3] =	ssyncadd.s32 $0xFFFFC800  }
0x25: {  	[tilespmem:s2], [sflag:$0x2] =	stream.linear.gather [hbm4b:s4+s2], $0x150, $0x38;
	[tilespmem:$0x7180] =	vst v63  }
0x26: {  	_ =	swait.ge [sflag:s3], $0x150  }
0x27: {  	[sflag:s3] =	ssyncset.done $0x0  }
0x28: {  	[sflag:s3] =	ssyncadd.s32 $0xFFFFFEB0  }
0x29: {  	[tilespmem:s7], [sflag:$0x1] =	stream.indirect.gather [hbm4b:s5+s6], $0x80, s2, s6, $0xb8;
	[tilespmem:$0x7180] =	vst v63  }
0x2a: {  	_ = 	snop  }
0x2b: {  	[tilespmem:s8], [sflag:$0x1] =	stream.indirect.gather [hbm4b:s5+s6], $0x80, s6, s6, $0xb8;
	[tilespmem:$0x7180] =	vst v63  }
0x2c: {  	_ =	swait.ge [sflag:s9], $0x3800  }
0x2d: {  	[sflag:s9] =	ssyncset.done $0x0  }
0x2e: {  	[sflag:s9] =	ssyncadd.s32 $0xFFFFC800  }
0x2f: {  	[hbm4b:s10+s2] =	stream.linear.scatter [tilespmem:s7], [sflag:$0x2], $0x3800, $0x38;
	[tilespmem:$0x7180] =	vst v63  }
0x30: {  	_ =	swait.ge [sflag:s3], $0x3800  }
0x31: {  	[sflag:s3] =	ssyncset.done $0x0  }
0x32: {  	[sflag:s3] =	ssyncadd.s32 $0xFFFFC800  }
0x33: {  	[tilespmem:s7], [sflag:$0x1] =	stream.indirect.gather [hbm4b:s5+s6], $0x80, s11, s6, $0xb8;
	[tilespmem:$0x7180] =	vst v63  }
0x34: {  	_ =	swait.ge [sflag:s9], $0x3800  }
0x35: {  	[sflag:s9] =	ssyncset.done $0x0  }
0x36: {  	[sflag:s9] =	ssyncadd.s32 $0xFFFFC800  }
0x37: {  	[hbm4b:s12+s2] =	stream.linear.scatter [tilespmem:s8], [sflag:$0x2], $0x3800, $0x38;
	[tilespmem:$0x7180] =	vst v63  }
0x38: {  	_ =	swait.ge [sflag:s3], $0x3800  }
0x39: {  	[sflag:s3] =	ssyncset.done $0x0  }
0x3a: {  	[sflag:s3] =	ssyncadd.s32 $0xFFFFC800  }
0x3b: {  	_ =	swait.ge [sflag:s9], $0x3800  }
.Ltmp1:
0x3c: {  	[sflag:s9] =	ssyncset.done $0x0;
	(pc) =	sbr.rel @p0 .LBB2_1-.Ltmp1, $4  }
0x3d: {  	[sflag:s9] =	ssyncadd.s32 $0xFFFFC800  }
0x3e: {  	[hbm4b:s13+s2] =	stream.linear.scatter [tilespmem:s7], [sflag:$0x2], $0x3800, $0x38;
	[tilespmem:$0x7180] =	vst v63  }
0x3f: {  	_ =	swait.ge [sflag:s3], $0x3800  }
0x40: {  	[sflag:s3] =	ssyncset.done $0x0  }
.LBB2_2:
0x41: {  	[sflag:s3] =	ssyncadd.s32 $0xFFFFC800  }
0x42: {  	_ =	sfence.sel $0x180000  }
0x43: {  	[bflag:$0x0] =	sbarrier.arrive $0xFFFF  }
0x44: {  	p0 =	sne.s32 s0, $0x0;
	_ =	strace $0x9000004A  }
0x45: {  	s0 =	sadd.s32 @!p0 $0x100000, s1;
	[bflag:$0x2] =	sbarrier.arrive $0xFFFF  }
0x46: {  	[sflag:s0] =	ssyncadd.tile.s32 @!p0 $0x1;
	_ =	shalt  }
.Lfunc_end2:
_tile_overlayer_lowered:
.L_overlay_start_2:
0x47: {  	(tag) =	ssettag $0x2  }
0x48: {  	s0 =	rddreg [dreg:$0x0];
	s2 =	stileid.u32  }
0x49: {  	s1 =	rddreg [dreg:$0x1];
	p0 =	sne.s32 s2, $0x0  }
0x4a: {  	s3 =	rddreg [dreg:$0x2];
	[bflag:$0x3] =	sbarrier.arrive $0xFFFF;
	s2 =	simm.s32 @!p0 $0x1C02  }
0x4b: {  	[timem:s3], [sflag:s2] =	dma.local @!p0 [hbm:s0], s1  }
0x4c: {  	s0 =	simm.s32 @!p0 $0x2  }
0x4d: {  	_ =	swait.ge @!p0 [sflag:s0], s1  }
0x4e: {  	s1 =	ssub.s32 @!p0 $0x0, s1;
	[sflag:s0] =	ssyncset.done @!p0 $0x0  }
0x4f: {  	[sflag:s0] =	ssyncadd.s32 @!p0 s1  }
0x50: {  	[bflag:$0x3] =	sbarrier.arrive $0xFFFF  }
0x51: {  	_ =	shalt  }

// kernel: kernel.17.cloned.1.call-start
scs
__scs_entry_jumppad:
0x0: {  	(pc) =	sbr.rel $0x88, $3  }
0x1: {  	(tag) =	ssettag $0x0;
	lr =	simm.s32 $0x1  }
0x2: {  	[smem:$0x3F90] =	sst lr;
	_ =	strace $0xD0000000  }
0x3: {  	_ = 	snop  }
0x4: {  	_ = 	snop  }
0x5: {  	_ = 	snop  }
0x6: {  	_ = 	snop  }
0x7: {  	_ = 	snop  }
__scs_overlays_trampoline_lowered:
0x8: {  	[smem:$0x3F9F] =	sst s0  }
0x9: {  	[smem:$0x3FA0] =	sst s1  }
0xa: {  	[smem:$0x3FA1] =	sst s2  }
0xb: {  	[smem:$0x3FA2] =	sst s3  }
0xc: {  	[smem:$0x3FA3] =	sst s4  }
0xd: {  	[smem:$0x3FA4] =	sst s5  }
0xe: {  	[smem:$0x3FA5] =	sst s6  }
0xf: {  	[smem:$0x3FA6] =	sst s7  }
0x10: {  	[smem:$0x3FA7] =	sst s8  }
0x11: {  	[smem:$0x3FA8] =	sst s9;
	s0 =	simm.s32 @!p0 $0x0  }
0x12: {  	s1 =	sld [smem:$0x3F8E];
	s0 =	simm.s32 @p0 $0x1  }
0x13: {  	[smem:$0x3FA9] =	sst s0;
	s0 =	simm.s32 @!p1 $0x0  }
0x14: {  	s2 =	sld [smem:$0x3F8D];
	s0 =	simm.s32 @p1 $0x1  }
0x15: {  	[smem:$0x3FAA] =	sst s0;
	s0 =	simm.s32 @!p2 $0x0  }
0x16: {  	s3 =	sld [smem:$0x3FDB];
	s0 =	simm.s32 @p2 $0x1  }
0x17: {  	s4 =	simm.s32 $0x1BF5;
	[smem:$0x3FAC] =	sst s0  }
0x18: {  	s0 =	sld [smem:$0x3F8F];
	_ =	swait.ge [sflag:s4], $0x0  }
0x19: {  	s7 =	sld [smem:$0x3F90]  }
0x1a: {  	s8 =	sadd.s32 $0xFFFFE003, lr  }
0x1b: {  	s9 =	sadd.s32 $0xFFFFFEF7, lr;
	s5 =	simm.s32 $0xFFFFFFFF;
	p2 =	slt.u32 s8, $0xFFFFF086  }
0x1c: {  	p1 =	slt.u32 s9, $0xF7A;
	s5 =	simm.s32 @!p2 $0x0  }
0x1d: {  	s5 =	simm.s32 @p1 $0x1;
	p0 =	seq.s32 s7, s2  }
0x1e: {  	s7 =	smul.u32 @!p0 $0xF7A, s2;
	p2 =	seq.s32 @!p0 s5, $0x0  }
0x1f: {  	s9 =	smul.u32 $0xF7A, s1;
	s8 =	simm.s32 @!p0 $0x1BF5;
	p2 =	por !p2, p0  }
0x20: {  	[sflag:s8] =	ssyncset.s32 @!p0 $0xFFFFF086;
	s6 =	sadd.s32 @!p0 s3, s7;
	s7 =	simm.s32 @!p0 $0x108  }
0x21: {  	s3 =	sadd.s32 s3, s9;
	s6 =	sadd.s32 @!p0 $0x88, s6;
	s7 =	simm.s32 @p2 $0x1082  }
0x22: {  	[simem:s7], [sflag:s8] =	dma.local @!p0 [hbm:s6], $0xF7A  }
0x23: {  	s9 =	sor.u32 $0xD0000000, s2;
	s6 =	simm.s32 $0x108;
	_ =	swait.ge @!p0 [sflag:s8], $0x0  }
0x24: {  	s3 =	sadd.s32 $0x88, s3;
	s6 =	simm.s32 @!p1 $0x1082;
	[sflag:s4] =	ssyncset.s32 $0xFFFFF086  }
0x25: {  	[simem:s6], [sflag:s4] =	dma.local [hbm:s3], $0xF7A  }
0x26: {  	[smem:$0x3F90] =	sst s1;
	(tag) =	ssettag s2;
	_ =	strace s9  }
0x27: {  	s1 =	sld [smem:$0x3FA0]  }
0x28: {  	s2 =	sld [smem:$0x3FA1]  }
0x29: {  	s4 =	sld [smem:$0x3FA3]  }
0x2a: {  	p0 =	seq.s32 s5, $0x0;
	s5 =	sld [smem:$0x3FA4]  }
0x2b: {  	s6 =	sld [smem:$0x3FA5]  }
0x2c: {  	s7 =	sld [smem:$0x3FA6]  }
0x2d: {  	s3 =	simm.s32 $0x108;
	s8 =	sld [smem:$0x3FA7]  }
0x2e: {  	s3 =	simm.s32 @!p0 $0x1082;
	s9 =	sld [smem:$0x3FA8]  }
0x2f: {  	lr =	sadd.s32 s0, s3;
	s0 =	sld [smem:$0x3F9F]  }
0x30: {  	s3 =	sld [smem:$0x3FA2]  }
0x31: {  	[smem:$0x3FAB] =	sst s10  }
0x32: {  	s10 =	sld [smem:$0x3FA9];
	_ =	sdelay $0x3  }
0x33: {  	p0 =	seq.s32 s10, $0x1;
	s10 =	sld [smem:$0x3FAB];
	_ =	sdelay $0x3  }
0x34: {  	[smem:$0x3FAB] =	sst s10  }
0x35: {  	s10 =	sld [smem:$0x3FAA];
	_ =	sdelay $0x3  }
0x36: {  	p1 =	seq.s32 s10, $0x1;
	s10 =	sld [smem:$0x3FAB];
	_ =	sdelay $0x3  }
0x37: {  	[smem:$0x3FAB] =	sst s10  }
0x38: {  	s10 =	sld [smem:$0x3FAC]  }
0x39: {  	_ = 	snop;
	(pc) =	sbr.ind lr, $3  }
0x3a: {  	_ = 	snop  }
0x3b: {  	_ = 	snop  }
0x3c: {  	p2 =	seq.s32 s10, $0x1;
	s10 =	sld [smem:$0x3FAB]  }
0x3d: {  	_ =	shalt  }
0x3e: {  	_ =	shalt  }
0x3f: {  	_ =	shalt  }
0x40: {  	_ =	shalt  }
0x41: {  	_ =	shalt  }
0x42: {  	_ =	shalt  }
0x43: {  	_ =	shalt  }
0x44: {  	_ =	shalt  }
0x45: {  	_ =	shalt  }
0x46: {  	_ =	shalt  }
0x47: {  	_ =	shalt  }
0x48: {  	_ =	shalt  }
0x49: {  	_ =	shalt  }
0x4a: {  	_ =	shalt  }
0x4b: {  	_ =	shalt  }
0x4c: {  	_ =	shalt  }
0x4d: {  	_ =	shalt  }
0x4e: {  	_ =	shalt  }
0x4f: {  	_ =	shalt  }
0x50: {  	_ =	shalt  }
0x51: {  	_ =	shalt  }
0x52: {  	_ =	shalt  }
0x53: {  	_ =	shalt  }
0x54: {  	_ =	shalt  }
0x55: {  	_ =	shalt  }
0x56: {  	_ =	shalt  }
0x57: {  	_ =	shalt  }
0x58: {  	_ =	shalt  }
0x59: {  	_ =	shalt  }
0x5a: {  	_ =	shalt  }
0x5b: {  	_ =	shalt  }
0x5c: {  	_ =	shalt  }
0x5d: {  	_ =	shalt  }
0x5e: {  	_ =	shalt  }
0x5f: {  	_ =	shalt  }
0x60: {  	_ =	shalt  }
0x61: {  	_ =	shalt  }
0x62: {  	_ =	shalt  }
0x63: {  	_ =	shalt  }
0x64: {  	_ =	shalt  }
0x65: {  	_ =	shalt  }
0x66: {  	_ =	shalt  }
0x67: {  	_ =	shalt  }
0x68: {  	_ =	shalt  }
0x69: {  	_ =	shalt  }
0x6a: {  	_ =	shalt  }
0x6b: {  	_ =	shalt  }
0x6c: {  	_ =	shalt  }
0x6d: {  	_ =	shalt  }
0x6e: {  	_ =	shalt  }
0x6f: {  	_ =	shalt  }
0x70: {  	_ =	shalt  }
0x71: {  	_ =	shalt  }
0x72: {  	_ =	shalt  }
0x73: {  	_ =	shalt  }
0x74: {  	_ =	shalt  }
0x75: {  	_ =	shalt  }
0x76: {  	_ =	shalt  }
0x77: {  	_ =	shalt  }
0x78: {  	_ =	shalt  }
0x79: {  	_ =	shalt  }
0x7a: {  	_ =	shalt  }
0x7b: {  	_ =	shalt  }
0x7c: {  	_ =	shalt  }
0x7d: {  	_ =	shalt  }
0x7e: {  	_ =	shalt  }
0x7f: {  	_ =	shalt  }
0x80: {  	_ =	shalt  }
0x81: {  	_ =	shalt  }
0x82: {  	_ =	shalt  }
0x83: {  	_ =	shalt  }
0x84: {  	_ =	shalt  }
0x85: {  	_ =	shalt  }
0x86: {  	_ =	shalt  }
0x87: {  	_ =	shalt  }
.Lfunc_end0:
.L_simem_size_0:
called_computation.2_lowered:
.L_overlay_start_0:
0x88: {  	s2 =	sld [smem:$0x3FD9]  }
0x89: {  	s3 =	sld [smem:$0x3FFE];
	_ =	sdelay $0x1  }
0x8a: {  	s1 =	srdreg.scid  }
0x8b: {  	s0 =	sand.u32 $0x1, s1  }
0x8c: {  	s17 =	sshll.u32 s0, $0xA;
	s2 =	sadd.s32 s3, s2  }
0x8d: {  	s2 =	sadd.s32 s2, s17  }
0x8e: {  	[smem:$0x3FB7] =	sst s2  }
0x8f: {  	_ = 	snop  }
0x90: {  	s18 =	sld [smem:$0x3FC7];
	(tm) =	ssettm $0x1  }
0x91: {  	s19 =	sld [smem:$0x3FFB];
	_ =	sdelay $0x3  }
0x92: {  	_ =	strace s19  }
0x93: {  	s2 =	sld [smem:$0x3FFC];
	_ =	sdelay $0x3  }
0x94: {  	_ =	strace s2  }
0x95: {  	s2 =	sld [smem:$0x3FFD];
	_ =	sdelay $0x3  }
0x96: {  	_ =	strace s2  }
0x97: {  	_ =	strace $0x8FFFFFFF  }
0x98: {  	s20 =	sld [smem:$0x3FDB];
	_ =	sdelay $0x1  }
0x99: {  	s4 =	simm.s32 $_scs_section_size  }
0x9a: {  	s5 =	simm.s32 $_size__tile_overlayer_lowered;
	s6 =	simm.s32 $_tile_overlayer_lowered  }
0x9b: {  	s7 =	simm.s32 $0x1BFF;
	s21 =	sshll.u32 s6, $0x1;
	s4 =	sadd.s32 s4, s20  }
0x9c: {  	s22 =	simm.s32 $0x0;
	s5 =	sshll.u32 s5, $0x1;
	s6 =	sadd.s32 s21, s4  }
0x9d: {  	[timem:s22], [sflag:s7] =	dma.local [hbm:s6], s5  }
0x9e: {  	_ =	swait.ge [sflag:s7], s5  }
0x9f: {  	s5 =	ssub.s32 $0x0, s5;
	[sflag:s7] =	ssyncset.done $0x0  }
0xa0: {  	[sflag:s7] =	ssyncadd.s32 s5;
	_ =	sdelay $0x1  }
0xa1: {  	s23 =	simm.s32 $0x1B8B  }
0xa2: {  	_ =	swait.ge [sflag:s23], $0x1  }
0xa3: {  	[sflag:s23] =	ssyncset.done $0x0  }
0xa4: {  	[sflag:s23] =	ssyncadd.s32 $0xFFFFFFFF  }
0xa5: {  	s5 =	sld [smem:$0x0]  }
0xa6: {  	s6 =	sand.u32 $0xFFFFFFFE, s1  }
0xa7: {  	p0 =	sne.s32 s1, s6  }
0xa8: {  	s6 =	sshll.u32 @p0 s6, $0xE  }
0xa9: {  	s6 =	sadd.s32 @p0 $0x11B8D, s6;
	s7 =	sshll.u32 @p0 s5, $0x11  }
0xaa: {  	s6 =	sor.u32 @p0 s7, s6  }
0xab: {  	[sflag:s6] =	ssyncadd.remote.s32 @p0 $0x1;
	_ =	sdelay $0x1  }
0xac: {  	s6 =	simm.s32 @p0 $0x1B8D  }
0xad: {  	_ =	swait.eq @p0 [sflag:s6], $0x1  }
0xae: {  	[sflag:s6] =	ssyncadd.s32 @p0 $0xFFFFFFFF  }
0xaf: {  	s7 =	sshll.u32 @!p0 s1, $0xE  }
0xb0: {  	s7 =	sor.u32 @!p0 $0x4000, s7;
	s6 =	simm.s32 @!p0 $0x1B8D  }
0xb1: {  	s5 =	sshll.u32 @!p0 s5, $0x11;
	s7 =	sadd.s32 @!p0 $0x11B8D, s7;
	_ =	swait.eq @!p0 [sflag:s6], $0x1  }
0xb2: {  	s5 =	sor.u32 @!p0 s5, s7;
	[sflag:s6] =	ssyncadd.s32 @!p0 $0xFFFFFFFF  }
0xb3: {  	s25 =	simm.s32 $0x1B8E;
	s24 =	sld [smem:$0x3FFE];
	[sflag:s5] =	ssyncadd.remote.s32 @!p0 $0x1  }
0xb4: {  	s26 =	simm.s32 $execute0_lowered;
	[smem:$0x3FD2] =	sst s25  }
0xb5: {  	s6 =	sshll.u32 s26, $0x1;
	_ =	strace $0x8000004F;
	[dreg:$0x1] =	wrdreg $0xFFFFFFFF  }
0xb6: {  	s28 =	simm.s32 $_size_execute0_lowered;
	s4 =	sadd.s32 s4, s6;
	[dreg:$0x0] =	wrdreg $0x0  }
0xb7: {  	s6 =	sshll.u32 s28, $0x1;
	[dreg:$0x2] =	wrdreg s4  }
0xb8: {  	[dreg:$0x3] =	wrdreg s6  }
0xb9: {  	[dreg:$0x4] =	wrdreg $0xC0  }
0xba: {  	_ =	task [dreg:s22], $0x5FFFF  }
0xbb: {  	[dreg:$0x1] =	wrdreg $0xFFFFFFFF  }
0xbc: {  	[dreg:$0x0] =	wrdreg $0x60  }
0xbd: {  	[dreg:$0x2] =	wrdreg s18  }
0xbe: {  	[dreg:$0x3] =	wrdreg s24  }
0xbf: {  	[dreg:$0x4] =	wrdreg $0x9  }
0xc0: {  	_ =	task.clear_ibuf [dreg:s22], $0x5FFFF;
	_ =	strace $0x9000004F  }
0xc1: {  	s29 =	simm.s32 $0x9;
	_ =	strace $0x80000051  }
0xc2: {  	_ =	swait.ge [sflag:s29], $0x1  }
0xc3: {  	[sflag:s29] =	ssyncadd.s32 $0xFFFFFFFF  }
0xc4: {  	_ =	strace $0x90000051  }
0xc5: {  	_ =	sfence  }
0xc6: {  	s30 =	sld [smem:$0x0];
	_ =	sdelay $0x2  }
0xc7: {  	s31 =	sshll.u32 s1, $0xD;
	s1 =	sshrl.u32 s1, $0x2  }
0xc8: {  	s4 =	sand.u32 $0x4000, s31;
	s1 =	sadd.s32 s1, s30  }
0xc9: {  	s0 =	sor.u32 s4, s0;
	s1 =	sshll.u32 s1, $0x11  }
0xca: {  	s0 =	sor.u32 s1, s0  }
0xcb: {  	s0 =	sadd.s32 $0x8F2B, s0  }
0xcc: {  	[sflag:s0] =	ssyncadd.remote.s32 $0x1  }
0xcd: {  	_ =	sfence.sel $0xFFFF  }
0xce: {  	[dreg:$0x0] =	wrdreg $0xFFFFFFFF;
	(pc) =	sbr.abs _section_cstart, $3  }
0xcf: {  	[dreg:$0x1] =	wrdreg $0xFFFFFFFF  }
0xd0: {  	_ =	task.clear_ibuf [dreg:s22], $0x2FFFF;
	_ =	strace $0x9FFFFFFF  }
0xd1: {  	(tm) =	ssettm $0x7FFFFFFF  }
tec
execute0_lowered:
.L_overlay_start_1:
0x0: {  	(tag) =	ssettag $0x1  }
0x1: {  	s1 =	srdreg.scid;
	s2 =	rddreg [dreg:$0x0]  }
0x2: {  	s0 =	stileid.u32;
	s4 =	rddreg [dreg:$0x1];
	s3 =	simm.s32 $0x0  }
0x3: {  	s11 =	simm.s32 $0x1;
	s12 =	simm.s32 $0x0;
	s5 =	sand.u32 $0x1, s1  }
0x4: {  	s28 =	sshll.u32 s0, $0x1;
	s1 =	rddreg [dreg:$0x2];
	s29 =	smul.u32 $0x1B900, s0  }
0x5: {  	[smem:$0x7FF] =	sst s3;
	s6 =	sor.u32 s5, s28;
	s30 =	smul.u32 $0xDC80, s5  }
0x6: {  	s10 =	sadd.s32 $0x228A00, s4;
	s8 =	ssub.s32 $0x2, s5;
	s7 =	smul.u32 $0xDC8, s6  }
0x7: {  	_ =	strace $0x80000050;
	s9 =	sshrl.u32 s8, $0x1;
	s6 =	smul.u32 $0xDC80, s6  }
0x8: {  	s31 =	sadd.s32 s29, s10;
	s8 =	ssub.s32 s8, s9;
	s9 =	simm.s32 $0xE00  }
0x9: {  	s7 =	sshrl.u32 s7, $0x3;
	s6 =	sadd.s32 s10, s6;
	s5 =	smax.u32 s8, $0x1  }
0xa: {  	s8 =	simm.s32 $0x2;
	s10 =	simm.s32 $0x48;
	s7 =	sadd.s32 s7, s4  }
0xb: {  	s6 =	sadd.s32 $0xD800, s6;
	s4 =	sadd.s32 $0x1F200, s7;
	s7 =	sadd.s32 s30, s31  }
.LBB2_1:
0xc: {  	[tilespmem:s3], [sflag:$0x2] =	stream.linear.gather [hbm4b:s4+s3], $0xDC8, $0x38;
	[tilespmem:$0x5600] =	vst v63  }
0xd: {  	_ =	swait.ge [sflag:s8], $0xDC8  }
0xe: {  	s13 =	sand.u32 $0x1, s11;
	[sflag:s8] =	ssyncset.done $0x0  }
0xf: {  	p0 =	seq.s32 s13, $0x1;
	s13 =	simm.s32 $0x3200;
	[sflag:s8] =	ssyncadd.s32 $0xFFFFF238  }
0x10: {  	[tilespmem:s9], [sflag:$0x1] =	stream.indirect.gather [hbm4b:s2+s10], $0x80, s3, s10, $0xb8;
	[tilespmem:$0x5600] =	vst v63  }
0x11: {  	s13 =	simm.s32 @!p0 $0xE00  }
0x12: {  	[tilespmem:s13], [sflag:$0x1] =	stream.indirect.gather [hbm4b:s2+s10], $0x80, s10, s10, $0xb8;
	[tilespmem:$0x5600] =	vst v63  }
0x13: {  	_ =	swait.ge [sflag:s11], $0x2400  }
0x14: {  	s31 =	simm.s32 $0x2;
	s14 =	simm.s32 $0xE00;
	[sflag:s11] =	ssyncset.done $0x0  }
0x15: {  	s14 =	simm.s32 @!p0 $0x3200;
	s13 =	sand.u32 $0x1, s31;
	[sflag:s11] =	ssyncadd.s32 $0xFFFFDC00  }
0x16: {  	[hbm4b:s7+s3] =	stream.linear.scatter [tilespmem:s14], [sflag:$0x2], $0x2400, $0x38;
	[tilespmem:$0x5600] =	vst v63  }
0x17: {  	s15 =	simm.s32 $0x3;
	p0 =	seq.s32 s13, $0x1;
	_ =	swait.ge [sflag:s8], $0x2400  }
0x18: {  	s13 =	sadd.s32 $0x480, s7;
	s14 =	simm.s32 $0x90;
	[sflag:s8] =	ssyncset.done $0x0  }
.LBB2_2:
0x19: {  	s16 =	simm.s32 $0x3200;
	[sflag:s8] =	ssyncadd.s32 $0xFFFFDC00  }
0x1a: {  	s17 =	smov.u32 s15;
	s18 =	sadd.s32 $0x1, s15;
	s16 =	simm.s32 @!p0 $0xE00  }
0x1b: {  	[tilespmem:s16], [sflag:$0x1] =	stream.indirect.gather [hbm4b:s2+s10], $0x80, s14, s10, $0xb8;
	[tilespmem:$0x5600] =	vst v63  }
0x1c: {  	p1 =	sne.s32 s15, $0x30;
	_ =	swait.ge [sflag:s11], $0x2400  }
.Ltmp0:
0x1d: {  	s15 =	simm.s32 $0xE00;
	[sflag:s11] =	ssyncset.done $0x0;
	(pc) =	sbr.rel @p1 .LBB2_2-.Ltmp0, $4  }
0x1e: {  	s15 =	simm.s32 @!p0 $0x3200;
	s14 =	sadd.s32 $0x48, s14;
	[sflag:s11] =	ssyncadd.s32 $0xFFFFDC00  }
0x1f: {  	[hbm4b:s13+s3] =	stream.linear.scatter [tilespmem:s15], [sflag:$0x2], $0x2400, $0x38;
	[tilespmem:$0x5600] =	vst v63  }
0x20: {  	s15 =	sand.u32 $0x1, s17;
	s13 =	sadd.s32 $0x480, s13;
	_ =	swait.ge [sflag:s8], $0x2400  }
0x21: {  	p0 =	seq.s32 s15, $0x1;
	s15 =	smov.u32 s18;
	[sflag:s8] =	ssyncset.done $0x0  }
0x22: {  	s15 =	simm.s32 $0x3200  }
0x23: {  	[sflag:s8] =	ssyncadd.s32 $0xFFFFDC00;
	s15 =	simm.s32 @!p0 $0xE00  }
0x24: {  	[tilespmem:s15], [sflag:$0x1] =	stream.indirect.gather [hbm4b:s2+s10], $0x80, s14, s10, $0xb8;
	[tilespmem:$0x5600] =	vst v63  }
0x25: {  	_ =	swait.ge [sflag:s11], $0x2400  }
0x26: {  	s14 =	simm.s32 $0xE00;
	[sflag:s11] =	ssyncset.done $0x0  }
0x27: {  	s14 =	simm.s32 @!p0 $0x3200;
	[sflag:s11] =	ssyncadd.s32 $0xFFFFDC00  }
0x28: {  	[hbm4b:s13+s3] =	stream.linear.scatter [tilespmem:s14], [sflag:$0x2], $0x2400, $0x38;
	[tilespmem:$0x5600] =	vst v63  }
0x29: {  	_ =	swait.ge [sflag:s8], $0x2400  }
0x2a: {  	[sflag:s8] =	ssyncset.done $0x0  }
0x2b: {  	[sflag:s8] =	ssyncadd.s32 $0xFFFFDC00  }
0x2c: {  	s12 =	sadd.s32 $0x1, s12;
	_ =	swait.ge [sflag:s11], $0x2400  }
0x2d: {  	p0 =	sne.s32 s12, s5;
	[sflag:s11] =	ssyncset.done $0x0  }
.Ltmp1:
0x2e: {  	[sflag:s11] =	ssyncadd.s32 $0xFFFFDC00;
	(pc) =	sbr.rel @p0 .LBB2_1-.Ltmp1, $4  }
0x2f: {  	[hbm4b:s6+s3] =	stream.linear.scatter [tilespmem:s9], [sflag:$0x2], $0x2400, $0x38;
	[tilespmem:$0x5600] =	vst v63  }
0x30: {  	_ =	swait.ge [sflag:s8], $0x2400  }
0x31: {  	[sflag:s8] =	ssyncset.done $0x0  }
0x32: {  	[sflag:s8] =	ssyncadd.s32 $0xFFFFDC00  }
0x33: {  	_ =	sfence.sel $0x180000  }
0x34: {  	[bflag:$0x0] =	sbarrier.arrive $0xFFFF  }
0x35: {  	p0 =	sne.s32 s0, $0x0;
	_ =	strace $0x90000050  }
0x36: {  	s0 =	sadd.s32 @!p0 $0x100000, s1;
	[bflag:$0x2] =	sbarrier.arrive $0xFFFF  }
0x37: {  	[sflag:s0] =	ssyncadd.tile.s32 @!p0 $0x1;
	_ =	shalt  }
.Lfunc_end2:
_tile_overlayer_lowered:
.L_overlay_start_2:
0x38: {  	(tag) =	ssettag $0x2  }
0x39: {  	s0 =	rddreg [dreg:$0x0];
	s2 =	stileid.u32  }
0x3a: {  	s1 =	rddreg [dreg:$0x1];
	p0 =	sne.s32 s2, $0x0  }
0x3b: {  	s3 =	rddreg [dreg:$0x2];
	[bflag:$0x3] =	sbarrier.arrive $0xFFFF;
	s2 =	simm.s32 @!p0 $0x1C02  }
0x3c: {  	[timem:s3], [sflag:s2] =	dma.local @!p0 [hbm:s0], s1  }
0x3d: {  	s0 =	simm.s32 @!p0 $0x2  }
0x3e: {  	_ =	swait.ge @!p0 [sflag:s0], s1  }
0x3f: {  	s1 =	ssub.s32 @!p0 $0x0, s1;
	[sflag:s0] =	ssyncset.done @!p0 $0x0  }
0x40: {  	[sflag:s0] =	ssyncadd.s32 @!p0 s1  }
0x41: {  	[bflag:$0x3] =	sbarrier.arrive $0xFFFF  }
0x42: {  	_ =	shalt  }

// kernel: kernel.20.cloned.1.call-start
scs
__scs_entry_jumppad:
0x0: {  	(pc) =	sbr.rel $0x88, $3  }
0x1: {  	(tag) =	ssettag $0x0;
	lr =	simm.s32 $0x1  }
0x2: {  	[smem:$0x3F90] =	sst lr;
	_ =	strace $0xD0000000  }
0x3: {  	_ = 	snop  }
0x4: {  	_ = 	snop  }
0x5: {  	_ = 	snop  }
0x6: {  	_ = 	snop  }
0x7: {  	_ = 	snop  }
__scs_overlays_trampoline_lowered:
0x8: {  	[smem:$0x3F9F] =	sst s0  }
0x9: {  	[smem:$0x3FA0] =	sst s1  }
0xa: {  	[smem:$0x3FA1] =	sst s2  }
0xb: {  	[smem:$0x3FA2] =	sst s3  }
0xc: {  	[smem:$0x3FA3] =	sst s4  }
0xd: {  	[smem:$0x3FA4] =	sst s5  }
0xe: {  	[smem:$0x3FA5] =	sst s6  }
0xf: {  	[smem:$0x3FA6] =	sst s7  }
0x10: {  	[smem:$0x3FA7] =	sst s8  }
0x11: {  	[smem:$0x3FA8] =	sst s9;
	s0 =	simm.s32 @!p0 $0x0  }
0x12: {  	s1 =	sld [smem:$0x3F8E];
	s0 =	simm.s32 @p0 $0x1  }
0x13: {  	[smem:$0x3FA9] =	sst s0;
	s0 =	simm.s32 @!p1 $0x0  }
0x14: {  	s2 =	sld [smem:$0x3F8D];
	s0 =	simm.s32 @p1 $0x1  }
0x15: {  	[smem:$0x3FAA] =	sst s0;
	s0 =	simm.s32 @!p2 $0x0  }
0x16: {  	s3 =	sld [smem:$0x3FDB];
	s0 =	simm.s32 @p2 $0x1  }
0x17: {  	s4 =	simm.s32 $0x1BF5;
	[smem:$0x3FAC] =	sst s0  }
0x18: {  	s0 =	sld [smem:$0x3F8F];
	_ =	swait.ge [sflag:s4], $0x0  }
0x19: {  	s7 =	sld [smem:$0x3F90]  }
0x1a: {  	s8 =	sadd.s32 $0xFFFFE003, lr  }
0x1b: {  	s9 =	sadd.s32 $0xFFFFFEF7, lr;
	s5 =	simm.s32 $0xFFFFFFFF;
	p2 =	slt.u32 s8, $0xFFFFF086  }
0x1c: {  	p1 =	slt.u32 s9, $0xF7A;
	s5 =	simm.s32 @!p2 $0x0  }
0x1d: {  	s5 =	simm.s32 @p1 $0x1;
	p0 =	seq.s32 s7, s2  }
0x1e: {  	s7 =	smul.u32 @!p0 $0xF7A, s2;
	p2 =	seq.s32 @!p0 s5, $0x0  }
0x1f: {  	s9 =	smul.u32 $0xF7A, s1;
	s8 =	simm.s32 @!p0 $0x1BF5;
	p2 =	por !p2, p0  }
0x20: {  	[sflag:s8] =	ssyncset.s32 @!p0 $0xFFFFF086;
	s6 =	sadd.s32 @!p0 s3, s7;
	s7 =	simm.s32 @!p0 $0x108  }
0x21: {  	s3 =	sadd.s32 s3, s9;
	s6 =	sadd.s32 @!p0 $0x88, s6;
	s7 =	simm.s32 @p2 $0x1082  }
0x22: {  	[simem:s7], [sflag:s8] =	dma.local @!p0 [hbm:s6], $0xF7A  }
0x23: {  	s9 =	sor.u32 $0xD0000000, s2;
	s6 =	simm.s32 $0x108;
	_ =	swait.ge @!p0 [sflag:s8], $0x0  }
0x24: {  	s3 =	sadd.s32 $0x88, s3;
	s6 =	simm.s32 @!p1 $0x1082;
	[sflag:s4] =	ssyncset.s32 $0xFFFFF086  }
0x25: {  	[simem:s6], [sflag:s4] =	dma.local [hbm:s3], $0xF7A  }
0x26: {  	[smem:$0x3F90] =	sst s1;
	(tag) =	ssettag s2;
	_ =	strace s9  }
0x27: {  	s1 =	sld [smem:$0x3FA0]  }
0x28: {  	s2 =	sld [smem:$0x3FA1]  }
0x29: {  	s4 =	sld [smem:$0x3FA3]  }
0x2a: {  	p0 =	seq.s32 s5, $0x0;
	s5 =	sld [smem:$0x3FA4]  }
0x2b: {  	s6 =	sld [smem:$0x3FA5]  }
0x2c: {  	s7 =	sld [smem:$0x3FA6]  }
0x2d: {  	s3 =	simm.s32 $0x108;
	s8 =	sld [smem:$0x3FA7]  }
0x2e: {  	s3 =	simm.s32 @!p0 $0x1082;
	s9 =	sld [smem:$0x3FA8]  }
0x2f: {  	lr =	sadd.s32 s0, s3;
	s0 =	sld [smem:$0x3F9F]  }
0x30: {  	s3 =	sld [smem:$0x3FA2]  }
0x31: {  	[smem:$0x3FAB] =	sst s10  }
0x32: {  	s10 =	sld [smem:$0x3FA9];
	_ =	sdelay $0x3  }
0x33: {  	p0 =	seq.s32 s10, $0x1;
	s10 =	sld [smem:$0x3FAB];
	_ =	sdelay $0x3  }
0x34: {  	[smem:$0x3FAB] =	sst s10  }
0x35: {  	s10 =	sld [smem:$0x3FAA];
	_ =	sdelay $0x3  }
0x36: {  	p1 =	seq.s32 s10, $0x1;
	s10 =	sld [smem:$0x3FAB];
	_ =	sdelay $0x3  }
0x37: {  	[smem:$0x3FAB] =	sst s10  }
0x38: {  	s10 =	sld [smem:$0x3FAC]  }
0x39: {  	_ = 	snop;
	(pc) =	sbr.ind lr, $3  }
0x3a: {  	_ = 	snop  }
0x3b: {  	_ = 	snop  }
0x3c: {  	p2 =	seq.s32 s10, $0x1;
	s10 =	sld [smem:$0x3FAB]  }
0x3d: {  	_ =	shalt  }
0x3e: {  	_ =	shalt  }
0x3f: {  	_ =	shalt  }
0x40: {  	_ =	shalt  }
0x41: {  	_ =	shalt  }
0x42: {  	_ =	shalt  }
0x43: {  	_ =	shalt  }
0x44: {  	_ =	shalt  }
0x45: {  	_ =	shalt  }
0x46: {  	_ =	shalt  }
0x47: {  	_ =	shalt  }
0x48: {  	_ =	shalt  }
0x49: {  	_ =	shalt  }
0x4a: {  	_ =	shalt  }
0x4b: {  	_ =	shalt  }
0x4c: {  	_ =	shalt  }
0x4d: {  	_ =	shalt  }
0x4e: {  	_ =	shalt  }
0x4f: {  	_ =	shalt  }
0x50: {  	_ =	shalt  }
0x51: {  	_ =	shalt  }
0x52: {  	_ =	shalt  }
0x53: {  	_ =	shalt  }
0x54: {  	_ =	shalt  }
0x55: {  	_ =	shalt  }
0x56: {  	_ =	shalt  }
0x57: {  	_ =	shalt  }
0x58: {  	_ =	shalt  }
0x59: {  	_ =	shalt  }
0x5a: {  	_ =	shalt  }
0x5b: {  	_ =	shalt  }
0x5c: {  	_ =	shalt  }
0x5d: {  	_ =	shalt  }
0x5e: {  	_ =	shalt  }
0x5f: {  	_ =	shalt  }
0x60: {  	_ =	shalt  }
0x61: {  	_ =	shalt  }
0x62: {  	_ =	shalt  }
0x63: {  	_ =	shalt  }
0x64: {  	_ =	shalt  }
0x65: {  	_ =	shalt  }
0x66: {  	_ =	shalt  }
0x67: {  	_ =	shalt  }
0x68: {  	_ =	shalt  }
0x69: {  	_ =	shalt  }
0x6a: {  	_ =	shalt  }
0x6b: {  	_ =	shalt  }
0x6c: {  	_ =	shalt  }
0x6d: {  	_ =	shalt  }
0x6e: {  	_ =	shalt  }
0x6f: {  	_ =	shalt  }
0x70: {  	_ =	shalt  }
0x71: {  	_ =	shalt  }
0x72: {  	_ =	shalt  }
0x73: {  	_ =	shalt  }
0x74: {  	_ =	shalt  }
0x75: {  	_ =	shalt  }
0x76: {  	_ =	shalt  }
0x77: {  	_ =	shalt  }
0x78: {  	_ =	shalt  }
0x79: {  	_ =	shalt  }
0x7a: {  	_ =	shalt  }
0x7b: {  	_ =	shalt  }
0x7c: {  	_ =	shalt  }
0x7d: {  	_ =	shalt  }
0x7e: {  	_ =	shalt  }
0x7f: {  	_ =	shalt  }
0x80: {  	_ =	shalt  }
0x81: {  	_ =	shalt  }
0x82: {  	_ =	shalt  }
0x83: {  	_ =	shalt  }
0x84: {  	_ =	shalt  }
0x85: {  	_ =	shalt  }
0x86: {  	_ =	shalt  }
0x87: {  	_ =	shalt  }
.Lfunc_end0:
.L_simem_size_0:
called_computation.3_lowered:
.L_overlay_start_0:
0x88: {  	s2 =	sld [smem:$0x3FD9]  }
0x89: {  	s3 =	sld [smem:$0x3FFE];
	_ =	sdelay $0x1  }
0x8a: {  	s1 =	srdreg.scid  }
0x8b: {  	s0 =	sand.u32 $0x1, s1  }
0x8c: {  	s17 =	sshll.u32 s0, $0xA;
	s2 =	sadd.s32 s3, s2  }
0x8d: {  	s2 =	sadd.s32 s2, s17  }
0x8e: {  	[smem:$0x3FB7] =	sst s2  }
0x8f: {  	_ = 	snop  }
0x90: {  	s2 =	sld [smem:$0x3FC6];
	(tm) =	ssettm $0x1  }
0x91: {  	s18 =	sld [smem:$0x3FFB];
	_ =	sdelay $0x3  }
0x92: {  	_ =	strace s18  }
0x93: {  	s3 =	sld [smem:$0x3FFC];
	_ =	sdelay $0x3  }
0x94: {  	_ =	strace s3  }
0x95: {  	s3 =	sld [smem:$0x3FFD];
	_ =	sdelay $0x3  }
0x96: {  	_ =	strace s3  }
0x97: {  	_ =	strace $0x8FFFFFFF  }
0x98: {  	s19 =	sld [smem:$0x3FDB];
	_ =	sdelay $0x1  }
0x99: {  	s4 =	simm.s32 $_scs_section_size  }
0x9a: {  	s5 =	simm.s32 $_size__tile_overlayer_lowered;
	s6 =	simm.s32 $_tile_overlayer_lowered  }
0x9b: {  	s22 =	simm.s32 $0x1BFF;
	s21 =	sshll.u32 s6, $0x1;
	s3 =	sadd.s32 s4, s19  }
0x9c: {  	s7 =	simm.s32 $0x0;
	s20 =	sshll.u32 s5, $0x1;
	s5 =	sadd.s32 s21, s3  }
0x9d: {  	[timem:s7], [sflag:s22] =	dma.local [hbm:s5], s20  }
0x9e: {  	_ =	swait.ge [sflag:s22], s20  }
0x9f: {  	s4 =	ssub.s32 $0x0, s20;
	[sflag:s22] =	ssyncset.done $0x0  }
0xa0: {  	[sflag:s22] =	ssyncadd.s32 s4;
	_ =	sdelay $0x1  }
0xa1: {  	s23 =	simm.s32 $0x1B8B  }
0xa2: {  	_ =	swait.ge [sflag:s23], $0x1  }
0xa3: {  	[sflag:s23] =	ssyncset.done $0x0  }
0xa4: {  	s25 =	simm.s32 $0x1B8E;
	s24 =	sld [smem:$0x3FFE];
	[sflag:s23] =	ssyncadd.s32 $0xFFFFFFFF  }
0xa5: {  	s26 =	simm.s32 $execute0_lowered;
	[smem:$0x3FD2] =	sst s25  }
0xa6: {  	s5 =	sshll.u32 s26, $0x1;
	_ =	strace $0x8000004C;
	[dreg:$0x1] =	wrdreg $0xFFFFFFFF  }
0xa7: {  	s28 =	simm.s32 $_size_execute0_lowered;
	s3 =	sadd.s32 s3, s5;
	[dreg:$0x0] =	wrdreg $0x0  }
0xa8: {  	s5 =	sshll.u32 s28, $0x1;
	[dreg:$0x2] =	wrdreg s3  }
0xa9: {  	[dreg:$0x3] =	wrdreg s5  }
0xaa: {  	[dreg:$0x4] =	wrdreg $0xC0  }
0xab: {  	_ =	task [dreg:s7], $0x5FFFF  }
0xac: {  	[dreg:$0x1] =	wrdreg $0xFFFFFFFF  }
0xad: {  	[dreg:$0x0] =	wrdreg $0x60  }
0xae: {  	[dreg:$0x2] =	wrdreg s2  }
0xaf: {  	[dreg:$0x3] =	wrdreg s24  }
0xb0: {  	[dreg:$0x4] =	wrdreg $0xA  }
0xb1: {  	_ =	task.clear_ibuf [dreg:s7], $0x5FFFF;
	_ =	strace $0x9000004C  }
0xb2: {  	s29 =	simm.s32 $0xA;
	_ =	strace $0x8000004E  }
0xb3: {  	_ =	swait.ge [sflag:s29], $0x1  }
0xb4: {  	[sflag:s29] =	ssyncadd.s32 $0xFFFFFFFF  }
0xb5: {  	_ =	strace $0x9000004E  }
0xb6: {  	_ =	sfence  }
0xb7: {  	s30 =	sld [smem:$0x0];
	_ =	sdelay $0x2  }
0xb8: {  	s31 =	sshll.u32 s1, $0xD;
	s1 =	sshrl.u32 s1, $0x2  }
0xb9: {  	s3 =	sand.u32 $0x4000, s31;
	s1 =	sadd.s32 s1, s30  }
0xba: {  	s0 =	sor.u32 s3, s0;
	s1 =	sshll.u32 s1, $0x11  }
0xbb: {  	s0 =	sor.u32 s1, s0  }
0xbc: {  	s0 =	sadd.s32 $0x8F2B, s0  }
0xbd: {  	[sflag:s0] =	ssyncadd.remote.s32 $0x1  }
0xbe: {  	_ =	sfence.sel $0xFFFF  }
0xbf: {  	[dreg:$0x0] =	wrdreg $0xFFFFFFFF;
	(pc) =	sbr.abs _section_cstart, $3  }
0xc0: {  	[dreg:$0x1] =	wrdreg $0xFFFFFFFF  }
0xc1: {  	_ =	task.clear_ibuf [dreg:s7], $0x2FFFF;
	_ =	strace $0x9FFFFFFF  }
0xc2: {  	(tm) =	ssettm $0x7FFFFFFF  }
0xc3: {  	_ =	shalt  }
tec
execute0_lowered:
.L_overlay_start_1:
0x0: {  	(tag) =	ssettag $0x1  }
0x1: {  	s2 =	rddreg [dreg:$0x0]  }
0x2: {  	s1 =	srdreg.scid;
	s0 =	stileid.u32  }
0x3: {  	s4 =	rddreg [dreg:$0x1];
	s3 =	simm.s32 $0x0;
	s12 =	simm.s32 $0x1  }
0x4: {  	s13 =	simm.s32 $0x0;
	s5 =	sand.u32 $0x1, s1;
	s1 =	rddreg [dreg:$0x2]  }
0x5: {  	s6 =	sshll.u32 s0, $0x1;
	[smem:$0x7FF] =	sst s3;
	s10 =	smul.u32 $0x1A400, s0  }
0x6: {  	s11 =	sadd.s32 $0x84A00, s4;
	s6 =	sor.u32 s5, s6;
	s30 =	smul.u32 $0xD200, s5  }
0x7: {  	_ =	strace $0x8000004D;
	s8 =	ssub.s32 $0x2, s5;
	s7 =	smul.u32 $0xD20, s6  }
0x8: {  	s6 =	smul.u32 $0xD200, s6;
	s9 =	sshrl.u32 s8, $0x1;
	s31 =	sadd.s32 s10, s11  }
0x9: {  	s10 =	simm.s32 $0x4980;
	s8 =	ssub.s32 s8, s9;
	s9 =	simm.s32 $0xD80  }
0xa: {  	s7 =	sshrl.u32 s7, $0x3;
	s6 =	sadd.s32 s11, s6;
	s5 =	smax.u32 s8, $0x1  }
0xb: {  	s8 =	simm.s32 $0x2;
	s11 =	simm.s32 $0x78;
	s7 =	sadd.s32 s7, s4  }
0xc: {  	s6 =	sadd.s32 $0xCA80, s6;
	s4 =	sadd.s32 $0x1BC00, s7;
	s7 =	sadd.s32 s30, s31  }
.LBB2_1:
0xd: {  	[tilespmem:s3], [sflag:$0x2] =	stream.linear.gather [hbm4b:s4+s3], $0xD20, $0x38;
	[tilespmem:$0x8580] =	vst v63  }
0xe: {  	_ =	swait.ge [sflag:s8], $0xD20  }
0xf: {  	s14 =	sand.u32 $0x1, s12;
	[sflag:s8] =	ssyncset.done $0x0  }
0x10: {  	p0 =	seq.s32 s14, $0x1;
	s14 =	simm.s32 $0x4980;
	[sflag:s8] =	ssyncadd.s32 $0xFFFFF2E0  }
0x11: {  	[tilespmem:s9], [sflag:$0x1] =	stream.indirect.gather [hbm4b:s2+s11], $0x80, s3, s11, $0xb8;
	[tilespmem:$0x8580] =	vst v63  }
0x12: {  	s14 =	simm.s32 @!p0 $0xD80  }
0x13: {  	[tilespmem:s14], [sflag:$0x1] =	stream.indirect.gather [hbm4b:s2+s11], $0x80, s11, s11, $0xb8;
	[tilespmem:$0x8580] =	vst v63  }
0x14: {  	_ =	swait.ge [sflag:s12], $0x3C00  }
0x15: {  	s31 =	simm.s32 $0x2;
	s15 =	simm.s32 $0xD80;
	[sflag:s12] =	ssyncset.done $0x0  }
0x16: {  	s15 =	simm.s32 @!p0 $0x4980;
	s14 =	sand.u32 $0x1, s31;
	[sflag:s12] =	ssyncadd.s32 $0xFFFFC400  }
0x17: {  	[hbm4b:s7+s3] =	stream.linear.scatter [tilespmem:s15], [sflag:$0x2], $0x3C00, $0x38;
	[tilespmem:$0x8580] =	vst v63  }
0x18: {  	s16 =	simm.s32 $0x3;
	p0 =	seq.s32 s14, $0x1;
	_ =	swait.ge [sflag:s8], $0x3C00  }
0x19: {  	s14 =	sadd.s32 $0x780, s7;
	s15 =	simm.s32 $0xF0;
	[sflag:s8] =	ssyncset.done $0x0  }
.LBB2_2:
0x1a: {  	s17 =	simm.s32 $0x4980;
	[sflag:s8] =	ssyncadd.s32 $0xFFFFC400  }
0x1b: {  	s18 =	smov.u32 s16;
	s19 =	sadd.s32 $0x1, s16;
	s17 =	simm.s32 @!p0 $0xD80  }
0x1c: {  	[tilespmem:s17], [sflag:$0x1] =	stream.indirect.gather [hbm4b:s2+s11], $0x80, s15, s11, $0xb8;
	[tilespmem:$0x8580] =	vst v63  }
0x1d: {  	p1 =	sne.s32 s16, $0x1B;
	_ =	swait.ge [sflag:s12], $0x3C00  }
.Ltmp0:
0x1e: {  	s16 =	simm.s32 $0xD80;
	[sflag:s12] =	ssyncset.done $0x0;
	(pc) =	sbr.rel @p1 .LBB2_2-.Ltmp0, $4  }
0x1f: {  	s16 =	simm.s32 @!p0 $0x4980;
	s15 =	sadd.s32 $0x78, s15;
	[sflag:s12] =	ssyncadd.s32 $0xFFFFC400  }
0x20: {  	[hbm4b:s14+s3] =	stream.linear.scatter [tilespmem:s16], [sflag:$0x2], $0x3C00, $0x38;
	[tilespmem:$0x8580] =	vst v63  }
0x21: {  	s16 =	sand.u32 $0x1, s18;
	s14 =	sadd.s32 $0x780, s14;
	_ =	swait.ge [sflag:s8], $0x3C00  }
0x22: {  	p0 =	seq.s32 s16, $0x1;
	s16 =	smov.u32 s19;
	[sflag:s8] =	ssyncset.done $0x0  }
0x23: {  	s16 =	simm.s32 $0x4980  }
0x24: {  	[sflag:s8] =	ssyncadd.s32 $0xFFFFC400;
	s16 =	simm.s32 @!p0 $0xD80  }
0x25: {  	[tilespmem:s16], [sflag:$0x1] =	stream.indirect.gather [hbm4b:s2+s11], $0x80, s15, s11, $0xb8;
	[tilespmem:$0x8580] =	vst v63  }
0x26: {  	_ =	swait.ge [sflag:s12], $0x3C00  }
0x27: {  	s15 =	simm.s32 $0xD80;
	[sflag:s12] =	ssyncset.done $0x0  }
0x28: {  	s15 =	simm.s32 @!p0 $0x4980;
	[sflag:s12] =	ssyncadd.s32 $0xFFFFC400  }
0x29: {  	[hbm4b:s14+s3] =	stream.linear.scatter [tilespmem:s15], [sflag:$0x2], $0x3C00, $0x38;
	[tilespmem:$0x8580] =	vst v63  }
0x2a: {  	_ =	swait.ge [sflag:s8], $0x3C00  }
0x2b: {  	[sflag:s8] =	ssyncset.done $0x0  }
0x2c: {  	[sflag:s8] =	ssyncadd.s32 $0xFFFFC400  }
0x2d: {  	s13 =	sadd.s32 $0x1, s13;
	_ =	swait.ge [sflag:s12], $0x3C00  }
0x2e: {  	p0 =	sne.s32 s13, s5;
	[sflag:s12] =	ssyncset.done $0x0  }
.Ltmp1:
0x2f: {  	[sflag:s12] =	ssyncadd.s32 $0xFFFFC400;
	(pc) =	sbr.rel @p0 .LBB2_1-.Ltmp1, $4  }
0x30: {  	[hbm4b:s6+s3] =	stream.linear.scatter [tilespmem:s10], [sflag:$0x2], $0x3C00, $0x38;
	[tilespmem:$0x8580] =	vst v63  }
0x31: {  	_ =	swait.ge [sflag:s8], $0x3C00  }
0x32: {  	[sflag:s8] =	ssyncset.done $0x0  }
0x33: {  	[sflag:s8] =	ssyncadd.s32 $0xFFFFC400  }
0x34: {  	_ =	sfence.sel $0x180000  }
0x35: {  	[bflag:$0x0] =	sbarrier.arrive $0xFFFF  }
0x36: {  	p0 =	sne.s32 s0, $0x0;
	_ =	strace $0x9000004D  }
0x37: {  	s0 =	sadd.s32 @!p0 $0x100000, s1;
	[bflag:$0x2] =	sbarrier.arrive $0xFFFF  }
0x38: {  	[sflag:s0] =	ssyncadd.tile.s32 @!p0 $0x1;
	_ =	shalt  }
.Lfunc_end2:
_tile_overlayer_lowered:
.L_overlay_start_2:
0x39: {  	(tag) =	ssettag $0x2  }
0x3a: {  	s0 =	rddreg [dreg:$0x0];
	s2 =	stileid.u32  }
0x3b: {  	s1 =	rddreg [dreg:$0x1];
	p0 =	sne.s32 s2, $0x0  }
0x3c: {  	s3 =	rddreg [dreg:$0x2];
	[bflag:$0x3] =	sbarrier.arrive $0xFFFF;
	s2 =	simm.s32 @!p0 $0x1C02  }
0x3d: {  	[timem:s3], [sflag:s2] =	dma.local @!p0 [hbm:s0], s1  }
0x3e: {  	s0 =	simm.s32 @!p0 $0x2  }
0x3f: {  	_ =	swait.ge @!p0 [sflag:s0], s1  }
0x40: {  	s1 =	ssub.s32 @!p0 $0x0, s1;
	[sflag:s0] =	ssyncset.done @!p0 $0x0  }
0x41: {  	[sflag:s0] =	ssyncadd.s32 @!p0 s1  }
0x42: {  	[bflag:$0x3] =	sbarrier.arrive $0xFFFF  }
0x43: {  	_ =	shalt  }

// kernel: kernel.23.cloned.1.call-start
scs
__scs_entry_jumppad:
0x0: {  	(pc) =	sbr.rel $0x88, $3  }
0x1: {  	(tag) =	ssettag $0x0;
	lr =	simm.s32 $0x1  }
0x2: {  	[smem:$0x3F90] =	sst lr;
	_ =	strace $0xD0000000  }
0x3: {  	_ = 	snop  }
0x4: {  	_ = 	snop  }
0x5: {  	_ = 	snop  }
0x6: {  	_ = 	snop  }
0x7: {  	_ = 	snop  }
__scs_overlays_trampoline_lowered:
0x8: {  	[smem:$0x3F9F] =	sst s0  }
0x9: {  	[smem:$0x3FA0] =	sst s1  }
0xa: {  	[smem:$0x3FA1] =	sst s2  }
0xb: {  	[smem:$0x3FA2] =	sst s3  }
0xc: {  	[smem:$0x3FA3] =	sst s4  }
0xd: {  	[smem:$0x3FA4] =	sst s5  }
0xe: {  	[smem:$0x3FA5] =	sst s6  }
0xf: {  	[smem:$0x3FA6] =	sst s7  }
0x10: {  	[smem:$0x3FA7] =	sst s8  }
0x11: {  	[smem:$0x3FA8] =	sst s9;
	s0 =	simm.s32 @!p0 $0x0  }
0x12: {  	s1 =	sld [smem:$0x3F8E];
	s0 =	simm.s32 @p0 $0x1  }
0x13: {  	[smem:$0x3FA9] =	sst s0;
	s0 =	simm.s32 @!p1 $0x0  }
0x14: {  	s2 =	sld [smem:$0x3F8D];
	s0 =	simm.s32 @p1 $0x1  }
0x15: {  	[smem:$0x3FAA] =	sst s0;
	s0 =	simm.s32 @!p2 $0x0  }
0x16: {  	s3 =	sld [smem:$0x3FDB];
	s0 =	simm.s32 @p2 $0x1  }
0x17: {  	s4 =	simm.s32 $0x1BF5;
	[smem:$0x3FAC] =	sst s0  }
0x18: {  	s0 =	sld [smem:$0x3F8F];
	_ =	swait.ge [sflag:s4], $0x0  }
0x19: {  	s7 =	sld [smem:$0x3F90]  }
0x1a: {  	s8 =	sadd.s32 $0xFFFFE003, lr  }
0x1b: {  	s9 =	sadd.s32 $0xFFFFFEF7, lr;
	s5 =	simm.s32 $0xFFFFFFFF;
	p2 =	slt.u32 s8, $0xFFFFF086  }
0x1c: {  	p1 =	slt.u32 s9, $0xF7A;
	s5 =	simm.s32 @!p2 $0x0  }
0x1d: {  	s5 =	simm.s32 @p1 $0x1;
	p0 =	seq.s32 s7, s2  }
0x1e: {  	s7 =	smul.u32 @!p0 $0xF7A, s2;
	p2 =	seq.s32 @!p0 s5, $0x0  }
0x1f: {  	s9 =	smul.u32 $0xF7A, s1;
	s8 =	simm.s32 @!p0 $0x1BF5;
	p2 =	por !p2, p0  }
0x20: {  	[sflag:s8] =	ssyncset.s32 @!p0 $0xFFFFF086;
	s6 =	sadd.s32 @!p0 s3, s7;
	s7 =	simm.s32 @!p0 $0x108  }
0x21: {  	s3 =	sadd.s32 s3, s9;
	s6 =	sadd.s32 @!p0 $0x88, s6;
	s7 =	simm.s32 @p2 $0x1082  }
0x22: {  	[simem:s7], [sflag:s8] =	dma.local @!p0 [hbm:s6], $0xF7A  }
0x23: {  	s9 =	sor.u32 $0xD0000000, s2;
	s6 =	simm.s32 $0x108;
	_ =	swait.ge @!p0 [sflag:s8], $0x0  }
0x24: {  	s3 =	sadd.s32 $0x88, s3;
	s6 =	simm.s32 @!p1 $0x1082;
	[sflag:s4] =	ssyncset.s32 $0xFFFFF086  }
0x25: {  	[simem:s6], [sflag:s4] =	dma.local [hbm:s3], $0xF7A  }
0x26: {  	[smem:$0x3F90] =	sst s1;
	(tag) =	ssettag s2;
	_ =	strace s9  }
0x27: {  	s1 =	sld [smem:$0x3FA0]  }
0x28: {  	s2 =	sld [smem:$0x3FA1]  }
0x29: {  	s4 =	sld [smem:$0x3FA3]  }
0x2a: {  	p0 =	seq.s32 s5, $0x0;
	s5 =	sld [smem:$0x3FA4]  }
0x2b: {  	s6 =	sld [smem:$0x3FA5]  }
0x2c: {  	s7 =	sld [smem:$0x3FA6]  }
0x2d: {  	s3 =	simm.s32 $0x108;
	s8 =	sld [smem:$0x3FA7]  }
0x2e: {  	s3 =	simm.s32 @!p0 $0x1082;
	s9 =	sld [smem:$0x3FA8]  }
0x2f: {  	lr =	sadd.s32 s0, s3;
	s0 =	sld [smem:$0x3F9F]  }
0x30: {  	s3 =	sld [smem:$0x3FA2]  }
0x31: {  	[smem:$0x3FAB] =	sst s10  }
0x32: {  	s10 =	sld [smem:$0x3FA9];
	_ =	sdelay $0x3  }
0x33: {  	p0 =	seq.s32 s10, $0x1;
	s10 =	sld [smem:$0x3FAB];
	_ =	sdelay $0x3  }
0x34: {  	[smem:$0x3FAB] =	sst s10  }
0x35: {  	s10 =	sld [smem:$0x3FAA];
	_ =	sdelay $0x3  }
0x36: {  	p1 =	seq.s32 s10, $0x1;
	s10 =	sld [smem:$0x3FAB];
	_ =	sdelay $0x3  }
0x37: {  	[smem:$0x3FAB] =	sst s10  }
0x38: {  	s10 =	sld [smem:$0x3FAC]  }
0x39: {  	_ = 	snop;
	(pc) =	sbr.ind lr, $3  }
0x3a: {  	_ = 	snop  }
0x3b: {  	_ = 	snop  }
0x3c: {  	p2 =	seq.s32 s10, $0x1;
	s10 =	sld [smem:$0x3FAB]  }
0x3d: {  	_ =	shalt  }
0x3e: {  	_ =	shalt  }
0x3f: {  	_ =	shalt  }
0x40: {  	_ =	shalt  }
0x41: {  	_ =	shalt  }
0x42: {  	_ =	shalt  }
0x43: {  	_ =	shalt  }
0x44: {  	_ =	shalt  }
0x45: {  	_ =	shalt  }
0x46: {  	_ =	shalt  }
0x47: {  	_ =	shalt  }
0x48: {  	_ =	shalt  }
0x49: {  	_ =	shalt  }
0x4a: {  	_ =	shalt  }
0x4b: {  	_ =	shalt  }
0x4c: {  	_ =	shalt  }
0x4d: {  	_ =	shalt  }
0x4e: {  	_ =	shalt  }
0x4f: {  	_ =	shalt  }
0x50: {  	_ =	shalt  }
0x51: {  	_ =	shalt  }
0x52: {  	_ =	shalt  }
0x53: {  	_ =	shalt  }
0x54: {  	_ =	shalt  }
0x55: {  	_ =	shalt  }
0x56: {  	_ =	shalt  }
0x57: {  	_ =	shalt  }
0x58: {  	_ =	shalt  }
0x59: {  	_ =	shalt  }
0x5a: {  	_ =	shalt  }
0x5b: {  	_ =	shalt  }
0x5c: {  	_ =	shalt  }
0x5d: {  	_ =	shalt  }
0x5e: {  	_ =	shalt  }
0x5f: {  	_ =	shalt  }
0x60: {  	_ =	shalt  }
0x61: {  	_ =	shalt  }
0x62: {  	_ =	shalt  }
0x63: {  	_ =	shalt  }
0x64: {  	_ =	shalt  }
0x65: {  	_ =	shalt  }
0x66: {  	_ =	shalt  }
0x67: {  	_ =	shalt  }
0x68: {  	_ =	shalt  }
0x69: {  	_ =	shalt  }
0x6a: {  	_ =	shalt  }
0x6b: {  	_ =	shalt  }
0x6c: {  	_ =	shalt  }
0x6d: {  	_ =	shalt  }
0x6e: {  	_ =	shalt  }
0x6f: {  	_ =	shalt  }
0x70: {  	_ =	shalt  }
0x71: {  	_ =	shalt  }
0x72: {  	_ =	shalt  }
0x73: {  	_ =	shalt  }
0x74: {  	_ =	shalt  }
0x75: {  	_ =	shalt  }
0x76: {  	_ =	shalt  }
0x77: {  	_ =	shalt  }
0x78: {  	_ =	shalt  }
0x79: {  	_ =	shalt  }
0x7a: {  	_ =	shalt  }
0x7b: {  	_ =	shalt  }
0x7c: {  	_ =	shalt  }
0x7d: {  	_ =	shalt  }
0x7e: {  	_ =	shalt  }
0x7f: {  	_ =	shalt  }
0x80: {  	_ =	shalt  }
0x81: {  	_ =	shalt  }
0x82: {  	_ =	shalt  }
0x83: {  	_ =	shalt  }
0x84: {  	_ =	shalt  }
0x85: {  	_ =	shalt  }
0x86: {  	_ =	shalt  }
0x87: {  	_ =	shalt  }
.Lfunc_end0:
.L_simem_size_0:
called_computation.4_lowered:
.L_overlay_start_0:
0x88: {  	s2 =	sld [smem:$0x3FD9]  }
0x89: {  	s3 =	sld [smem:$0x3FFE];
	_ =	sdelay $0x1  }
0x8a: {  	s1 =	srdreg.scid  }
0x8b: {  	s0 =	sand.u32 $0x1, s1  }
0x8c: {  	s17 =	sshll.u32 s0, $0xA;
	s2 =	sadd.s32 s3, s2  }
0x8d: {  	s2 =	sadd.s32 s2, s17  }
0x8e: {  	[smem:$0x3FB7] =	sst s2  }
0x8f: {  	_ = 	snop  }
0x90: {  	s18 =	sld [smem:$0x3FC7];
	(tm) =	ssettm $0x1  }
0x91: {  	s19 =	sld [smem:$0x3FFB];
	_ =	sdelay $0x3  }
0x92: {  	_ =	strace s19  }
0x93: {  	s2 =	sld [smem:$0x3FFC];
	_ =	sdelay $0x3  }
0x94: {  	_ =	strace s2  }
0x95: {  	s2 =	sld [smem:$0x3FFD];
	_ =	sdelay $0x3  }
0x96: {  	_ =	strace s2  }
0x97: {  	_ =	strace $0x8FFFFFFF  }
0x98: {  	s20 =	sld [smem:$0x3FDB];
	_ =	sdelay $0x1  }
0x99: {  	s4 =	simm.s32 $_scs_section_size  }
0x9a: {  	s5 =	simm.s32 $_size__tile_overlayer_lowered;
	s6 =	simm.s32 $_tile_overlayer_lowered  }
0x9b: {  	s7 =	simm.s32 $0x1BFF;
	s21 =	sshll.u32 s6, $0x1;
	s4 =	sadd.s32 s4, s20  }
0x9c: {  	s22 =	simm.s32 $0x0;
	s5 =	sshll.u32 s5, $0x1;
	s6 =	sadd.s32 s21, s4  }
0x9d: {  	[timem:s22], [sflag:s7] =	dma.local [hbm:s6], s5  }
0x9e: {  	_ =	swait.ge [sflag:s7], s5  }
0x9f: {  	s5 =	ssub.s32 $0x0, s5;
	[sflag:s7] =	ssyncset.done $0x0  }
0xa0: {  	[sflag:s7] =	ssyncadd.s32 s5;
	_ =	sdelay $0x1  }
0xa1: {  	s23 =	simm.s32 $0x1B8B  }
0xa2: {  	_ =	swait.ge [sflag:s23], $0x1  }
0xa3: {  	[sflag:s23] =	ssyncset.done $0x0  }
0xa4: {  	[sflag:s23] =	ssyncadd.s32 $0xFFFFFFFF  }
0xa5: {  	s5 =	sld [smem:$0x0]  }
0xa6: {  	s6 =	sand.u32 $0xFFFFFFFE, s1  }
0xa7: {  	p0 =	sne.s32 s1, s6  }
0xa8: {  	s6 =	sshll.u32 @p0 s6, $0xE  }
0xa9: {  	s6 =	sadd.s32 @p0 $0x11B8D, s6;
	s7 =	sshll.u32 @p0 s5, $0x11  }
0xaa: {  	s6 =	sor.u32 @p0 s7, s6  }
0xab: {  	[sflag:s6] =	ssyncadd.remote.s32 @p0 $0x1;
	_ =	sdelay $0x1  }
0xac: {  	s6 =	simm.s32 @p0 $0x1B8D  }
0xad: {  	_ =	swait.eq @p0 [sflag:s6], $0x1  }
0xae: {  	[sflag:s6] =	ssyncadd.s32 @p0 $0xFFFFFFFF  }
0xaf: {  	s7 =	sshll.u32 @!p0 s1, $0xE  }
0xb0: {  	s7 =	sor.u32 @!p0 $0x4000, s7;
	s6 =	simm.s32 @!p0 $0x1B8D  }
0xb1: {  	s5 =	sshll.u32 @!p0 s5, $0x11;
	s7 =	sadd.s32 @!p0 $0x11B8D, s7;
	_ =	swait.eq @!p0 [sflag:s6], $0x1  }
0xb2: {  	s5 =	sor.u32 @!p0 s5, s7;
	[sflag:s6] =	ssyncadd.s32 @!p0 $0xFFFFFFFF  }
0xb3: {  	s25 =	simm.s32 $0x1B8E;
	s24 =	sld [smem:$0x3FFE];
	[sflag:s5] =	ssyncadd.remote.s32 @!p0 $0x1  }
0xb4: {  	s26 =	simm.s32 $execute0_lowered;
	[smem:$0x3FD2] =	sst s25  }
0xb5: {  	s6 =	sshll.u32 s26, $0x1;
	_ =	strace $0x80000052;
	[dreg:$0x1] =	wrdreg $0xFFFFFFFF  }
0xb6: {  	s28 =	simm.s32 $_size_execute0_lowered;
	s4 =	sadd.s32 s4, s6;
	[dreg:$0x0] =	wrdreg $0x0  }
0xb7: {  	s6 =	sshll.u32 s28, $0x1;
	[dreg:$0x2] =	wrdreg s4  }
0xb8: {  	[dreg:$0x3] =	wrdreg s6  }
0xb9: {  	[dreg:$0x4] =	wrdreg $0xC0  }
0xba: {  	_ =	task [dreg:s22], $0x5FFFF  }
0xbb: {  	[dreg:$0x1] =	wrdreg $0xFFFFFFFF  }
0xbc: {  	[dreg:$0x0] =	wrdreg $0x60  }
0xbd: {  	[dreg:$0x2] =	wrdreg s18  }
0xbe: {  	[dreg:$0x3] =	wrdreg s24  }
0xbf: {  	[dreg:$0x4] =	wrdreg $0xB  }
0xc0: {  	_ =	task.clear_ibuf [dreg:s22], $0x5FFFF;
	_ =	strace $0x90000052  }
0xc1: {  	s29 =	simm.s32 $0xB;
	_ =	strace $0x80000054  }
0xc2: {  	_ =	swait.ge [sflag:s29], $0x1  }
0xc3: {  	[sflag:s29] =	ssyncadd.s32 $0xFFFFFFFF  }
0xc4: {  	_ =	strace $0x90000054  }
0xc5: {  	_ =	sfence  }
0xc6: {  	s30 =	sld [smem:$0x0];
	_ =	sdelay $0x2  }
0xc7: {  	s31 =	sshll.u32 s1, $0xD;
	s1 =	sshrl.u32 s1, $0x2  }
0xc8: {  	s4 =	sand.u32 $0x4000, s31;
	s1 =	sadd.s32 s1, s30  }
0xc9: {  	s0 =	sor.u32 s4, s0;
	s1 =	sshll.u32 s1, $0x11  }
0xca: {  	s0 =	sor.u32 s1, s0  }
0xcb: {  	s0 =	sadd.s32 $0x8F2B, s0  }
0xcc: {  	[sflag:s0] =	ssyncadd.remote.s32 $0x1  }
0xcd: {  	_ =	sfence.sel $0xFFFF  }
0xce: {  	[dreg:$0x0] =	wrdreg $0xFFFFFFFF;
	(pc) =	sbr.abs _section_cstart, $3  }
0xcf: {  	[dreg:$0x1] =	wrdreg $0xFFFFFFFF  }
0xd0: {  	_ =	task.clear_ibuf [dreg:s22], $0x2FFFF;
	_ =	strace $0x9FFFFFFF  }
0xd1: {  	(tm) =	ssettm $0x7FFFFFFF  }
tec
execute0_lowered:
.L_overlay_start_1:
0x0: {  	(tag) =	ssettag $0x1  }
0x1: {  	s1 =	srdreg.scid;
	s2 =	rddreg [dreg:$0x0]  }
0x2: {  	s0 =	stileid.u32;
	s4 =	rddreg [dreg:$0x1];
	s3 =	simm.s32 $0x0  }
0x3: {  	s11 =	simm.s32 $0x1;
	s12 =	simm.s32 $0x0;
	s5 =	sand.u32 $0x1, s1  }
0x4: {  	s28 =	sshll.u32 s0, $0x1;
	s1 =	rddreg [dreg:$0x2];
	s29 =	smul.u32 $0x1B900, s0  }
0x5: {  	[smem:$0x7FF] =	sst s3;
	s6 =	sor.u32 s5, s28;
	s30 =	smul.u32 $0xDC80, s5  }
0x6: {  	s10 =	sadd.s32 $0x3E1A00, s4;
	s8 =	ssub.s32 $0x2, s5;
	s7 =	smul.u32 $0xDC8, s6  }
0x7: {  	_ =	strace $0x80000053;
	s9 =	sshrl.u32 s8, $0x1;
	s6 =	smul.u32 $0xDC80, s6  }
0x8: {  	s31 =	sadd.s32 s29, s10;
	s8 =	ssub.s32 s8, s9;
	s9 =	simm.s32 $0xE00  }
0x9: {  	s7 =	sshrl.u32 s7, $0x3;
	s6 =	sadd.s32 s10, s6;
	s5 =	smax.u32 s8, $0x1  }
0xa: {  	s8 =	simm.s32 $0x2;
	s10 =	simm.s32 $0x48;
	s7 =	sadd.s32 s7, s4  }
0xb: {  	s6 =	sadd.s32 $0xD800, s6;
	s4 =	sadd.s32 $0x22A00, s7;
	s7 =	sadd.s32 s30, s31  }
.LBB2_1:
0xc: {  	[tilespmem:s3], [sflag:$0x2] =	stream.linear.gather [hbm4b:s4+s3], $0xDC8, $0x38;
	[tilespmem:$0x5600] =	vst v63  }
0xd: {  	_ =	swait.ge [sflag:s8], $0xDC8  }
0xe: {  	s13 =	sand.u32 $0x1, s11;
	[sflag:s8] =	ssyncset.done $0x0  }
0xf: {  	p0 =	seq.s32 s13, $0x1;
	s13 =	simm.s32 $0x3200;
	[sflag:s8] =	ssyncadd.s32 $0xFFFFF238  }
0x10: {  	[tilespmem:s9], [sflag:$0x1] =	stream.indirect.gather [hbm4b:s2+s10], $0x80, s3, s10, $0xb8;
	[tilespmem:$0x5600] =	vst v63  }
0x11: {  	s13 =	simm.s32 @!p0 $0xE00  }
0x12: {  	[tilespmem:s13], [sflag:$0x1] =	stream.indirect.gather [hbm4b:s2+s10], $0x80, s10, s10, $0xb8;
	[tilespmem:$0x5600] =	vst v63  }
0x13: {  	_ =	swait.ge [sflag:s11], $0x2400  }
0x14: {  	s31 =	simm.s32 $0x2;
	s14 =	simm.s32 $0xE00;
	[sflag:s11] =	ssyncset.done $0x0  }
0x15: {  	s14 =	simm.s32 @!p0 $0x3200;
	s13 =	sand.u32 $0x1, s31;
	[sflag:s11] =	ssyncadd.s32 $0xFFFFDC00  }
0x16: {  	[hbm4b:s7+s3] =	stream.linear.scatter [tilespmem:s14], [sflag:$0x2], $0x2400, $0x38;
	[tilespmem:$0x5600] =	vst v63  }
0x17: {  	s15 =	simm.s32 $0x3;
	p0 =	seq.s32 s13, $0x1;
	_ =	swait.ge [sflag:s8], $0x2400  }
0x18: {  	s13 =	sadd.s32 $0x480, s7;
	s14 =	simm.s32 $0x90;
	[sflag:s8] =	ssyncset.done $0x0  }
.LBB2_2:
0x19: {  	s16 =	simm.s32 $0x3200;
	[sflag:s8] =	ssyncadd.s32 $0xFFFFDC00  }
0x1a: {  	s17 =	smov.u32 s15;
	s18 =	sadd.s32 $0x1, s15;
	s16 =	simm.s32 @!p0 $0xE00  }
0x1b: {  	[tilespmem:s16], [sflag:$0x1] =	stream.indirect.gather [hbm4b:s2+s10], $0x80, s14, s10, $0xb8;
	[tilespmem:$0x5600] =	vst v63  }
0x1c: {  	p1 =	sne.s32 s15, $0x30;
	_ =	swait.ge [sflag:s11], $0x2400  }
.Ltmp0:
0x1d: {  	s15 =	simm.s32 $0xE00;
	[sflag:s11] =	ssyncset.done $0x0;
	(pc) =	sbr.rel @p1 .LBB2_2-.Ltmp0, $4  }
0x1e: {  	s15 =	simm.s32 @!p0 $0x3200;
	s14 =	sadd.s32 $0x48, s14;
	[sflag:s11] =	ssyncadd.s32 $0xFFFFDC00  }
0x1f: {  	[hbm4b:s13+s3] =	stream.linear.scatter [tilespmem:s15], [sflag:$0x2], $0x2400, $0x38;
	[tilespmem:$0x5600] =	vst v63  }
0x20: {  	s15 =	sand.u32 $0x1, s17;
	s13 =	sadd.s32 $0x480, s13;
	_ =	swait.ge [sflag:s8], $0x2400  }
0x21: {  	p0 =	seq.s32 s15, $0x1;
	s15 =	smov.u32 s18;
	[sflag:s8] =	ssyncset.done $0x0  }
0x22: {  	s15 =	simm.s32 $0x3200  }
0x23: {  	[sflag:s8] =	ssyncadd.s32 $0xFFFFDC00;
	s15 =	simm.s32 @!p0 $0xE00  }
0x24: {  	[tilespmem:s15], [sflag:$0x1] =	stream.indirect.gather [hbm4b:s2+s10], $0x80, s14, s10, $0xb8;
	[tilespmem:$0x5600] =	vst v63  }
0x25: {  	_ =	swait.ge [sflag:s11], $0x2400  }
0x26: {  	s14 =	simm.s32 $0xE00;
	[sflag:s11] =	ssyncset.done $0x0  }
0x27: {  	s14 =	simm.s32 @!p0 $0x3200;
	[sflag:s11] =	ssyncadd.s32 $0xFFFFDC00  }
0x28: {  	[hbm4b:s13+s3] =	stream.linear.scatter [tilespmem:s14], [sflag:$0x2], $0x2400, $0x38;
	[tilespmem:$0x5600] =	vst v63  }
0x29: {  	_ =	swait.ge [sflag:s8], $0x2400  }
0x2a: {  	[sflag:s8] =	ssyncset.done $0x0  }
0x2b: {  	[sflag:s8] =	ssyncadd.s32 $0xFFFFDC00  }
0x2c: {  	s12 =	sadd.s32 $0x1, s12;
	_ =	swait.ge [sflag:s11], $0x2400  }
0x2d: {  	p0 =	sne.s32 s12, s5;
	[sflag:s11] =	ssyncset.done $0x0  }
.Ltmp1:
0x2e: {  	[sflag:s11] =	ssyncadd.s32 $0xFFFFDC00;
	(pc) =	sbr.rel @p0 .LBB2_1-.Ltmp1, $4  }
0x2f: {  	[hbm4b:s6+s3] =	stream.linear.scatter [tilespmem:s9], [sflag:$0x2], $0x2400, $0x38;
	[tilespmem:$0x5600] =	vst v63  }
0x30: {  	_ =	swait.ge [sflag:s8], $0x2400  }
0x31: {  	[sflag:s8] =	ssyncset.done $0x0  }
0x32: {  	[sflag:s8] =	ssyncadd.s32 $0xFFFFDC00  }
0x33: {  	_ =	sfence.sel $0x180000  }
0x34: {  	[bflag:$0x0] =	sbarrier.arrive $0xFFFF  }
0x35: {  	p0 =	sne.s32 s0, $0x0;
	_ =	strace $0x90000053  }
0x36: {  	s0 =	sadd.s32 @!p0 $0x100000, s1;
	[bflag:$0x2] =	sbarrier.arrive $0xFFFF  }
0x37: {  	[sflag:s0] =	ssyncadd.tile.s32 @!p0 $0x1;
	_ =	shalt  }
.Lfunc_end2:
_tile_overlayer_lowered:
.L_overlay_start_2:
0x38: {  	(tag) =	ssettag $0x2  }
0x39: {  	s0 =	rddreg [dreg:$0x0];
	s2 =	stileid.u32  }
0x3a: {  	s1 =	rddreg [dreg:$0x1];
	p0 =	sne.s32 s2, $0x0  }
0x3b: {  	s3 =	rddreg [dreg:$0x2];
	[bflag:$0x3] =	sbarrier.arrive $0xFFFF;
	s2 =	simm.s32 @!p0 $0x1C02  }
0x3c: {  	[timem:s3], [sflag:s2] =	dma.local @!p0 [hbm:s0], s1  }
0x3d: {  	s0 =	simm.s32 @!p0 $0x2  }
0x3e: {  	_ =	swait.ge @!p0 [sflag:s0], s1  }
0x3f: {  	s1 =	ssub.s32 @!p0 $0x0, s1;
	[sflag:s0] =	ssyncset.done @!p0 $0x0  }
0x40: {  	[sflag:s0] =	ssyncadd.s32 @!p0 s1  }
0x41: {  	[bflag:$0x3] =	sbarrier.arrive $0xFFFF  }
0x42: {  	_ =	shalt  }

// kernel: kernel.26.cloned.1.call-start
scs
__scs_entry_jumppad:
0x0: {  	(pc) =	sbr.rel $0x88, $3  }
0x1: {  	(tag) =	ssettag $0x0;
	lr =	simm.s32 $0x1  }
0x2: {  	[smem:$0x3F90] =	sst lr;
	_ =	strace $0xD0000000  }
0x3: {  	_ = 	snop  }
0x4: {  	_ = 	snop  }
0x5: {  	_ = 	snop  }
0x6: {  	_ = 	snop  }
0x7: {  	_ = 	snop  }
__scs_overlays_trampoline_lowered:
0x8: {  	[smem:$0x3F9F] =	sst s0  }
0x9: {  	[smem:$0x3FA0] =	sst s1  }
0xa: {  	[smem:$0x3FA1] =	sst s2  }
0xb: {  	[smem:$0x3FA2] =	sst s3  }
0xc: {  	[smem:$0x3FA3] =	sst s4  }
0xd: {  	[smem:$0x3FA4] =	sst s5  }
0xe: {  	[smem:$0x3FA5] =	sst s6  }
0xf: {  	[smem:$0x3FA6] =	sst s7  }
0x10: {  	[smem:$0x3FA7] =	sst s8  }
0x11: {  	[smem:$0x3FA8] =	sst s9;
	s0 =	simm.s32 @!p0 $0x0  }
0x12: {  	s1 =	sld [smem:$0x3F8E];
	s0 =	simm.s32 @p0 $0x1  }
0x13: {  	[smem:$0x3FA9] =	sst s0;
	s0 =	simm.s32 @!p1 $0x0  }
0x14: {  	s2 =	sld [smem:$0x3F8D];
	s0 =	simm.s32 @p1 $0x1  }
0x15: {  	[smem:$0x3FAA] =	sst s0;
	s0 =	simm.s32 @!p2 $0x0  }
0x16: {  	s3 =	sld [smem:$0x3FDB];
	s0 =	simm.s32 @p2 $0x1  }
0x17: {  	s4 =	simm.s32 $0x1BF5;
	[smem:$0x3FAC] =	sst s0  }
0x18: {  	s0 =	sld [smem:$0x3F8F];
	_ =	swait.ge [sflag:s4], $0x0  }
0x19: {  	s7 =	sld [smem:$0x3F90]  }
0x1a: {  	s8 =	sadd.s32 $0xFFFFE003, lr  }
0x1b: {  	s9 =	sadd.s32 $0xFFFFFEF7, lr;
	s5 =	simm.s32 $0xFFFFFFFF;
	p2 =	slt.u32 s8, $0xFFFFF086  }
0x1c: {  	p1 =	slt.u32 s9, $0xF7A;
	s5 =	simm.s32 @!p2 $0x0  }
0x1d: {  	s5 =	simm.s32 @p1 $0x1;
	p0 =	seq.s32 s7, s2  }
0x1e: {  	s7 =	smul.u32 @!p0 $0xF7A, s2;
	p2 =	seq.s32 @!p0 s5, $0x0  }
0x1f: {  	s9 =	smul.u32 $0xF7A, s1;
	s8 =	simm.s32 @!p0 $0x1BF5;
	p2 =	por !p2, p0  }
0x20: {  	[sflag:s8] =	ssyncset.s32 @!p0 $0xFFFFF086;
	s6 =	sadd.s32 @!p0 s3, s7;
	s7 =	simm.s32 @!p0 $0x108  }
0x21: {  	s3 =	sadd.s32 s3, s9;
	s6 =	sadd.s32 @!p0 $0x88, s6;
	s7 =	simm.s32 @p2 $0x1082  }
0x22: {  	[simem:s7], [sflag:s8] =	dma.local @!p0 [hbm:s6], $0xF7A  }
0x23: {  	s9 =	sor.u32 $0xD0000000, s2;
	s6 =	simm.s32 $0x108;
	_ =	swait.ge @!p0 [sflag:s8], $0x0  }
0x24: {  	s3 =	sadd.s32 $0x88, s3;
	s6 =	simm.s32 @!p1 $0x1082;
	[sflag:s4] =	ssyncset.s32 $0xFFFFF086  }
0x25: {  	[simem:s6], [sflag:s4] =	dma.local [hbm:s3], $0xF7A  }
0x26: {  	[smem:$0x3F90] =	sst s1;
	(tag) =	ssettag s2;
	_ =	strace s9  }
0x27: {  	s1 =	sld [smem:$0x3FA0]  }
0x28: {  	s2 =	sld [smem:$0x3FA1]  }
0x29: {  	s4 =	sld [smem:$0x3FA3]  }
0x2a: {  	p0 =	seq.s32 s5, $0x0;
	s5 =	sld [smem:$0x3FA4]  }
0x2b: {  	s6 =	sld [smem:$0x3FA5]  }
0x2c: {  	s7 =	sld [smem:$0x3FA6]  }
0x2d: {  	s3 =	simm.s32 $0x108;
	s8 =	sld [smem:$0x3FA7]  }
0x2e: {  	s3 =	simm.s32 @!p0 $0x1082;
	s9 =	sld [smem:$0x3FA8]  }
0x2f: {  	lr =	sadd.s32 s0, s3;
	s0 =	sld [smem:$0x3F9F]  }
0x30: {  	s3 =	sld [smem:$0x3FA2]  }
0x31: {  	[smem:$0x3FAB] =	sst s10  }
0x32: {  	s10 =	sld [smem:$0x3FA9];
	_ =	sdelay $0x3  }
0x33: {  	p0 =	seq.s32 s10, $0x1;
	s10 =	sld [smem:$0x3FAB];
	_ =	sdelay $0x3  }
0x34: {  	[smem:$0x3FAB] =	sst s10  }
0x35: {  	s10 =	sld [smem:$0x3FAA];
	_ =	sdelay $0x3  }
0x36: {  	p1 =	seq.s32 s10, $0x1;
	s10 =	sld [smem:$0x3FAB];
	_ =	sdelay $0x3  }
0x37: {  	[smem:$0x3FAB] =	sst s10  }
0x38: {  	s10 =	sld [smem:$0x3FAC]  }
0x39: {  	_ = 	snop;
	(pc) =	sbr.ind lr, $3  }
0x3a: {  	_ = 	snop  }
0x3b: {  	_ = 	snop  }
0x3c: {  	p2 =	seq.s32 s10, $0x1;
	s10 =	sld [smem:$0x3FAB]  }
0x3d: {  	_ =	shalt  }
0x3e: {  	_ =	shalt  }
0x3f: {  	_ =	shalt  }
0x40: {  	_ =	shalt  }
0x41: {  	_ =	shalt  }
0x42: {  	_ =	shalt  }
0x43: {  	_ =	shalt  }
0x44: {  	_ =	shalt  }
0x45: {  	_ =	shalt  }
0x46: {  	_ =	shalt  }
0x47: {  	_ =	shalt  }
0x48: {  	_ =	shalt  }
0x49: {  	_ =	shalt  }
0x4a: {  	_ =	shalt  }
0x4b: {  	_ =	shalt  }
0x4c: {  	_ =	shalt  }
0x4d: {  	_ =	shalt  }
0x4e: {  	_ =	shalt  }
0x4f: {  	_ =	shalt  }
0x50: {  	_ =	shalt  }
0x51: {  	_ =	shalt  }
0x52: {  	_ =	shalt  }
0x53: {  	_ =	shalt  }
0x54: {  	_ =	shalt  }
0x55: {  	_ =	shalt  }
0x56: {  	_ =	shalt  }
0x57: {  	_ =	shalt  }
0x58: {  	_ =	shalt  }
0x59: {  	_ =	shalt  }
0x5a: {  	_ =	shalt  }
0x5b: {  	_ =	shalt  }
0x5c: {  	_ =	shalt  }
0x5d: {  	_ =	shalt  }
0x5e: {  	_ =	shalt  }
0x5f: {  	_ =	shalt  }
0x60: {  	_ =	shalt  }
0x61: {  	_ =	shalt  }
0x62: {  	_ =	shalt  }
0x63: {  	_ =	shalt  }
0x64: {  	_ =	shalt  }
0x65: {  	_ =	shalt  }
0x66: {  	_ =	shalt  }
0x67: {  	_ =	shalt  }
0x68: {  	_ =	shalt  }
0x69: {  	_ =	shalt  }
0x6a: {  	_ =	shalt  }
0x6b: {  	_ =	shalt  }
0x6c: {  	_ =	shalt  }
0x6d: {  	_ =	shalt  }
0x6e: {  	_ =	shalt  }
0x6f: {  	_ =	shalt  }
0x70: {  	_ =	shalt  }
0x71: {  	_ =	shalt  }
0x72: {  	_ =	shalt  }
0x73: {  	_ =	shalt  }
0x74: {  	_ =	shalt  }
0x75: {  	_ =	shalt  }
0x76: {  	_ =	shalt  }
0x77: {  	_ =	shalt  }
0x78: {  	_ =	shalt  }
0x79: {  	_ =	shalt  }
0x7a: {  	_ =	shalt  }
0x7b: {  	_ =	shalt  }
0x7c: {  	_ =	shalt  }
0x7d: {  	_ =	shalt  }
0x7e: {  	_ =	shalt  }
0x7f: {  	_ =	shalt  }
0x80: {  	_ =	shalt  }
0x81: {  	_ =	shalt  }
0x82: {  	_ =	shalt  }
0x83: {  	_ =	shalt  }
0x84: {  	_ =	shalt  }
0x85: {  	_ =	shalt  }
0x86: {  	_ =	shalt  }
0x87: {  	_ =	shalt  }
.Lfunc_end0:
.L_simem_size_0:
called_computation.5_lowered:
.L_overlay_start_0:
0x88: {  	s2 =	sld [smem:$0x3FD9]  }
0x89: {  	s3 =	sld [smem:$0x3FFE];
	_ =	sdelay $0x1  }
0x8a: {  	s1 =	srdreg.scid  }
0x8b: {  	s0 =	sand.u32 $0x1, s1  }
0x8c: {  	s17 =	sshll.u32 s0, $0xA;
	s2 =	sadd.s32 s3, s2  }
0x8d: {  	s2 =	sadd.s32 s2, s17  }
0x8e: {  	[smem:$0x3FB7] =	sst s2  }
0x8f: {  	_ = 	snop  }
0x90: {  	s18 =	sld [smem:$0x3FC6];
	(tm) =	ssettm $0x1  }
0x91: {  	s19 =	sld [smem:$0x3FFB];
	_ =	sdelay $0x3  }
0x92: {  	_ =	strace s19  }
0x93: {  	s2 =	sld [smem:$0x3FFC];
	_ =	sdelay $0x3  }
0x94: {  	_ =	strace s2  }
0x95: {  	s2 =	sld [smem:$0x3FFD];
	_ =	sdelay $0x3  }
0x96: {  	_ =	strace s2  }
0x97: {  	_ =	strace $0x8FFFFFFF  }
0x98: {  	s20 =	sld [smem:$0x3FDB];
	_ =	sdelay $0x1  }
0x99: {  	s4 =	simm.s32 $_scs_section_size  }
0x9a: {  	s5 =	simm.s32 $_size__tile_overlayer_lowered;
	s6 =	simm.s32 $_tile_overlayer_lowered  }
0x9b: {  	s7 =	simm.s32 $0x1BFF;
	s21 =	sshll.u32 s6, $0x1;
	s4 =	sadd.s32 s4, s20  }
0x9c: {  	s22 =	simm.s32 $0x0;
	s5 =	sshll.u32 s5, $0x1;
	s6 =	sadd.s32 s21, s4  }
0x9d: {  	[timem:s22], [sflag:s7] =	dma.local [hbm:s6], s5  }
0x9e: {  	_ =	swait.ge [sflag:s7], s5  }
0x9f: {  	s5 =	ssub.s32 $0x0, s5;
	[sflag:s7] =	ssyncset.done $0x0  }
0xa0: {  	[sflag:s7] =	ssyncadd.s32 s5;
	_ =	sdelay $0x1  }
0xa1: {  	s23 =	simm.s32 $0x1B8B  }
0xa2: {  	_ =	swait.ge [sflag:s23], $0x1  }
0xa3: {  	[sflag:s23] =	ssyncset.done $0x0  }
0xa4: {  	[sflag:s23] =	ssyncadd.s32 $0xFFFFFFFF  }
0xa5: {  	s5 =	sld [smem:$0x0]  }
0xa6: {  	s6 =	sand.u32 $0xFFFFFFFE, s1  }
0xa7: {  	p0 =	sne.s32 s1, s6  }
0xa8: {  	s6 =	sshll.u32 @p0 s6, $0xE  }
0xa9: {  	s6 =	sadd.s32 @p0 $0x11B8D, s6;
	s7 =	sshll.u32 @p0 s5, $0x11  }
0xaa: {  	s6 =	sor.u32 @p0 s7, s6  }
0xab: {  	[sflag:s6] =	ssyncadd.remote.s32 @p0 $0x1;
	_ =	sdelay $0x1  }
0xac: {  	s6 =	simm.s32 @p0 $0x1B8D  }
0xad: {  	_ =	swait.eq @p0 [sflag:s6], $0x1  }
0xae: {  	[sflag:s6] =	ssyncadd.s32 @p0 $0xFFFFFFFF  }
0xaf: {  	s7 =	sshll.u32 @!p0 s1, $0xE  }
0xb0: {  	s7 =	sor.u32 @!p0 $0x4000, s7;
	s6 =	simm.s32 @!p0 $0x1B8D  }
0xb1: {  	s5 =	sshll.u32 @!p0 s5, $0x11;
	s7 =	sadd.s32 @!p0 $0x11B8D, s7;
	_ =	swait.eq @!p0 [sflag:s6], $0x1  }
0xb2: {  	s5 =	sor.u32 @!p0 s5, s7;
	[sflag:s6] =	ssyncadd.s32 @!p0 $0xFFFFFFFF  }
0xb3: {  	s25 =	simm.s32 $0x1B8E;
	s24 =	sld [smem:$0x3FFE];
	[sflag:s5] =	ssyncadd.remote.s32 @!p0 $0x1  }
0xb4: {  	s26 =	simm.s32 $execute0_lowered;
	[smem:$0x3FD2] =	sst s25  }
0xb5: {  	s6 =	sshll.u32 s26, $0x1;
	_ =	strace $0x80000055;
	[dreg:$0x1] =	wrdreg $0xFFFFFFFF  }
0xb6: {  	s28 =	simm.s32 $_size_execute0_lowered;
	s4 =	sadd.s32 s4, s6;
	[dreg:$0x0] =	wrdreg $0x0  }
0xb7: {  	s6 =	sshll.u32 s28, $0x1;
	[dreg:$0x2] =	wrdreg s4  }
0xb8: {  	[dreg:$0x3] =	wrdreg s6  }
0xb9: {  	[dreg:$0x4] =	wrdreg $0xC0  }
0xba: {  	_ =	task [dreg:s22], $0x5FFFF  }
0xbb: {  	[dreg:$0x1] =	wrdreg $0xFFFFFFFF  }
0xbc: {  	[dreg:$0x0] =	wrdreg $0x60  }
0xbd: {  	[dreg:$0x2] =	wrdreg s18  }
0xbe: {  	[dreg:$0x3] =	wrdreg s24  }
0xbf: {  	[dreg:$0x4] =	wrdreg $0xC  }
0xc0: {  	_ =	task.clear_ibuf [dreg:s22], $0x5FFFF;
	_ =	strace $0x90000055  }
0xc1: {  	s29 =	simm.s32 $0xC;
	_ =	strace $0x80000057  }
0xc2: {  	_ =	swait.ge [sflag:s29], $0x1  }
0xc3: {  	[sflag:s29] =	ssyncadd.s32 $0xFFFFFFFF  }
0xc4: {  	_ =	strace $0x90000057  }
0xc5: {  	_ =	sfence  }
0xc6: {  	s30 =	sld [smem:$0x0];
	_ =	sdelay $0x2  }
0xc7: {  	s31 =	sshll.u32 s1, $0xD;
	s1 =	sshrl.u32 s1, $0x2  }
0xc8: {  	s4 =	sand.u32 $0x4000, s31;
	s1 =	sadd.s32 s1, s30  }
0xc9: {  	s0 =	sor.u32 s4, s0;
	s1 =	sshll.u32 s1, $0x11  }
0xca: {  	s0 =	sor.u32 s1, s0  }
0xcb: {  	s0 =	sadd.s32 $0x8F2B, s0  }
0xcc: {  	[sflag:s0] =	ssyncadd.remote.s32 $0x1  }
0xcd: {  	_ =	sfence.sel $0xFFFF  }
0xce: {  	[dreg:$0x0] =	wrdreg $0xFFFFFFFF;
	(pc) =	sbr.abs _section_cstart, $3  }
0xcf: {  	[dreg:$0x1] =	wrdreg $0xFFFFFFFF  }
0xd0: {  	_ =	task.clear_ibuf [dreg:s22], $0x2FFFF;
	_ =	strace $0x9FFFFFFF  }
0xd1: {  	(tm) =	ssettm $0x7FFFFFFF  }
tec
execute0_lowered:
.L_overlay_start_1:
0x0: {  	(tag) =	ssettag $0x1  }
0x1: {  	s2 =	rddreg [dreg:$0x0]  }
0x2: {  	s1 =	srdreg.scid;
	s0 =	stileid.u32  }
0x3: {  	s4 =	rddreg [dreg:$0x1];
	s3 =	simm.s32 $0x0;
	s12 =	simm.s32 $0x1  }
0x4: {  	s13 =	simm.s32 $0x0;
	s5 =	sand.u32 $0x1, s1;
	s1 =	rddreg [dreg:$0x2]  }
0x5: {  	s6 =	sshll.u32 s0, $0x1;
	[smem:$0x7FF] =	sst s3;
	s10 =	smul.u32 $0x1CC00, s0  }
0x6: {  	s11 =	sadd.s32 $0x59AA00, s4;
	s6 =	sor.u32 s5, s6;
	s30 =	smul.u32 $0xE600, s5  }
0x7: {  	_ =	strace $0x80000056;
	s8 =	ssub.s32 $0x2, s5;
	s7 =	smul.u32 $0xE60, s6  }
0x8: {  	s6 =	smul.u32 $0xE600, s6;
	s9 =	sshrl.u32 s8, $0x1;
	s31 =	sadd.s32 s10, s11  }
0x9: {  	s10 =	simm.s32 $0x3680;
	s8 =	ssub.s32 s8, s9;
	s9 =	simm.s32 $0xE80  }
0xa: {  	s7 =	sshrl.u32 s7, $0x3;
	s6 =	sadd.s32 s11, s6;
	s5 =	smax.u32 s8, $0x1  }
0xb: {  	s8 =	simm.s32 $0x2;
	s11 =	simm.s32 $0x50;
	s7 =	sadd.s32 s7, s4  }
0xc: {  	s6 =	sadd.s32 $0xE100, s6;
	s4 =	sadd.s32 $0x26200, s7;
	s7 =	sadd.s32 s30, s31  }
.LBB2_1:
0xd: {  	[tilespmem:s3], [sflag:$0x2] =	stream.linear.gather [hbm4b:s4+s3], $0xE60, $0x38;
	[tilespmem:$0x5E80] =	vst v63  }
0xe: {  	_ =	swait.ge [sflag:s8], $0xE60  }
0xf: {  	s14 =	sand.u32 $0x1, s12;
	[sflag:s8] =	ssyncset.done $0x0  }
0x10: {  	p0 =	seq.s32 s14, $0x1;
	s14 =	simm.s32 $0x3680;
	[sflag:s8] =	ssyncadd.s32 $0xFFFFF1A0  }
0x11: {  	[tilespmem:s9], [sflag:$0x1] =	stream.indirect.gather [hbm4b:s2+s11], $0x80, s3, s11, $0xb8;
	[tilespmem:$0x5E80] =	vst v63  }
0x12: {  	s14 =	simm.s32 @!p0 $0xE80  }
0x13: {  	[tilespmem:s14], [sflag:$0x1] =	stream.indirect.gather [hbm4b:s2+s11], $0x80, s11, s11, $0xb8;
	[tilespmem:$0x5E80] =	vst v63  }
0x14: {  	_ =	swait.ge [sflag:s12], $0x2800  }
0x15: {  	s31 =	simm.s32 $0x2;
	s15 =	simm.s32 $0xE80;
	[sflag:s12] =	ssyncset.done $0x0  }
0x16: {  	s15 =	simm.s32 @!p0 $0x3680;
	s14 =	sand.u32 $0x1, s31;
	[sflag:s12] =	ssyncadd.s32 $0xFFFFD800  }
0x17: {  	[hbm4b:s7+s3] =	stream.linear.scatter [tilespmem:s15], [sflag:$0x2], $0x2800, $0x38;
	[tilespmem:$0x5E80] =	vst v63  }
0x18: {  	s16 =	simm.s32 $0x3;
	p0 =	seq.s32 s14, $0x1;
	_ =	swait.ge [sflag:s8], $0x2800  }
0x19: {  	s14 =	sadd.s32 $0x500, s7;
	s15 =	simm.s32 $0xA0;
	[sflag:s8] =	ssyncset.done $0x0  }
.LBB2_2:
0x1a: {  	s17 =	simm.s32 $0x3680;
	[sflag:s8] =	ssyncadd.s32 $0xFFFFD800  }
0x1b: {  	s18 =	smov.u32 s16;
	s19 =	sadd.s32 $0x1, s16;
	s17 =	simm.s32 @!p0 $0xE80  }
0x1c: {  	[tilespmem:s17], [sflag:$0x1] =	stream.indirect.gather [hbm4b:s2+s11], $0x80, s15, s11, $0xb8;
	[tilespmem:$0x5E80] =	vst v63  }
0x1d: {  	p1 =	sne.s32 s16, $0x2D;
	_ =	swait.ge [sflag:s12], $0x2800  }
.Ltmp0:
0x1e: {  	s16 =	simm.s32 $0xE80;
	[sflag:s12] =	ssyncset.done $0x0;
	(pc) =	sbr.rel @p1 .LBB2_2-.Ltmp0, $4  }
0x1f: {  	s16 =	simm.s32 @!p0 $0x3680;
	s15 =	sadd.s32 $0x50, s15;
	[sflag:s12] =	ssyncadd.s32 $0xFFFFD800  }
0x20: {  	[hbm4b:s14+s3] =	stream.linear.scatter [tilespmem:s16], [sflag:$0x2], $0x2800, $0x38;
	[tilespmem:$0x5E80] =	vst v63  }
0x21: {  	s16 =	sand.u32 $0x1, s18;
	s14 =	sadd.s32 $0x500, s14;
	_ =	swait.ge [sflag:s8], $0x2800  }
0x22: {  	p0 =	seq.s32 s16, $0x1;
	s16 =	smov.u32 s19;
	[sflag:s8] =	ssyncset.done $0x0  }
0x23: {  	s16 =	simm.s32 $0x3680  }
0x24: {  	[sflag:s8] =	ssyncadd.s32 $0xFFFFD800;
	s16 =	simm.s32 @!p0 $0xE80  }
0x25: {  	[tilespmem:s16], [sflag:$0x1] =	stream.indirect.gather [hbm4b:s2+s11], $0x80, s15, s11, $0xb8;
	[tilespmem:$0x5E80] =	vst v63  }
0x26: {  	_ =	swait.ge [sflag:s12], $0x2800  }
0x27: {  	s15 =	simm.s32 $0xE80;
	[sflag:s12] =	ssyncset.done $0x0  }
0x28: {  	s15 =	simm.s32 @!p0 $0x3680;
	[sflag:s12] =	ssyncadd.s32 $0xFFFFD800  }
0x29: {  	[hbm4b:s14+s3] =	stream.linear.scatter [tilespmem:s15], [sflag:$0x2], $0x2800, $0x38;
	[tilespmem:$0x5E80] =	vst v63  }
0x2a: {  	_ =	swait.ge [sflag:s8], $0x2800  }
0x2b: {  	[sflag:s8] =	ssyncset.done $0x0  }
0x2c: {  	[sflag:s8] =	ssyncadd.s32 $0xFFFFD800  }
0x2d: {  	s13 =	sadd.s32 $0x1, s13;
	_ =	swait.ge [sflag:s12], $0x2800  }
0x2e: {  	p0 =	sne.s32 s13, s5;
	[sflag:s12] =	ssyncset.done $0x0  }
.Ltmp1:
0x2f: {  	[sflag:s12] =	ssyncadd.s32 $0xFFFFD800;
	(pc) =	sbr.rel @p0 .LBB2_1-.Ltmp1, $4  }
0x30: {  	[hbm4b:s6+s3] =	stream.linear.scatter [tilespmem:s10], [sflag:$0x2], $0x2800, $0x38;
	[tilespmem:$0x5E80] =	vst v63  }
0x31: {  	_ =	swait.ge [sflag:s8], $0x2800  }
0x32: {  	[sflag:s8] =	ssyncset.done $0x0  }
0x33: {  	[sflag:s8] =	ssyncadd.s32 $0xFFFFD800  }
0x34: {  	_ =	sfence.sel $0x180000  }
0x35: {  	[bflag:$0x0] =	sbarrier.arrive $0xFFFF  }
0x36: {  	p0 =	sne.s32 s0, $0x0;
	_ =	strace $0x90000056  }
0x37: {  	s0 =	sadd.s32 @!p0 $0x100000, s1;
	[bflag:$0x2] =	sbarrier.arrive $0xFFFF  }
0x38: {  	[sflag:s0] =	ssyncadd.tile.s32 @!p0 $0x1;
	_ =	shalt  }
.Lfunc_end2:
_tile_overlayer_lowered:
.L_overlay_start_2:
0x39: {  	(tag) =	ssettag $0x2  }
0x3a: {  	s0 =	rddreg [dreg:$0x0];
	s2 =	stileid.u32  }
0x3b: {  	s1 =	rddreg [dreg:$0x1];
	p0 =	sne.s32 s2, $0x0  }
0x3c: {  	s3 =	rddreg [dreg:$0x2];
	[bflag:$0x3] =	sbarrier.arrive $0xFFFF;
	s2 =	simm.s32 @!p0 $0x1C02  }
0x3d: {  	[timem:s3], [sflag:s2] =	dma.local @!p0 [hbm:s0], s1  }
0x3e: {  	s0 =	simm.s32 @!p0 $0x2  }
0x3f: {  	_ =	swait.ge @!p0 [sflag:s0], s1  }
0x40: {  	s1 =	ssub.s32 @!p0 $0x0, s1;
	[sflag:s0] =	ssyncset.done @!p0 $0x0  }
0x41: {  	[sflag:s0] =	ssyncadd.s32 @!p0 s1  }
0x42: {  	[bflag:$0x3] =	sbarrier.arrive $0xFFFF  }
0x43: {  	_ =	shalt  }

</sc_bundles>
